<compile_context>
chip_gen: v7x
topology: tpu7x:2x2x1
jax: 0.10.2.dev20260603
libtpu: 0.0.44.dev20260713+nightly
codegen_flags: <defaults>
</compile_context>

<pallas_src>
import functools

import jax
import jax.numpy as jnp
from jax import lax
from jax.experimental import pallas as pl
from jax.experimental.pallas import tpu as pltpu
from jax.experimental.pallas import tpu_sc as plsc

_NC = 2
_NS = 16
_NW = _NC * _NS

_EMBED = 64
_LANE = 128
_OUT = 512

_IDXW = 128
_SUB = 4
_CHUNK = _IDXW * _SUB
_CHUNK_TOKENS = (32768, 98304, 229376, 229376, 229376)


def _gather_kernel(n_tokens: int, idx, table128):
    b_per_w = n_tokens // _NW
    n_chunks = b_per_w // _CHUNK
    mesh = plsc.VectorSubcoreMesh(core_axis_name="c", subcore_axis_name="s")

    @functools.partial(
        pl.kernel,
        out_type=jax.ShapeDtypeStruct((n_tokens, _LANE), jnp.float32),
        mesh=mesh,
        scratch_types=[
            pltpu.VMEM((_SUB, _IDXW), jnp.int32),
            pltpu.VMEM((_CHUNK, _LANE), jnp.float32),
            pltpu.SemaphoreType.DMA,
        ],
    )
    def gk(idx_hbm, table_hbm, out_hbm, idx_v, rows_v, sem):
        wid = lax.axis_index("s") * _NC + lax.axis_index("c")
        w_base = wid * b_per_w

        def body(i, carry):
            base = w_base + i * _CHUNK
            pltpu.sync_copy(
                idx_hbm.at[pl.ds(pl.multiple_of(base // _IDXW, _SUB), _SUB)],
                idx_v.at[...],
            )
            for j in range(_SUB):
                pltpu.async_copy(
                    table_hbm.at[idx_v.at[j]],
                    rows_v.at[pl.ds(j * _IDXW, _IDXW)],
                    sem,
                )
            for j in range(_SUB):
                pltpu.make_async_copy(
                    table_hbm.at[idx_v.at[j]],
                    rows_v.at[pl.ds(j * _IDXW, _IDXW)],
                    sem,
                ).wait()
            pltpu.sync_copy(rows_v.at[...], out_hbm.at[pl.ds(base, _CHUNK)])
            return carry

        lax.fori_loop(0, n_chunks, body, 0, unroll=False)

    return gk(idx.reshape(n_tokens // _IDXW, _IDXW), table128)


def _transpose_pad_kernel(tableT, n_rows: int, bn: int):

    def tk(t_ref, o_ref):
        t = jnp.transpose(t_ref[...], (1, 0))
        o_ref[...] = jnp.concatenate([t, t], axis=1)

    grid = (n_rows + bn - 1) // bn
    return pl.pallas_call(
        tk,
        grid=(grid,),
        in_specs=[pl.BlockSpec((_EMBED, bn), lambda i: (0, i))],
        out_specs=pl.BlockSpec((bn, _LANE), lambda i: (i, 0)),
        out_shape=jax.ShapeDtypeStruct((n_rows, _LANE), jnp.float32),
    )(tableT)


def _matmul_chunk(prev, emb_c, W, b2d, n_tokens: int, blk_base: int, bm: int):

    def mk(p_ref, e_ref, w_ref, b_ref, o_ref):
        del p_ref
        acc = jnp.dot(
            e_ref[:, :_EMBED], w_ref[...], preferred_element_type=jnp.float32
        )
        o_ref[...] = jnp.maximum(acc + b_ref[...], 0.0)

    chunk_rows = emb_c.shape[0]
    emb_specs = [
        pl.BlockSpec((bm, _LANE), lambda i: (i, 0)),
        pl.BlockSpec((_EMBED, _OUT), lambda i: (0, 0)),
        pl.BlockSpec((1, _OUT), lambda i: (0, 0)),
    ]
    if prev is None:
        def mk0(e_ref, w_ref, b_ref, o_ref):
            mk(None, e_ref, w_ref, b_ref, o_ref)

        body, in_specs, args, aliases = mk0, emb_specs, (emb_c, W, b2d), {}
    else:
        body = mk
        in_specs = [pl.BlockSpec(memory_space=pltpu.MemorySpace.HBM)] + emb_specs
        args = (prev, emb_c, W, b2d)
        aliases = {0: 0}
    return pl.pallas_call(
        body,
        grid=(chunk_rows // bm,),
        in_specs=in_specs,
        out_specs=pl.BlockSpec((bm, _OUT), lambda i: (i + blk_base, 0)),
        out_shape=jax.ShapeDtypeStruct((n_tokens, _OUT), jnp.float32),
        input_output_aliases=aliases,
    )(*args)


def kernel(x, table, W, b):
    batch, hist = x.shape
    n_tokens = batch * hist
    n_rows = table.shape[0]
    idx = jnp.transpose(x).reshape(n_tokens)
    table128 = _transpose_pad_kernel(jnp.transpose(table), n_rows, 16384)
    b2d = b.reshape(1, _OUT)
    bm = 4096
    bases = [sum(_CHUNK_TOKENS[:c]) for c in range(len(_CHUNK_TOKENS))]
    embs = [
        _gather_kernel(
            ct, lax.slice(idx, (base,), (base + ct,)), table128
        )
        for base, ct in zip(bases, _CHUNK_TOKENS)
    ]
    out = None
    for base, emb_c in zip(bases, embs):
        out = _matmul_chunk(out, emb_c, W, b2d, n_tokens, base // bm, bm)
    return jnp.transpose(out.reshape(hist, batch, _OUT), (1, 0, 2))

# --- scband reference (transcript-rebuilt; emitter-appended) ---
"""Pipeline reference for scband-site-encoder-31430570672345 (READ-ONLY COPY).

The authoritative reference and input builder live on the scoring server;
editing this copy changes nothing except your own understanding.
"""

import jax, jax.numpy as jnp
import numpy as np

NUM_SITES = 1000000
EMBED_DIM = 64
OUT_DIM = 512
BATCH = 16384
HIST = 50

def setup_inputs(seed: int = 0) -> dict:
    key = jax.random.key(seed)
    k1, k2, k3, k4 = jax.random.split(key, 4)
    x = jax.random.randint(k1, (BATCH, HIST), 0, NUM_SITES, dtype=jnp.int64 if jax.config.jax_enable_x64 else jnp.int32).astype(jnp.int32)
    table = jax.random.normal(k2, (NUM_SITES, EMBED_DIM), dtype=jnp.float32) * 0.02
    W = jax.random.normal(k3, (EMBED_DIM, OUT_DIM), dtype=jnp.float32) * (1.0 / np.sqrt(EMBED_DIM))
    b = jax.random.normal(k4, (OUT_DIM,), dtype=jnp.float32) * 0.01
    return {"x": x, "table": table, "W": W, "b": b}

def reference(x, table, W, b):
    # nn.Embedding lookup -> gather rows
    emb = jnp.take(table, x, axis=0)            # [B, L, E]
    # nn.Linear(embedding_dim, 512)
    h = jnp.dot(emb, W) + b                     # [B, L, 512]
    # ReLU
    return jax.nn.relu(h)

if __name__ == "__main__":
    import jax
    _d = setup_inputs()
    print(jax.jit(kernel)(*tuple(_d.values())))

</pallas_src>

<mosaic_0001>
#map = affine_map<(d0, d1) -> (0, 0)>
module attributes {stable_mosaic.version = 14 : i64} {
  func.func @gk(%arg0: i32, %arg1: i32, %arg2: memref<768x128xi32, #tpu.memory_space<hbm>>, %arg3: memref<1000000x128xf32, #tpu.memory_space<hbm>>, %arg4: memref<98304x128xf32, #tpu.memory_space<hbm>>, %arg5: memref<4x128xi32, #tpu.memory_space<vmem>>, %arg6: memref<512x128xf32, #tpu.memory_space<vmem>>, %arg7: memref<!tpu.dma_semaphore, #tpu.memory_space<semaphore_mem>>) attributes {dimension_semantics = [#tpu.dimension_semantics<core_parallel>, #tpu.dimension_semantics<subcore_parallel>], iteration_bounds = array<i64: 2, 16>, scalar_prefetch = 0 : i64, scratch_operands = 3 : i64, tpu.core_type = #tpu.core_type<sc_vector_subcore>, window_params = [{transform_indices = #map}, {transform_indices = #map}, {transform_indices = #map}]} {
    %mul3A = arith.constant 2 : i32
    %mul3A_0 = arith.muli %arg1, %mul3A : i32
    %add3A = arith.addi %mul3A_0, %arg0 : i32
    %mul3A_1 = arith.constant 3072 : i32
    %mul3A_2 = arith.muli %add3A, %mul3A_1 : i32
    %scan3A = arith.constant 0 : i32
    %scan3A_3 = arith.constant 0 : i32
    %scan3A_4 = arith.constant 6 : i32
    %scan3A_5 = arith.addi %scan3A_3, %scan3A_4 : i32
    %scan3A_6 = arith.constant 1 : i32
    scf.for %scan3A_8 = %scan3A_3 to %scan3A_5 step %scan3A_6  : i32 {
      %mul3A_9 = arith.constant 512 : i32
      %mul3A_10 = arith.muli %scan3A_8, %mul3A_9 : i32
      %add3A_11 = arith.addi %mul3A_2, %mul3A_10 : i32
      %jit3A = arith.constant 128 : i32
      %div3A = arith.divsi %add3A_11, %jit3A : i32
      %sign3A = arith.constant 0 : i32
      %sign3A_12 = arith.cmpi sgt, %add3A_11, %sign3A : i32
      %sign3A_13 = arith.extui %sign3A_12 : i1 to i32
      %sign3A_14 = arith.constant 0 : i32
      %sign3A_15 = arith.cmpi slt, %add3A_11, %sign3A_14 : i32
      %sign3A_16 = arith.extui %sign3A_15 : i1 to i32
      %sign3A_17 = arith.subi %sign3A_13, %sign3A_16 : i32
      %sign3A_18 = arith.constant 0 : i32
      %sign3A_19 = arith.cmpi sgt, %jit3A, %sign3A_18 : i32
      %sign3A_20 = arith.extui %sign3A_19 : i1 to i32
      %sign3A_21 = arith.constant 0 : i32
      %sign3A_22 = arith.cmpi slt, %jit3A, %sign3A_21 : i32
      %sign3A_23 = arith.extui %sign3A_22 : i1 to i32
      %sign3A_24 = arith.subi %sign3A_20, %sign3A_23 : i32
      %ne3A = arith.cmpi ne, %sign3A_17, %sign3A_24 : i32
      %rem3A = arith.remsi %add3A_11, %jit3A : i32
      %ne3A_25 = arith.constant 0 : i32
      %ne3A_26 = arith.cmpi ne, %rem3A, %ne3A_25 : i32
      %and3A = arith.andi %ne3A, %ne3A_26 : i1
      %sub3A = arith.constant 1 : i32
      %sub3A_27 = arith.subi %div3A, %sub3A : i32
      %select_n3A = arith.select %and3A, %sub3A_27, %div3A : i32
      %multiple_of3A = tpu.assume_multiple %select_n3A, 4 : i32
      "tpu.region"() ({
        %run_scoped3A = tpu.sem_alloc : memref<!tpu.dma_semaphore, #tpu.memory_space<semaphore_mem>>
        %dma_start3A_106 = arith.constant 0 : i32
        %dma_start3A_107 = arith.constant 0 : i32
        %dma_start3A_108 = tpu.memref_slice %arg5[%dma_start3A_106, %dma_start3A_107] : memref<4x128xi32, #tpu.memory_space<vmem>> -> memref<4x128xi32, #tpu.memory_space<vmem>>
        %dma_start3A_109 = arith.constant 0 : i32
        %dma_start3A_110 = tpu.memref_slice %arg2[%multiple_of3A, %dma_start3A_109] : memref<768x128xi32, #tpu.memory_space<hbm>> -> memref<4x128xi32, #tpu.memory_space<hbm>>
        %dma_start3A_111 = arith.constant 0 : i32
        %dma_start3A_112 = arith.constant 0 : i32
        %dma_start3A_113 = tpu.memref_slice %arg5[%dma_start3A_111, %dma_start3A_112] : memref<4x128xi32, #tpu.memory_space<vmem>> -> memref<4x128xi32, #tpu.memory_space<vmem>>
        %dma_start3A_114 = arith.constant 0 : i32
        %dma_start3A_115 = tpu.memref_slice %arg2[%multiple_of3A, %dma_start3A_114] : memref<768x128xi32, #tpu.memory_space<hbm>> -> memref<4x128xi32, #tpu.memory_space<hbm>>
        tpu.enqueue_dma source(%dma_start3A_115 : memref<4x128xi32, #tpu.memory_space<hbm>>) target(%dma_start3A_113 : memref<4x128xi32, #tpu.memory_space<vmem>>) target_semaphore(%run_scoped3A : memref<!tpu.dma_semaphore, #tpu.memory_space<semaphore_mem>>)
        %dma_wait3A_116 = arith.constant 0 : i32
        %dma_wait3A_117 = arith.constant 0 : i32
        %dma_wait3A_118 = tpu.memref_slice %arg5[%dma_wait3A_116, %dma_wait3A_117] : memref<4x128xi32, #tpu.memory_space<vmem>> -> memref<4x128xi32, #tpu.memory_space<vmem>>
        %dma_wait3A_119 = arith.constant 0 : i32
        %dma_wait3A_120 = tpu.memref_slice %arg2[%multiple_of3A, %dma_wait3A_119] : memref<768x128xi32, #tpu.memory_space<hbm>> -> memref<4x128xi32, #tpu.memory_space<hbm>>
        %dma_wait3A_121 = arith.constant 0 : i32
        %dma_wait3A_122 = arith.constant 0 : i32
        %dma_wait3A_123 = tpu.memref_slice %arg5[%dma_wait3A_121, %dma_wait3A_122] : memref<4x128xi32, #tpu.memory_space<vmem>> -> memref<4x128xi32, #tpu.memory_space<vmem>>
        %dma_wait3A_124 = arith.constant 0 : i32
        %dma_wait3A_125 = tpu.memref_slice %arg2[%multiple_of3A, %dma_wait3A_124] : memref<768x128xi32, #tpu.memory_space<hbm>> -> memref<4x128xi32, #tpu.memory_space<hbm>>
        tpu.wait_dma2 semaphore(%run_scoped3A : memref<!tpu.dma_semaphore, #tpu.memory_space<semaphore_mem>>) src(%dma_wait3A_125 : memref<4x128xi32, #tpu.memory_space<hbm>>) dst(%dma_wait3A_123 : memref<4x128xi32, #tpu.memory_space<vmem>>)
        tpu.yield
      }) : () -> ()
      %dma_start3A = arith.constant 0 : i32
      %dma_start3A_28 = arith.constant 0 : i32
      %dma_start3A_29 = arith.constant 0 : i32
      %dma_start3A_30 = tpu.memref_slice %arg6[%dma_start3A_28, %dma_start3A_29] : memref<512x128xf32, #tpu.memory_space<vmem>> -> memref<128x128xf32, #tpu.memory_space<vmem>>
      %dma_start3A_31 = arith.constant 0 : i32
      %dma_start3A_32 = tpu.memref_slice %arg5[%dma_start3A, %dma_start3A_31] : memref<4x128xi32, #tpu.memory_space<vmem>> -> memref<1x128xi32, #tpu.memory_space<vmem>>
      %dma_start3A_33 = tpu.memref_squeeze %dma_start3A_32 : memref<1x128xi32, #tpu.memory_space<vmem>> -> memref<128xi32, #tpu.memory_space<vmem>>
      %dma_start3A_34 = arith.constant 0 : i32
      %dma_start3A_35 = arith.constant 0 : i32
      %dma_start3A_36 = tpu.memref_slice %arg3[%dma_start3A_34, %dma_start3A_35] : memref<1000000x128xf32, #tpu.memory_space<hbm>> -> memref<1000000x128xf32, #tpu.memory_space<hbm>>
      tpu.enqueue_indirect_dma source(%dma_start3A_36 : memref<1000000x128xf32, #tpu.memory_space<hbm>>) target(%dma_start3A_30 : memref<128x128xf32, #tpu.memory_space<vmem>>) offsets(%dma_start3A_33 : memref<128xi32, #tpu.memory_space<vmem>>) semaphore(%arg7 : memref<!tpu.dma_semaphore, #tpu.memory_space<semaphore_mem>>)
      %dma_start3A_37 = arith.constant 1 : i32
      %dma_start3A_38 = arith.constant 128 : i32
      %dma_start3A_39 = arith.constant 0 : i32
      %dma_start3A_40 = tpu.memref_slice %arg6[%dma_start3A_38, %dma_start3A_39] : memref<512x128xf32, #tpu.memory_space<vmem>> -> memref<128x128xf32, #tpu.memory_space<vmem>>
      %dma_start3A_41 = arith.constant 0 : i32
      %dma_start3A_42 = tpu.memref_slice %arg5[%dma_start3A_37, %dma_start3A_41] : memref<4x128xi32, #tpu.memory_space<vmem>> -> memref<1x128xi32, #tpu.memory_space<vmem>>
      %dma_start3A_43 = tpu.memref_squeeze %dma_start3A_42 : memref<1x128xi32, #tpu.memory_space<vmem>> -> memref<128xi32, #tpu.memory_space<vmem>>
      %dma_start3A_44 = arith.constant 0 : i32
      %dma_start3A_45 = arith.constant 0 : i32
      %dma_start3A_46 = tpu.memref_slice %arg3[%dma_start3A_44, %dma_start3A_45] : memref<1000000x128xf32, #tpu.memory_space<hbm>> -> memref<1000000x128xf32, #tpu.memory_space<hbm>>
      tpu.enqueue_indirect_dma source(%dma_start3A_46 : memref<1000000x128xf32, #tpu.memory_space<hbm>>) target(%dma_start3A_40 : memref<128x128xf32, #tpu.memory_space<vmem>>) offsets(%dma_start3A_43 : memref<128xi32, #tpu.memory_space<vmem>>) semaphore(%arg7 : memref<!tpu.dma_semaphore, #tpu.memory_space<semaphore_mem>>)
      %dma_start3A_47 = arith.constant 2 : i32
      %dma_start3A_48 = arith.constant 256 : i32
      %dma_start3A_49 = arith.constant 0 : i32
      %dma_start3A_50 = tpu.memref_slice %arg6[%dma_start3A_48, %dma_start3A_49] : memref<512x128xf32, #tpu.memory_space<vmem>> -> memref<128x128xf32, #tpu.memory_space<vmem>>
      %dma_start3A_51 = arith.constant 0 : i32
      %dma_start3A_52 = tpu.memref_slice %arg5[%dma_start3A_47, %dma_start3A_51] : memref<4x128xi32, #tpu.memory_space<vmem>> -> memref<1x128xi32, #tpu.memory_space<vmem>>
      %dma_start3A_53 = tpu.memref_squeeze %dma_start3A_52 : memref<1x128xi32, #tpu.memory_space<vmem>> -> memref<128xi32, #tpu.memory_space<vmem>>
      %dma_start3A_54 = arith.constant 0 : i32
      %dma_start3A_55 = arith.constant 0 : i32
      %dma_start3A_56 = tpu.memref_slice %arg3[%dma_start3A_54, %dma_start3A_55] : memref<1000000x128xf32, #tpu.memory_space<hbm>> -> memref<1000000x128xf32, #tpu.memory_space<hbm>>
      tpu.enqueue_indirect_dma source(%dma_start3A_56 : memref<1000000x128xf32, #tpu.memory_space<hbm>>) target(%dma_start3A_50 : memref<128x128xf32, #tpu.memory_space<vmem>>) offsets(%dma_start3A_53 : memref<128xi32, #tpu.memory_space<vmem>>) semaphore(%arg7 : memref<!tpu.dma_semaphore, #tpu.memory_space<semaphore_mem>>)
      %dma_start3A_57 = arith.constant 3 : i32
      %dma_start3A_58 = arith.constant 384 : i32
      %dma_start3A_59 = arith.constant 0 : i32
      %dma_start3A_60 = tpu.memref_slice %arg6[%dma_start3A_58, %dma_start3A_59] : memref<512x128xf32, #tpu.memory_space<vmem>> -> memref<128x128xf32, #tpu.memory_space<vmem>>
      %dma_start3A_61 = arith.constant 0 : i32
      %dma_start3A_62 = tpu.memref_slice %arg5[%dma_start3A_57, %dma_start3A_61] : memref<4x128xi32, #tpu.memory_space<vmem>> -> memref<1x128xi32, #tpu.memory_space<vmem>>
      %dma_start3A_63 = tpu.memref_squeeze %dma_start3A_62 : memref<1x128xi32, #tpu.memory_space<vmem>> -> memref<128xi32, #tpu.memory_space<vmem>>
      %dma_start3A_64 = arith.constant 0 : i32
      %dma_start3A_65 = arith.constant 0 : i32
      %dma_start3A_66 = tpu.memref_slice %arg3[%dma_start3A_64, %dma_start3A_65] : memref<1000000x128xf32, #tpu.memory_space<hbm>> -> memref<1000000x128xf32, #tpu.memory_space<hbm>>
      tpu.enqueue_indirect_dma source(%dma_start3A_66 : memref<1000000x128xf32, #tpu.memory_space<hbm>>) target(%dma_start3A_60 : memref<128x128xf32, #tpu.memory_space<vmem>>) offsets(%dma_start3A_63 : memref<128xi32, #tpu.memory_space<vmem>>) semaphore(%arg7 : memref<!tpu.dma_semaphore, #tpu.memory_space<semaphore_mem>>)
      %dma_wait3A = arith.constant 0 : i32
      %dma_wait3A_67 = arith.constant 0 : i32
      %dma_wait3A_68 = arith.constant 0 : i32
      %dma_wait3A_69 = tpu.memref_slice %arg6[%dma_wait3A_67, %dma_wait3A_68] : memref<512x128xf32, #tpu.memory_space<vmem>> -> memref<128x128xf32, #tpu.memory_space<vmem>>
      %dma_wait3A_70 = arith.constant 0 : i32
      %dma_wait3A_71 = tpu.memref_slice %arg5[%dma_wait3A, %dma_wait3A_70] : memref<4x128xi32, #tpu.memory_space<vmem>> -> memref<1x128xi32, #tpu.memory_space<vmem>>
      %dma_wait3A_72 = tpu.memref_squeeze %dma_wait3A_71 : memref<1x128xi32, #tpu.memory_space<vmem>> -> memref<128xi32, #tpu.memory_space<vmem>>
      %dma_wait3A_73 = arith.constant 0 : i32
      %dma_wait3A_74 = arith.constant 0 : i32
      %dma_wait3A_75 = tpu.memref_slice %arg3[%dma_wait3A_73, %dma_wait3A_74] : memref<1000000x128xf32, #tpu.memory_space<hbm>> -> memref<1000000x128xf32, #tpu.memory_space<hbm>>
      tpu.wait_indirect_dma semaphore(%arg7 : memref<!tpu.dma_semaphore, #tpu.memory_space<semaphore_mem>>) src(%dma_wait3A_75 : memref<1000000x128xf32, #tpu.memory_space<hbm>>) dst(%dma_wait3A_69 : memref<128x128xf32, #tpu.memory_space<vmem>>)
      %dma_wait3A_76 = arith.constant 1 : i32
      %dma_wait3A_77 = arith.constant 128 : i32
      %dma_wait3A_78 = arith.constant 0 : i32
      %dma_wait3A_79 = tpu.memref_slice %arg6[%dma_wait3A_77, %dma_wait3A_78] : memref<512x128xf32, #tpu.memory_space<vmem>> -> memref<128x128xf32, #tpu.memory_space<vmem>>
      %dma_wait3A_80 = arith.constant 0 : i32
      %dma_wait3A_81 = tpu.memref_slice %arg5[%dma_wait3A_76, %dma_wait3A_80] : memref<4x128xi32, #tpu.memory_space<vmem>> -> memref<1x128xi32, #tpu.memory_space<vmem>>
      %dma_wait3A_82 = tpu.memref_squeeze %dma_wait3A_81 : memref<1x128xi32, #tpu.memory_space<vmem>> -> memref<128xi32, #tpu.memory_space<vmem>>
      %dma_wait3A_83 = arith.constant 0 : i32
      %dma_wait3A_84 = arith.constant 0 : i32
      %dma_wait3A_85 = tpu.memref_slice %arg3[%dma_wait3A_83, %dma_wait3A_84] : memref<1000000x128xf32, #tpu.memory_space<hbm>> -> memref<1000000x128xf32, #tpu.memory_space<hbm>>
      tpu.wait_indirect_dma semaphore(%arg7 : memref<!tpu.dma_semaphore, #tpu.memory_space<semaphore_mem>>) src(%dma_wait3A_85 : memref<1000000x128xf32, #tpu.memory_space<hbm>>) dst(%dma_wait3A_79 : memref<128x128xf32, #tpu.memory_space<vmem>>)
      %dma_wait3A_86 = arith.constant 2 : i32
      %dma_wait3A_87 = arith.constant 256 : i32
      %dma_wait3A_88 = arith.constant 0 : i32
      %dma_wait3A_89 = tpu.memref_slice %arg6[%dma_wait3A_87, %dma_wait3A_88] : memref<512x128xf32, #tpu.memory_space<vmem>> -> memref<128x128xf32, #tpu.memory_space<vmem>>
      %dma_wait3A_90 = arith.constant 0 : i32
      %dma_wait3A_91 = tpu.memref_slice %arg5[%dma_wait3A_86, %dma_wait3A_90] : memref<4x128xi32, #tpu.memory_space<vmem>> -> memref<1x128xi32, #tpu.memory_space<vmem>>
      %dma_wait3A_92 = tpu.memref_squeeze %dma_wait3A_91 : memref<1x128xi32, #tpu.memory_space<vmem>> -> memref<128xi32, #tpu.memory_space<vmem>>
      %dma_wait3A_93 = arith.constant 0 : i32
      %dma_wait3A_94 = arith.constant 0 : i32
      %dma_wait3A_95 = tpu.memref_slice %arg3[%dma_wait3A_93, %dma_wait3A_94] : memref<1000000x128xf32, #tpu.memory_space<hbm>> -> memref<1000000x128xf32, #tpu.memory_space<hbm>>
      tpu.wait_indirect_dma semaphore(%arg7 : memref<!tpu.dma_semaphore, #tpu.memory_space<semaphore_mem>>) src(%dma_wait3A_95 : memref<1000000x128xf32, #tpu.memory_space<hbm>>) dst(%dma_wait3A_89 : memref<128x128xf32, #tpu.memory_space<vmem>>)
      %dma_wait3A_96 = arith.constant 3 : i32
      %dma_wait3A_97 = arith.constant 384 : i32
      %dma_wait3A_98 = arith.constant 0 : i32
      %dma_wait3A_99 = tpu.memref_slice %arg6[%dma_wait3A_97, %dma_wait3A_98] : memref<512x128xf32, #tpu.memory_space<vmem>> -> memref<128x128xf32, #tpu.memory_space<vmem>>
      %dma_wait3A_100 = arith.constant 0 : i32
      %dma_wait3A_101 = tpu.memref_slice %arg5[%dma_wait3A_96, %dma_wait3A_100] : memref<4x128xi32, #tpu.memory_space<vmem>> -> memref<1x128xi32, #tpu.memory_space<vmem>>
      %dma_wait3A_102 = tpu.memref_squeeze %dma_wait3A_101 : memref<1x128xi32, #tpu.memory_space<vmem>> -> memref<128xi32, #tpu.memory_space<vmem>>
      %dma_wait3A_103 = arith.constant 0 : i32
      %dma_wait3A_104 = arith.constant 0 : i32
      %dma_wait3A_105 = tpu.memref_slice %arg3[%dma_wait3A_103, %dma_wait3A_104] : memref<1000000x128xf32, #tpu.memory_space<hbm>> -> memref<1000000x128xf32, #tpu.memory_space<hbm>>
      tpu.wait_indirect_dma semaphore(%arg7 : memref<!tpu.dma_semaphore, #tpu.memory_space<semaphore_mem>>) src(%dma_wait3A_105 : memref<1000000x128xf32, #tpu.memory_space<hbm>>) dst(%dma_wait3A_99 : memref<128x128xf32, #tpu.memory_space<vmem>>)
      "tpu.region"() ({
        %run_scoped3A = tpu.sem_alloc : memref<!tpu.dma_semaphore, #tpu.memory_space<semaphore_mem>>
        %dma_start3A_106 = arith.constant 0 : i32
        %dma_start3A_107 = arith.constant 0 : i32
        %dma_start3A_108 = tpu.memref_slice %arg6[%dma_start3A_106, %dma_start3A_107] : memref<512x128xf32, #tpu.memory_space<vmem>> -> memref<512x128xf32, #tpu.memory_space<vmem>>
        %dma_start3A_109 = arith.constant 0 : i32
        %dma_start3A_110 = tpu.memref_slice %arg4[%add3A_11, %dma_start3A_109] : memref<98304x128xf32, #tpu.memory_space<hbm>> -> memref<512x128xf32, #tpu.memory_space<hbm>>
        %dma_start3A_111 = arith.constant 0 : i32
        %dma_start3A_112 = tpu.memref_slice %arg4[%add3A_11, %dma_start3A_111] : memref<98304x128xf32, #tpu.memory_space<hbm>> -> memref<512x128xf32, #tpu.memory_space<hbm>>
        %dma_start3A_113 = arith.constant 0 : i32
        %dma_start3A_114 = arith.constant 0 : i32
        %dma_start3A_115 = tpu.memref_slice %arg6[%dma_start3A_113, %dma_start3A_114] : memref<512x128xf32, #tpu.memory_space<vmem>> -> memref<512x128xf32, #tpu.memory_space<vmem>>
        tpu.enqueue_dma source(%dma_start3A_115 : memref<512x128xf32, #tpu.memory_space<vmem>>) target(%dma_start3A_112 : memref<512x128xf32, #tpu.memory_space<hbm>>) target_semaphore(%run_scoped3A : memref<!tpu.dma_semaphore, #tpu.memory_space<semaphore_mem>>)
        %dma_wait3A_116 = arith.constant 0 : i32
        %dma_wait3A_117 = arith.constant 0 : i32
        %dma_wait3A_118 = tpu.memref_slice %arg6[%dma_wait3A_116, %dma_wait3A_117] : memref<512x128xf32, #tpu.memory_space<vmem>> -> memref<512x128xf32, #tpu.memory_space<vmem>>
        %dma_wait3A_119 = arith.constant 0 : i32
        %dma_wait3A_120 = tpu.memref_slice %arg4[%add3A_11, %dma_wait3A_119] : memref<98304x128xf32, #tpu.memory_space<hbm>> -> memref<512x128xf32, #tpu.memory_space<hbm>>
        %dma_wait3A_121 = arith.constant 0 : i32
        %dma_wait3A_122 = tpu.memref_slice %arg4[%add3A_11, %dma_wait3A_121] : memref<98304x128xf32, #tpu.memory_space<hbm>> -> memref<512x128xf32, #tpu.memory_space<hbm>>
        %dma_wait3A_123 = arith.constant 0 : i32
        %dma_wait3A_124 = arith.constant 0 : i32
        %dma_wait3A_125 = tpu.memref_slice %arg6[%dma_wait3A_123, %dma_wait3A_124] : memref<512x128xf32, #tpu.memory_space<vmem>> -> memref<512x128xf32, #tpu.memory_space<vmem>>
        tpu.wait_dma2 semaphore(%run_scoped3A : memref<!tpu.dma_semaphore, #tpu.memory_space<semaphore_mem>>) src(%dma_wait3A_125 : memref<512x128xf32, #tpu.memory_space<vmem>>) dst(%dma_wait3A_122 : memref<512x128xf32, #tpu.memory_space<hbm>>)
        tpu.yield
      }) : () -> ()
    }
    %scan3A_7 = arith.constant 6 : i32
    return
  }
}

#map = affine_map<(d0, d1) -> (0, 0)>
module attributes {stable_mosaic.version = 14 : i64} {
  func.func @gk(%arg0: i32, %arg1: i32, %arg2: memref<1792x128xi32, #tpu.memory_space<hbm>>, %arg3: memref<1000000x128xf32, #tpu.memory_space<hbm>>, %arg4: memref<229376x128xf32, #tpu.memory_space<hbm>>, %arg5: memref<4x128xi32, #tpu.memory_space<vmem>>, %arg6: memref<512x128xf32, #tpu.memory_space<vmem>>, %arg7: memref<!tpu.dma_semaphore, #tpu.memory_space<semaphore_mem>>) attributes {dimension_semantics = [#tpu.dimension_semantics<core_parallel>, #tpu.dimension_semantics<subcore_parallel>], iteration_bounds = array<i64: 2, 16>, scalar_prefetch = 0 : i64, scratch_operands = 3 : i64, tpu.core_type = #tpu.core_type<sc_vector_subcore>, window_params = [{transform_indices = #map}, {transform_indices = #map}, {transform_indices = #map}]} {
    %mul3A = arith.constant 2 : i32
    %mul3A_0 = arith.muli %arg1, %mul3A : i32
    %add3A = arith.addi %mul3A_0, %arg0 : i32
    %mul3A_1 = arith.constant 7168 : i32
    %mul3A_2 = arith.muli %add3A, %mul3A_1 : i32
    %scan3A = arith.constant 0 : i32
    %scan3A_3 = arith.constant 0 : i32
    %scan3A_4 = arith.constant 14 : i32
    %scan3A_5 = arith.addi %scan3A_3, %scan3A_4 : i32
    %scan3A_6 = arith.constant 1 : i32
    scf.for %scan3A_8 = %scan3A_3 to %scan3A_5 step %scan3A_6  : i32 {
      %mul3A_9 = arith.constant 512 : i32
      %mul3A_10 = arith.muli %scan3A_8, %mul3A_9 : i32
      %add3A_11 = arith.addi %mul3A_2, %mul3A_10 : i32
      %jit3A = arith.constant 128 : i32
      %div3A = arith.divsi %add3A_11, %jit3A : i32
      %sign3A = arith.constant 0 : i32
      %sign3A_12 = arith.cmpi sgt, %add3A_11, %sign3A : i32
      %sign3A_13 = arith.extui %sign3A_12 : i1 to i32
      %sign3A_14 = arith.constant 0 : i32
      %sign3A_15 = arith.cmpi slt, %add3A_11, %sign3A_14 : i32
      %sign3A_16 = arith.extui %sign3A_15 : i1 to i32
      %sign3A_17 = arith.subi %sign3A_13, %sign3A_16 : i32
      %sign3A_18 = arith.constant 0 : i32
      %sign3A_19 = arith.cmpi sgt, %jit3A, %sign3A_18 : i32
      %sign3A_20 = arith.extui %sign3A_19 : i1 to i32
      %sign3A_21 = arith.constant 0 : i32
      %sign3A_22 = arith.cmpi slt, %jit3A, %sign3A_21 : i32
      %sign3A_23 = arith.extui %sign3A_22 : i1 to i32
      %sign3A_24 = arith.subi %sign3A_20, %sign3A_23 : i32
      %ne3A = arith.cmpi ne, %sign3A_17, %sign3A_24 : i32
      %rem3A = arith.remsi %add3A_11, %jit3A : i32
      %ne3A_25 = arith.constant 0 : i32
      %ne3A_26 = arith.cmpi ne, %rem3A, %ne3A_25 : i32
      %and3A = arith.andi %ne3A, %ne3A_26 : i1
      %sub3A = arith.constant 1 : i32
      %sub3A_27 = arith.subi %div3A, %sub3A : i32
      %select_n3A = arith.select %and3A, %sub3A_27, %div3A : i32
      %multiple_of3A = tpu.assume_multiple %select_n3A, 4 : i32
      "tpu.region"() ({
        %run_scoped3A = tpu.sem_alloc : memref<!tpu.dma_semaphore, #tpu.memory_space<semaphore_mem>>
        %dma_start3A_106 = arith.constant 0 : i32
        %dma_start3A_107 = arith.constant 0 : i32
        %dma_start3A_108 = tpu.memref_slice %arg5[%dma_start3A_106, %dma_start3A_107] : memref<4x128xi32, #tpu.memory_space<vmem>> -> memref<4x128xi32, #tpu.memory_space<vmem>>
        %dma_start3A_109 = arith.constant 0 : i32
        %dma_start3A_110 = tpu.memref_slice %arg2[%multiple_of3A, %dma_start3A_109] : memref<1792x128xi32, #tpu.memory_space<hbm>> -> memref<4x128xi32, #tpu.memory_space<hbm>>
        %dma_start3A_111 = arith.constant 0 : i32
        %dma_start3A_112 = arith.constant 0 : i32
        %dma_start3A_113 = tpu.memref_slice %arg5[%dma_start3A_111, %dma_start3A_112] : memref<4x128xi32, #tpu.memory_space<vmem>> -> memref<4x128xi32, #tpu.memory_space<vmem>>
        %dma_start3A_114 = arith.constant 0 : i32
        %dma_start3A_115 = tpu.memref_slice %arg2[%multiple_of3A, %dma_start3A_114] : memref<1792x128xi32, #tpu.memory_space<hbm>> -> memref<4x128xi32, #tpu.memory_space<hbm>>
        tpu.enqueue_dma source(%dma_start3A_115 : memref<4x128xi32, #tpu.memory_space<hbm>>) target(%dma_start3A_113 : memref<4x128xi32, #tpu.memory_space<vmem>>) target_semaphore(%run_scoped3A : memref<!tpu.dma_semaphore, #tpu.memory_space<semaphore_mem>>)
        %dma_wait3A_116 = arith.constant 0 : i32
        %dma_wait3A_117 = arith.constant 0 : i32
        %dma_wait3A_118 = tpu.memref_slice %arg5[%dma_wait3A_116, %dma_wait3A_117] : memref<4x128xi32, #tpu.memory_space<vmem>> -> memref<4x128xi32, #tpu.memory_space<vmem>>
        %dma_wait3A_119 = arith.constant 0 : i32
        %dma_wait3A_120 = tpu.memref_slice %arg2[%multiple_of3A, %dma_wait3A_119] : memref<1792x128xi32, #tpu.memory_space<hbm>> -> memref<4x128xi32, #tpu.memory_space<hbm>>
        %dma_wait3A_121 = arith.constant 0 : i32
        %dma_wait3A_122 = arith.constant 0 : i32
        %dma_wait3A_123 = tpu.memref_slice %arg5[%dma_wait3A_121, %dma_wait3A_122] : memref<4x128xi32, #tpu.memory_space<vmem>> -> memref<4x128xi32, #tpu.memory_space<vmem>>
        %dma_wait3A_124 = arith.constant 0 : i32
        %dma_wait3A_125 = tpu.memref_slice %arg2[%multiple_of3A, %dma_wait3A_124] : memref<1792x128xi32, #tpu.memory_space<hbm>> -> memref<4x128xi32, #tpu.memory_space<hbm>>
        tpu.wait_dma2 semaphore(%run_scoped3A : memref<!tpu.dma_semaphore, #tpu.memory_space<semaphore_mem>>) src(%dma_wait3A_125 : memref<4x128xi32, #tpu.memory_space<hbm>>) dst(%dma_wait3A_123 : memref<4x128xi32, #tpu.memory_space<vmem>>)
        tpu.yield
      }) : () -> ()
      %dma_start3A = arith.constant 0 : i32
      %dma_start3A_28 = arith.constant 0 : i32
      %dma_start3A_29 = arith.constant 0 : i32
      %dma_start3A_30 = tpu.memref_slice %arg6[%dma_start3A_28, %dma_start3A_29] : memref<512x128xf32, #tpu.memory_space<vmem>> -> memref<128x128xf32, #tpu.memory_space<vmem>>
      %dma_start3A_31 = arith.constant 0 : i32
      %dma_start3A_32 = tpu.memref_slice %arg5[%dma_start3A, %dma_start3A_31] : memref<4x128xi32, #tpu.memory_space<vmem>> -> memref<1x128xi32, #tpu.memory_space<vmem>>
      %dma_start3A_33 = tpu.memref_squeeze %dma_start3A_32 : memref<1x128xi32, #tpu.memory_space<vmem>> -> memref<128xi32, #tpu.memory_space<vmem>>
      %dma_start3A_34 = arith.constant 0 : i32
      %dma_start3A_35 = arith.constant 0 : i32
      %dma_start3A_36 = tpu.memref_slice %arg3[%dma_start3A_34, %dma_start3A_35] : memref<1000000x128xf32, #tpu.memory_space<hbm>> -> memref<1000000x128xf32, #tpu.memory_space<hbm>>
      tpu.enqueue_indirect_dma source(%dma_start3A_36 : memref<1000000x128xf32, #tpu.memory_space<hbm>>) target(%dma_start3A_30 : memref<128x128xf32, #tpu.memory_space<vmem>>) offsets(%dma_start3A_33 : memref<128xi32, #tpu.memory_space<vmem>>) semaphore(%arg7 : memref<!tpu.dma_semaphore, #tpu.memory_space<semaphore_mem>>)
      %dma_start3A_37 = arith.constant 1 : i32
      %dma_start3A_38 = arith.constant 128 : i32
      %dma_start3A_39 = arith.constant 0 : i32
      %dma_start3A_40 = tpu.memref_slice %arg6[%dma_start3A_38, %dma_start3A_39] : memref<512x128xf32, #tpu.memory_space<vmem>> -> memref<128x128xf32, #tpu.memory_space<vmem>>
      %dma_start3A_41 = arith.constant 0 : i32
      %dma_start3A_42 = tpu.memref_slice %arg5[%dma_start3A_37, %dma_start3A_41] : memref<4x128xi32, #tpu.memory_space<vmem>> -> memref<1x128xi32, #tpu.memory_space<vmem>>
      %dma_start3A_43 = tpu.memref_squeeze %dma_start3A_42 : memref<1x128xi32, #tpu.memory_space<vmem>> -> memref<128xi32, #tpu.memory_space<vmem>>
      %dma_start3A_44 = arith.constant 0 : i32
      %dma_start3A_45 = arith.constant 0 : i32
      %dma_start3A_46 = tpu.memref_slice %arg3[%dma_start3A_44, %dma_start3A_45] : memref<1000000x128xf32, #tpu.memory_space<hbm>> -> memref<1000000x128xf32, #tpu.memory_space<hbm>>
      tpu.enqueue_indirect_dma source(%dma_start3A_46 : memref<1000000x128xf32, #tpu.memory_space<hbm>>) target(%dma_start3A_40 : memref<128x128xf32, #tpu.memory_space<vmem>>) offsets(%dma_start3A_43 : memref<128xi32, #tpu.memory_space<vmem>>) semaphore(%arg7 : memref<!tpu.dma_semaphore, #tpu.memory_space<semaphore_mem>>)
      %dma_start3A_47 = arith.constant 2 : i32
      %dma_start3A_48 = arith.constant 256 : i32
      %dma_start3A_49 = arith.constant 0 : i32
      %dma_start3A_50 = tpu.memref_slice %arg6[%dma_start3A_48, %dma_start3A_49] : memref<512x128xf32, #tpu.memory_space<vmem>> -> memref<128x128xf32, #tpu.memory_space<vmem>>
      %dma_start3A_51 = arith.constant 0 : i32
      %dma_start3A_52 = tpu.memref_slice %arg5[%dma_start3A_47, %dma_start3A_51] : memref<4x128xi32, #tpu.memory_space<vmem>> -> memref<1x128xi32, #tpu.memory_space<vmem>>
      %dma_start3A_53 = tpu.memref_squeeze %dma_start3A_52 : memref<1x128xi32, #tpu.memory_space<vmem>> -> memref<128xi32, #tpu.memory_space<vmem>>
      %dma_start3A_54 = arith.constant 0 : i32
      %dma_start3A_55 = arith.constant 0 : i32
      %dma_start3A_56 = tpu.memref_slice %arg3[%dma_start3A_54, %dma_start3A_55] : memref<1000000x128xf32, #tpu.memory_space<hbm>> -> memref<1000000x128xf32, #tpu.memory_space<hbm>>
      tpu.enqueue_indirect_dma source(%dma_start3A_56 : memref<1000000x128xf32, #tpu.memory_space<hbm>>) target(%dma_start3A_50 : memref<128x128xf32, #tpu.memory_space<vmem>>) offsets(%dma_start3A_53 : memref<128xi32, #tpu.memory_space<vmem>>) semaphore(%arg7 : memref<!tpu.dma_semaphore, #tpu.memory_space<semaphore_mem>>)
      %dma_start3A_57 = arith.constant 3 : i32
      %dma_start3A_58 = arith.constant 384 : i32
      %dma_start3A_59 = arith.constant 0 : i32
      %dma_start3A_60 = tpu.memref_slice %arg6[%dma_start3A_58, %dma_start3A_59] : memref<512x128xf32, #tpu.memory_space<vmem>> -> memref<128x128xf32, #tpu.memory_space<vmem>>
      %dma_start3A_61 = arith.constant 0 : i32
      %dma_start3A_62 = tpu.memref_slice %arg5[%dma_start3A_57, %dma_start3A_61] : memref<4x128xi32, #tpu.memory_space<vmem>> -> memref<1x128xi32, #tpu.memory_space<vmem>>
      %dma_start3A_63 = tpu.memref_squeeze %dma_start3A_62 : memref<1x128xi32, #tpu.memory_space<vmem>> -> memref<128xi32, #tpu.memory_space<vmem>>
      %dma_start3A_64 = arith.constant 0 : i32
      %dma_start3A_65 = arith.constant 0 : i32
      %dma_start3A_66 = tpu.memref_slice %arg3[%dma_start3A_64, %dma_start3A_65] : memref<1000000x128xf32, #tpu.memory_space<hbm>> -> memref<1000000x128xf32, #tpu.memory_space<hbm>>
      tpu.enqueue_indirect_dma source(%dma_start3A_66 : memref<1000000x128xf32, #tpu.memory_space<hbm>>) target(%dma_start3A_60 : memref<128x128xf32, #tpu.memory_space<vmem>>) offsets(%dma_start3A_63 : memref<128xi32, #tpu.memory_space<vmem>>) semaphore(%arg7 : memref<!tpu.dma_semaphore, #tpu.memory_space<semaphore_mem>>)
      %dma_wait3A = arith.constant 0 : i32
      %dma_wait3A_67 = arith.constant 0 : i32
      %dma_wait3A_68 = arith.constant 0 : i32
      %dma_wait3A_69 = tpu.memref_slice %arg6[%dma_wait3A_67, %dma_wait3A_68] : memref<512x128xf32, #tpu.memory_space<vmem>> -> memref<128x128xf32, #tpu.memory_space<vmem>>
      %dma_wait3A_70 = arith.constant 0 : i32
      %dma_wait3A_71 = tpu.memref_slice %arg5[%dma_wait3A, %dma_wait3A_70] : memref<4x128xi32, #tpu.memory_space<vmem>> -> memref<1x128xi32, #tpu.memory_space<vmem>>
      %dma_wait3A_72 = tpu.memref_squeeze %dma_wait3A_71 : memref<1x128xi32, #tpu.memory_space<vmem>> -> memref<128xi32, #tpu.memory_space<vmem>>
      %dma_wait3A_73 = arith.constant 0 : i32
      %dma_wait3A_74 = arith.constant 0 : i32
      %dma_wait3A_75 = tpu.memref_slice %arg3[%dma_wait3A_73, %dma_wait3A_74] : memref<1000000x128xf32, #tpu.memory_space<hbm>> -> memref<1000000x128xf32, #tpu.memory_space<hbm>>
      tpu.wait_indirect_dma semaphore(%arg7 : memref<!tpu.dma_semaphore, #tpu.memory_space<semaphore_mem>>) src(%dma_wait3A_75 : memref<1000000x128xf32, #tpu.memory_space<hbm>>) dst(%dma_wait3A_69 : memref<128x128xf32, #tpu.memory_space<vmem>>)
      %dma_wait3A_76 = arith.constant 1 : i32
      %dma_wait3A_77 = arith.constant 128 : i32
      %dma_wait3A_78 = arith.constant 0 : i32
      %dma_wait3A_79 = tpu.memref_slice %arg6[%dma_wait3A_77, %dma_wait3A_78] : memref<512x128xf32, #tpu.memory_space<vmem>> -> memref<128x128xf32, #tpu.memory_space<vmem>>
      %dma_wait3A_80 = arith.constant 0 : i32
      %dma_wait3A_81 = tpu.memref_slice %arg5[%dma_wait3A_76, %dma_wait3A_80] : memref<4x128xi32, #tpu.memory_space<vmem>> -> memref<1x128xi32, #tpu.memory_space<vmem>>
      %dma_wait3A_82 = tpu.memref_squeeze %dma_wait3A_81 : memref<1x128xi32, #tpu.memory_space<vmem>> -> memref<128xi32, #tpu.memory_space<vmem>>
      %dma_wait3A_83 = arith.constant 0 : i32
      %dma_wait3A_84 = arith.constant 0 : i32
      %dma_wait3A_85 = tpu.memref_slice %arg3[%dma_wait3A_83, %dma_wait3A_84] : memref<1000000x128xf32, #tpu.memory_space<hbm>> -> memref<1000000x128xf32, #tpu.memory_space<hbm>>
      tpu.wait_indirect_dma semaphore(%arg7 : memref<!tpu.dma_semaphore, #tpu.memory_space<semaphore_mem>>) src(%dma_wait3A_85 : memref<1000000x128xf32, #tpu.memory_space<hbm>>) dst(%dma_wait3A_79 : memref<128x128xf32, #tpu.memory_space<vmem>>)
      %dma_wait3A_86 = arith.constant 2 : i32
      %dma_wait3A_87 = arith.constant 256 : i32
      %dma_wait3A_88 = arith.constant 0 : i32
      %dma_wait3A_89 = tpu.memref_slice %arg6[%dma_wait3A_87, %dma_wait3A_88] : memref<512x128xf32, #tpu.memory_space<vmem>> -> memref<128x128xf32, #tpu.memory_space<vmem>>
      %dma_wait3A_90 = arith.constant 0 : i32
      %dma_wait3A_91 = tpu.memref_slice %arg5[%dma_wait3A_86, %dma_wait3A_90] : memref<4x128xi32, #tpu.memory_space<vmem>> -> memref<1x128xi32, #tpu.memory_space<vmem>>
      %dma_wait3A_92 = tpu.memref_squeeze %dma_wait3A_91 : memref<1x128xi32, #tpu.memory_space<vmem>> -> memref<128xi32, #tpu.memory_space<vmem>>
      %dma_wait3A_93 = arith.constant 0 : i32
      %dma_wait3A_94 = arith.constant 0 : i32
      %dma_wait3A_95 = tpu.memref_slice %arg3[%dma_wait3A_93, %dma_wait3A_94] : memref<1000000x128xf32, #tpu.memory_space<hbm>> -> memref<1000000x128xf32, #tpu.memory_space<hbm>>
      tpu.wait_indirect_dma semaphore(%arg7 : memref<!tpu.dma_semaphore, #tpu.memory_space<semaphore_mem>>) src(%dma_wait3A_95 : memref<1000000x128xf32, #tpu.memory_space<hbm>>) dst(%dma_wait3A_89 : memref<128x128xf32, #tpu.memory_space<vmem>>)
      %dma_wait3A_96 = arith.constant 3 : i32
      %dma_wait3A_97 = arith.constant 384 : i32
      %dma_wait3A_98 = arith.constant 0 : i32
      %dma_wait3A_99 = tpu.memref_slice %arg6[%dma_wait3A_97, %dma_wait3A_98] : memref<512x128xf32, #tpu.memory_space<vmem>> -> memref<128x128xf32, #tpu.memory_space<vmem>>
      %dma_wait3A_100 = arith.constant 0 : i32
      %dma_wait3A_101 = tpu.memref_slice %arg5[%dma_wait3A_96, %dma_wait3A_100] : memref<4x128xi32, #tpu.memory_space<vmem>> -> memref<1x128xi32, #tpu.memory_space<vmem>>
      %dma_wait3A_102 = tpu.memref_squeeze %dma_wait3A_101 : memref<1x128xi32, #tpu.memory_space<vmem>> -> memref<128xi32, #tpu.memory_space<vmem>>
      %dma_wait3A_103 = arith.constant 0 : i32
      %dma_wait3A_104 = arith.constant 0 : i32
      %dma_wait3A_105 = tpu.memref_slice %arg3[%dma_wait3A_103, %dma_wait3A_104] : memref<1000000x128xf32, #tpu.memory_space<hbm>> -> memref<1000000x128xf32, #tpu.memory_space<hbm>>
      tpu.wait_indirect_dma semaphore(%arg7 : memref<!tpu.dma_semaphore, #tpu.memory_space<semaphore_mem>>) src(%dma_wait3A_105 : memref<1000000x128xf32, #tpu.memory_space<hbm>>) dst(%dma_wait3A_99 : memref<128x128xf32, #tpu.memory_space<vmem>>)
      "tpu.region"() ({
        %run_scoped3A = tpu.sem_alloc : memref<!tpu.dma_semaphore, #tpu.memory_space<semaphore_mem>>
        %dma_start3A_106 = arith.constant 0 : i32
        %dma_start3A_107 = arith.constant 0 : i32
        %dma_start3A_108 = tpu.memref_slice %arg6[%dma_start3A_106, %dma_start3A_107] : memref<512x128xf32, #tpu.memory_space<vmem>> -> memref<512x128xf32, #tpu.memory_space<vmem>>
        %dma_start3A_109 = arith.constant 0 : i32
        %dma_start3A_110 = tpu.memref_slice %arg4[%add3A_11, %dma_start3A_109] : memref<229376x128xf32, #tpu.memory_space<hbm>> -> memref<512x128xf32, #tpu.memory_space<hbm>>
        %dma_start3A_111 = arith.constant 0 : i32
        %dma_start3A_112 = tpu.memref_slice %arg4[%add3A_11, %dma_start3A_111] : memref<229376x128xf32, #tpu.memory_space<hbm>> -> memref<512x128xf32, #tpu.memory_space<hbm>>
        %dma_start3A_113 = arith.constant 0 : i32
        %dma_start3A_114 = arith.constant 0 : i32
        %dma_start3A_115 = tpu.memref_slice %arg6[%dma_start3A_113, %dma_start3A_114] : memref<512x128xf32, #tpu.memory_space<vmem>> -> memref<512x128xf32, #tpu.memory_space<vmem>>
        tpu.enqueue_dma source(%dma_start3A_115 : memref<512x128xf32, #tpu.memory_space<vmem>>) target(%dma_start3A_112 : memref<512x128xf32, #tpu.memory_space<hbm>>) target_semaphore(%run_scoped3A : memref<!tpu.dma_semaphore, #tpu.memory_space<semaphore_mem>>)
        %dma_wait3A_116 = arith.constant 0 : i32
        %dma_wait3A_117 = arith.constant 0 : i32
        %dma_wait3A_118 = tpu.memref_slice %arg6[%dma_wait3A_116, %dma_wait3A_117] : memref<512x128xf32, #tpu.memory_space<vmem>> -> memref<512x128xf32, #tpu.memory_space<vmem>>
        %dma_wait3A_119 = arith.constant 0 : i32
        %dma_wait3A_120 = tpu.memref_slice %arg4[%add3A_11, %dma_wait3A_119] : memref<229376x128xf32, #tpu.memory_space<hbm>> -> memref<512x128xf32, #tpu.memory_space<hbm>>
        %dma_wait3A_121 = arith.constant 0 : i32
        %dma_wait3A_122 = tpu.memref_slice %arg4[%add3A_11, %dma_wait3A_121] : memref<229376x128xf32, #tpu.memory_space<hbm>> -> memref<512x128xf32, #tpu.memory_space<hbm>>
        %dma_wait3A_123 = arith.constant 0 : i32
        %dma_wait3A_124 = arith.constant 0 : i32
        %dma_wait3A_125 = tpu.memref_slice %arg6[%dma_wait3A_123, %dma_wait3A_124] : memref<512x128xf32, #tpu.memory_space<vmem>> -> memref<512x128xf32, #tpu.memory_space<vmem>>
        tpu.wait_dma2 semaphore(%run_scoped3A : memref<!tpu.dma_semaphore, #tpu.memory_space<semaphore_mem>>) src(%dma_wait3A_125 : memref<512x128xf32, #tpu.memory_space<vmem>>) dst(%dma_wait3A_122 : memref<512x128xf32, #tpu.memory_space<hbm>>)
        tpu.yield
      }) : () -> ()
    }
    %scan3A_7 = arith.constant 14 : i32
    return
  }
}

#map = affine_map<(d0, d1) -> (0, 0)>
module attributes {stable_mosaic.version = 14 : i64} {
  func.func @gk(%arg0: i32, %arg1: i32, %arg2: memref<256x128xi32, #tpu.memory_space<hbm>>, %arg3: memref<1000000x128xf32, #tpu.memory_space<hbm>>, %arg4: memref<32768x128xf32, #tpu.memory_space<hbm>>, %arg5: memref<4x128xi32, #tpu.memory_space<vmem>>, %arg6: memref<512x128xf32, #tpu.memory_space<vmem>>, %arg7: memref<!tpu.dma_semaphore, #tpu.memory_space<semaphore_mem>>) attributes {dimension_semantics = [#tpu.dimension_semantics<core_parallel>, #tpu.dimension_semantics<subcore_parallel>], iteration_bounds = array<i64: 2, 16>, scalar_prefetch = 0 : i64, scratch_operands = 3 : i64, tpu.core_type = #tpu.core_type<sc_vector_subcore>, window_params = [{transform_indices = #map}, {transform_indices = #map}, {transform_indices = #map}]} {
    %mul3A = arith.constant 2 : i32
    %mul3A_0 = arith.muli %arg1, %mul3A : i32
    %add3A = arith.addi %mul3A_0, %arg0 : i32
    %mul3A_1 = arith.constant 1024 : i32
    %mul3A_2 = arith.muli %add3A, %mul3A_1 : i32
    %scan3A = arith.constant 0 : i32
    %scan3A_3 = arith.constant 0 : i32
    %scan3A_4 = arith.constant 2 : i32
    %scan3A_5 = arith.addi %scan3A_3, %scan3A_4 : i32
    %scan3A_6 = arith.constant 1 : i32
    scf.for %scan3A_8 = %scan3A_3 to %scan3A_5 step %scan3A_6  : i32 {
      %mul3A_9 = arith.constant 512 : i32
      %mul3A_10 = arith.muli %scan3A_8, %mul3A_9 : i32
      %add3A_11 = arith.addi %mul3A_2, %mul3A_10 : i32
      %jit3A = arith.constant 128 : i32
      %div3A = arith.divsi %add3A_11, %jit3A : i32
      %sign3A = arith.constant 0 : i32
      %sign3A_12 = arith.cmpi sgt, %add3A_11, %sign3A : i32
      %sign3A_13 = arith.extui %sign3A_12 : i1 to i32
      %sign3A_14 = arith.constant 0 : i32
      %sign3A_15 = arith.cmpi slt, %add3A_11, %sign3A_14 : i32
      %sign3A_16 = arith.extui %sign3A_15 : i1 to i32
      %sign3A_17 = arith.subi %sign3A_13, %sign3A_16 : i32
      %sign3A_18 = arith.constant 0 : i32
      %sign3A_19 = arith.cmpi sgt, %jit3A, %sign3A_18 : i32
      %sign3A_20 = arith.extui %sign3A_19 : i1 to i32
      %sign3A_21 = arith.constant 0 : i32
      %sign3A_22 = arith.cmpi slt, %jit3A, %sign3A_21 : i32
      %sign3A_23 = arith.extui %sign3A_22 : i1 to i32
      %sign3A_24 = arith.subi %sign3A_20, %sign3A_23 : i32
      %ne3A = arith.cmpi ne, %sign3A_17, %sign3A_24 : i32
      %rem3A = arith.remsi %add3A_11, %jit3A : i32
      %ne3A_25 = arith.constant 0 : i32
      %ne3A_26 = arith.cmpi ne, %rem3A, %ne3A_25 : i32
      %and3A = arith.andi %ne3A, %ne3A_26 : i1
      %sub3A = arith.constant 1 : i32
      %sub3A_27 = arith.subi %div3A, %sub3A : i32
      %select_n3A = arith.select %and3A, %sub3A_27, %div3A : i32
      %multiple_of3A = tpu.assume_multiple %select_n3A, 4 : i32
      "tpu.region"() ({
        %run_scoped3A = tpu.sem_alloc : memref<!tpu.dma_semaphore, #tpu.memory_space<semaphore_mem>>
        %dma_start3A_106 = arith.constant 0 : i32
        %dma_start3A_107 = arith.constant 0 : i32
        %dma_start3A_108 = tpu.memref_slice %arg5[%dma_start3A_106, %dma_start3A_107] : memref<4x128xi32, #tpu.memory_space<vmem>> -> memref<4x128xi32, #tpu.memory_space<vmem>>
        %dma_start3A_109 = arith.constant 0 : i32
        %dma_start3A_110 = tpu.memref_slice %arg2[%multiple_of3A, %dma_start3A_109] : memref<256x128xi32, #tpu.memory_space<hbm>> -> memref<4x128xi32, #tpu.memory_space<hbm>>
        %dma_start3A_111 = arith.constant 0 : i32
        %dma_start3A_112 = arith.constant 0 : i32
        %dma_start3A_113 = tpu.memref_slice %arg5[%dma_start3A_111, %dma_start3A_112] : memref<4x128xi32, #tpu.memory_space<vmem>> -> memref<4x128xi32, #tpu.memory_space<vmem>>
        %dma_start3A_114 = arith.constant 0 : i32
        %dma_start3A_115 = tpu.memref_slice %arg2[%multiple_of3A, %dma_start3A_114] : memref<256x128xi32, #tpu.memory_space<hbm>> -> memref<4x128xi32, #tpu.memory_space<hbm>>
        tpu.enqueue_dma source(%dma_start3A_115 : memref<4x128xi32, #tpu.memory_space<hbm>>) target(%dma_start3A_113 : memref<4x128xi32, #tpu.memory_space<vmem>>) target_semaphore(%run_scoped3A : memref<!tpu.dma_semaphore, #tpu.memory_space<semaphore_mem>>)
        %dma_wait3A_116 = arith.constant 0 : i32
        %dma_wait3A_117 = arith.constant 0 : i32
        %dma_wait3A_118 = tpu.memref_slice %arg5[%dma_wait3A_116, %dma_wait3A_117] : memref<4x128xi32, #tpu.memory_space<vmem>> -> memref<4x128xi32, #tpu.memory_space<vmem>>
        %dma_wait3A_119 = arith.constant 0 : i32
        %dma_wait3A_120 = tpu.memref_slice %arg2[%multiple_of3A, %dma_wait3A_119] : memref<256x128xi32, #tpu.memory_space<hbm>> -> memref<4x128xi32, #tpu.memory_space<hbm>>
        %dma_wait3A_121 = arith.constant 0 : i32
        %dma_wait3A_122 = arith.constant 0 : i32
        %dma_wait3A_123 = tpu.memref_slice %arg5[%dma_wait3A_121, %dma_wait3A_122] : memref<4x128xi32, #tpu.memory_space<vmem>> -> memref<4x128xi32, #tpu.memory_space<vmem>>
        %dma_wait3A_124 = arith.constant 0 : i32
        %dma_wait3A_125 = tpu.memref_slice %arg2[%multiple_of3A, %dma_wait3A_124] : memref<256x128xi32, #tpu.memory_space<hbm>> -> memref<4x128xi32, #tpu.memory_space<hbm>>
        tpu.wait_dma2 semaphore(%run_scoped3A : memref<!tpu.dma_semaphore, #tpu.memory_space<semaphore_mem>>) src(%dma_wait3A_125 : memref<4x128xi32, #tpu.memory_space<hbm>>) dst(%dma_wait3A_123 : memref<4x128xi32, #tpu.memory_space<vmem>>)
        tpu.yield
      }) : () -> ()
      %dma_start3A = arith.constant 0 : i32
      %dma_start3A_28 = arith.constant 0 : i32
      %dma_start3A_29 = arith.constant 0 : i32
      %dma_start3A_30 = tpu.memref_slice %arg6[%dma_start3A_28, %dma_start3A_29] : memref<512x128xf32, #tpu.memory_space<vmem>> -> memref<128x128xf32, #tpu.memory_space<vmem>>
      %dma_start3A_31 = arith.constant 0 : i32
      %dma_start3A_32 = tpu.memref_slice %arg5[%dma_start3A, %dma_start3A_31] : memref<4x128xi32, #tpu.memory_space<vmem>> -> memref<1x128xi32, #tpu.memory_space<vmem>>
      %dma_start3A_33 = tpu.memref_squeeze %dma_start3A_32 : memref<1x128xi32, #tpu.memory_space<vmem>> -> memref<128xi32, #tpu.memory_space<vmem>>
      %dma_start3A_34 = arith.constant 0 : i32
      %dma_start3A_35 = arith.constant 0 : i32
      %dma_start3A_36 = tpu.memref_slice %arg3[%dma_start3A_34, %dma_start3A_35] : memref<1000000x128xf32, #tpu.memory_space<hbm>> -> memref<1000000x128xf32, #tpu.memory_space<hbm>>
      tpu.enqueue_indirect_dma source(%dma_start3A_36 : memref<1000000x128xf32, #tpu.memory_space<hbm>>) target(%dma_start3A_30 : memref<128x128xf32, #tpu.memory_space<vmem>>) offsets(%dma_start3A_33 : memref<128xi32, #tpu.memory_space<vmem>>) semaphore(%arg7 : memref<!tpu.dma_semaphore, #tpu.memory_space<semaphore_mem>>)
      %dma_start3A_37 = arith.constant 1 : i32
      %dma_start3A_38 = arith.constant 128 : i32
      %dma_start3A_39 = arith.constant 0 : i32
      %dma_start3A_40 = tpu.memref_slice %arg6[%dma_start3A_38, %dma_start3A_39] : memref<512x128xf32, #tpu.memory_space<vmem>> -> memref<128x128xf32, #tpu.memory_space<vmem>>
      %dma_start3A_41 = arith.constant 0 : i32
      %dma_start3A_42 = tpu.memref_slice %arg5[%dma_start3A_37, %dma_start3A_41] : memref<4x128xi32, #tpu.memory_space<vmem>> -> memref<1x128xi32, #tpu.memory_space<vmem>>
      %dma_start3A_43 = tpu.memref_squeeze %dma_start3A_42 : memref<1x128xi32, #tpu.memory_space<vmem>> -> memref<128xi32, #tpu.memory_space<vmem>>
      %dma_start3A_44 = arith.constant 0 : i32
      %dma_start3A_45 = arith.constant 0 : i32
      %dma_start3A_46 = tpu.memref_slice %arg3[%dma_start3A_44, %dma_start3A_45] : memref<1000000x128xf32, #tpu.memory_space<hbm>> -> memref<1000000x128xf32, #tpu.memory_space<hbm>>
      tpu.enqueue_indirect_dma source(%dma_start3A_46 : memref<1000000x128xf32, #tpu.memory_space<hbm>>) target(%dma_start3A_40 : memref<128x128xf32, #tpu.memory_space<vmem>>) offsets(%dma_start3A_43 : memref<128xi32, #tpu.memory_space<vmem>>) semaphore(%arg7 : memref<!tpu.dma_semaphore, #tpu.memory_space<semaphore_mem>>)
      %dma_start3A_47 = arith.constant 2 : i32
      %dma_start3A_48 = arith.constant 256 : i32
      %dma_start3A_49 = arith.constant 0 : i32
      %dma_start3A_50 = tpu.memref_slice %arg6[%dma_start3A_48, %dma_start3A_49] : memref<512x128xf32, #tpu.memory_space<vmem>> -> memref<128x128xf32, #tpu.memory_space<vmem>>
      %dma_start3A_51 = arith.constant 0 : i32
      %dma_start3A_52 = tpu.memref_slice %arg5[%dma_start3A_47, %dma_start3A_51] : memref<4x128xi32, #tpu.memory_space<vmem>> -> memref<1x128xi32, #tpu.memory_space<vmem>>
      %dma_start3A_53 = tpu.memref_squeeze %dma_start3A_52 : memref<1x128xi32, #tpu.memory_space<vmem>> -> memref<128xi32, #tpu.memory_space<vmem>>
      %dma_start3A_54 = arith.constant 0 : i32
      %dma_start3A_55 = arith.constant 0 : i32
      %dma_start3A_56 = tpu.memref_slice %arg3[%dma_start3A_54, %dma_start3A_55] : memref<1000000x128xf32, #tpu.memory_space<hbm>> -> memref<1000000x128xf32, #tpu.memory_space<hbm>>
      tpu.enqueue_indirect_dma source(%dma_start3A_56 : memref<1000000x128xf32, #tpu.memory_space<hbm>>) target(%dma_start3A_50 : memref<128x128xf32, #tpu.memory_space<vmem>>) offsets(%dma_start3A_53 : memref<128xi32, #tpu.memory_space<vmem>>) semaphore(%arg7 : memref<!tpu.dma_semaphore, #tpu.memory_space<semaphore_mem>>)
      %dma_start3A_57 = arith.constant 3 : i32
      %dma_start3A_58 = arith.constant 384 : i32
      %dma_start3A_59 = arith.constant 0 : i32
      %dma_start3A_60 = tpu.memref_slice %arg6[%dma_start3A_58, %dma_start3A_59] : memref<512x128xf32, #tpu.memory_space<vmem>> -> memref<128x128xf32, #tpu.memory_space<vmem>>
      %dma_start3A_61 = arith.constant 0 : i32
      %dma_start3A_62 = tpu.memref_slice %arg5[%dma_start3A_57, %dma_start3A_61] : memref<4x128xi32, #tpu.memory_space<vmem>> -> memref<1x128xi32, #tpu.memory_space<vmem>>
      %dma_start3A_63 = tpu.memref_squeeze %dma_start3A_62 : memref<1x128xi32, #tpu.memory_space<vmem>> -> memref<128xi32, #tpu.memory_space<vmem>>
      %dma_start3A_64 = arith.constant 0 : i32
      %dma_start3A_65 = arith.constant 0 : i32
      %dma_start3A_66 = tpu.memref_slice %arg3[%dma_start3A_64, %dma_start3A_65] : memref<1000000x128xf32, #tpu.memory_space<hbm>> -> memref<1000000x128xf32, #tpu.memory_space<hbm>>
      tpu.enqueue_indirect_dma source(%dma_start3A_66 : memref<1000000x128xf32, #tpu.memory_space<hbm>>) target(%dma_start3A_60 : memref<128x128xf32, #tpu.memory_space<vmem>>) offsets(%dma_start3A_63 : memref<128xi32, #tpu.memory_space<vmem>>) semaphore(%arg7 : memref<!tpu.dma_semaphore, #tpu.memory_space<semaphore_mem>>)
      %dma_wait3A = arith.constant 0 : i32
      %dma_wait3A_67 = arith.constant 0 : i32
      %dma_wait3A_68 = arith.constant 0 : i32
      %dma_wait3A_69 = tpu.memref_slice %arg6[%dma_wait3A_67, %dma_wait3A_68] : memref<512x128xf32, #tpu.memory_space<vmem>> -> memref<128x128xf32, #tpu.memory_space<vmem>>
      %dma_wait3A_70 = arith.constant 0 : i32
      %dma_wait3A_71 = tpu.memref_slice %arg5[%dma_wait3A, %dma_wait3A_70] : memref<4x128xi32, #tpu.memory_space<vmem>> -> memref<1x128xi32, #tpu.memory_space<vmem>>
      %dma_wait3A_72 = tpu.memref_squeeze %dma_wait3A_71 : memref<1x128xi32, #tpu.memory_space<vmem>> -> memref<128xi32, #tpu.memory_space<vmem>>
      %dma_wait3A_73 = arith.constant 0 : i32
      %dma_wait3A_74 = arith.constant 0 : i32
      %dma_wait3A_75 = tpu.memref_slice %arg3[%dma_wait3A_73, %dma_wait3A_74] : memref<1000000x128xf32, #tpu.memory_space<hbm>> -> memref<1000000x128xf32, #tpu.memory_space<hbm>>
      tpu.wait_indirect_dma semaphore(%arg7 : memref<!tpu.dma_semaphore, #tpu.memory_space<semaphore_mem>>) src(%dma_wait3A_75 : memref<1000000x128xf32, #tpu.memory_space<hbm>>) dst(%dma_wait3A_69 : memref<128x128xf32, #tpu.memory_space<vmem>>)
      %dma_wait3A_76 = arith.constant 1 : i32
      %dma_wait3A_77 = arith.constant 128 : i32
      %dma_wait3A_78 = arith.constant 0 : i32
      %dma_wait3A_79 = tpu.memref_slice %arg6[%dma_wait3A_77, %dma_wait3A_78] : memref<512x128xf32, #tpu.memory_space<vmem>> -> memref<128x128xf32, #tpu.memory_space<vmem>>
      %dma_wait3A_80 = arith.constant 0 : i32
      %dma_wait3A_81 = tpu.memref_slice %arg5[%dma_wait3A_76, %dma_wait3A_80] : memref<4x128xi32, #tpu.memory_space<vmem>> -> memref<1x128xi32, #tpu.memory_space<vmem>>
      %dma_wait3A_82 = tpu.memref_squeeze %dma_wait3A_81 : memref<1x128xi32, #tpu.memory_space<vmem>> -> memref<128xi32, #tpu.memory_space<vmem>>
      %dma_wait3A_83 = arith.constant 0 : i32
      %dma_wait3A_84 = arith.constant 0 : i32
      %dma_wait3A_85 = tpu.memref_slice %arg3[%dma_wait3A_83, %dma_wait3A_84] : memref<1000000x128xf32, #tpu.memory_space<hbm>> -> memref<1000000x128xf32, #tpu.memory_space<hbm>>
      tpu.wait_indirect_dma semaphore(%arg7 : memref<!tpu.dma_semaphore, #tpu.memory_space<semaphore_mem>>) src(%dma_wait3A_85 : memref<1000000x128xf32, #tpu.memory_space<hbm>>) dst(%dma_wait3A_79 : memref<128x128xf32, #tpu.memory_space<vmem>>)
      %dma_wait3A_86 = arith.constant 2 : i32
      %dma_wait3A_87 = arith.constant 256 : i32
      %dma_wait3A_88 = arith.constant 0 : i32
      %dma_wait3A_89 = tpu.memref_slice %arg6[%dma_wait3A_87, %dma_wait3A_88] : memref<512x128xf32, #tpu.memory_space<vmem>> -> memref<128x128xf32, #tpu.memory_space<vmem>>
      %dma_wait3A_90 = arith.constant 0 : i32
      %dma_wait3A_91 = tpu.memref_slice %arg5[%dma_wait3A_86, %dma_wait3A_90] : memref<4x128xi32, #tpu.memory_space<vmem>> -> memref<1x128xi32, #tpu.memory_space<vmem>>
      %dma_wait3A_92 = tpu.memref_squeeze %dma_wait3A_91 : memref<1x128xi32, #tpu.memory_space<vmem>> -> memref<128xi32, #tpu.memory_space<vmem>>
      %dma_wait3A_93 = arith.constant 0 : i32
      %dma_wait3A_94 = arith.constant 0 : i32
      %dma_wait3A_95 = tpu.memref_slice %arg3[%dma_wait3A_93, %dma_wait3A_94] : memref<1000000x128xf32, #tpu.memory_space<hbm>> -> memref<1000000x128xf32, #tpu.memory_space<hbm>>
      tpu.wait_indirect_dma semaphore(%arg7 : memref<!tpu.dma_semaphore, #tpu.memory_space<semaphore_mem>>) src(%dma_wait3A_95 : memref<1000000x128xf32, #tpu.memory_space<hbm>>) dst(%dma_wait3A_89 : memref<128x128xf32, #tpu.memory_space<vmem>>)
      %dma_wait3A_96 = arith.constant 3 : i32
      %dma_wait3A_97 = arith.constant 384 : i32
      %dma_wait3A_98 = arith.constant 0 : i32
      %dma_wait3A_99 = tpu.memref_slice %arg6[%dma_wait3A_97, %dma_wait3A_98] : memref<512x128xf32, #tpu.memory_space<vmem>> -> memref<128x128xf32, #tpu.memory_space<vmem>>
      %dma_wait3A_100 = arith.constant 0 : i32
      %dma_wait3A_101 = tpu.memref_slice %arg5[%dma_wait3A_96, %dma_wait3A_100] : memref<4x128xi32, #tpu.memory_space<vmem>> -> memref<1x128xi32, #tpu.memory_space<vmem>>
      %dma_wait3A_102 = tpu.memref_squeeze %dma_wait3A_101 : memref<1x128xi32, #tpu.memory_space<vmem>> -> memref<128xi32, #tpu.memory_space<vmem>>
      %dma_wait3A_103 = arith.constant 0 : i32
      %dma_wait3A_104 = arith.constant 0 : i32
      %dma_wait3A_105 = tpu.memref_slice %arg3[%dma_wait3A_103, %dma_wait3A_104] : memref<1000000x128xf32, #tpu.memory_space<hbm>> -> memref<1000000x128xf32, #tpu.memory_space<hbm>>
      tpu.wait_indirect_dma semaphore(%arg7 : memref<!tpu.dma_semaphore, #tpu.memory_space<semaphore_mem>>) src(%dma_wait3A_105 : memref<1000000x128xf32, #tpu.memory_space<hbm>>) dst(%dma_wait3A_99 : memref<128x128xf32, #tpu.memory_space<vmem>>)
      "tpu.region"() ({
        %run_scoped3A = tpu.sem_alloc : memref<!tpu.dma_semaphore, #tpu.memory_space<semaphore_mem>>
        %dma_start3A_106 = arith.constant 0 : i32
        %dma_start3A_107 = arith.constant 0 : i32
        %dma_start3A_108 = tpu.memref_slice %arg6[%dma_start3A_106, %dma_start3A_107] : memref<512x128xf32, #tpu.memory_space<vmem>> -> memref<512x128xf32, #tpu.memory_space<vmem>>
        %dma_start3A_109 = arith.constant 0 : i32
        %dma_start3A_110 = tpu.memref_slice %arg4[%add3A_11, %dma_start3A_109] : memref<32768x128xf32, #tpu.memory_space<hbm>> -> memref<512x128xf32, #tpu.memory_space<hbm>>
        %dma_start3A_111 = arith.constant 0 : i32
        %dma_start3A_112 = tpu.memref_slice %arg4[%add3A_11, %dma_start3A_111] : memref<32768x128xf32, #tpu.memory_space<hbm>> -> memref<512x128xf32, #tpu.memory_space<hbm>>
        %dma_start3A_113 = arith.constant 0 : i32
        %dma_start3A_114 = arith.constant 0 : i32
        %dma_start3A_115 = tpu.memref_slice %arg6[%dma_start3A_113, %dma_start3A_114] : memref<512x128xf32, #tpu.memory_space<vmem>> -> memref<512x128xf32, #tpu.memory_space<vmem>>
        tpu.enqueue_dma source(%dma_start3A_115 : memref<512x128xf32, #tpu.memory_space<vmem>>) target(%dma_start3A_112 : memref<512x128xf32, #tpu.memory_space<hbm>>) target_semaphore(%run_scoped3A : memref<!tpu.dma_semaphore, #tpu.memory_space<semaphore_mem>>)
        %dma_wait3A_116 = arith.constant 0 : i32
        %dma_wait3A_117 = arith.constant 0 : i32
        %dma_wait3A_118 = tpu.memref_slice %arg6[%dma_wait3A_116, %dma_wait3A_117] : memref<512x128xf32, #tpu.memory_space<vmem>> -> memref<512x128xf32, #tpu.memory_space<vmem>>
        %dma_wait3A_119 = arith.constant 0 : i32
        %dma_wait3A_120 = tpu.memref_slice %arg4[%add3A_11, %dma_wait3A_119] : memref<32768x128xf32, #tpu.memory_space<hbm>> -> memref<512x128xf32, #tpu.memory_space<hbm>>
        %dma_wait3A_121 = arith.constant 0 : i32
        %dma_wait3A_122 = tpu.memref_slice %arg4[%add3A_11, %dma_wait3A_121] : memref<32768x128xf32, #tpu.memory_space<hbm>> -> memref<512x128xf32, #tpu.memory_space<hbm>>
        %dma_wait3A_123 = arith.constant 0 : i32
        %dma_wait3A_124 = arith.constant 0 : i32
        %dma_wait3A_125 = tpu.memref_slice %arg6[%dma_wait3A_123, %dma_wait3A_124] : memref<512x128xf32, #tpu.memory_space<vmem>> -> memref<512x128xf32, #tpu.memory_space<vmem>>
        tpu.wait_dma2 semaphore(%run_scoped3A : memref<!tpu.dma_semaphore, #tpu.memory_space<semaphore_mem>>) src(%dma_wait3A_125 : memref<512x128xf32, #tpu.memory_space<vmem>>) dst(%dma_wait3A_122 : memref<512x128xf32, #tpu.memory_space<hbm>>)
        tpu.yield
      }) : () -> ()
    }
    %scan3A_7 = arith.constant 2 : i32
    return
  }
}

#map = affine_map<(d0, d1) -> (0, 0)>
module attributes {stable_mosaic.version = 14 : i64} {
  func.func @gk(%arg0: i32, %arg1: i32, %arg2: memref<1792x128xi32, #tpu.memory_space<hbm>>, %arg3: memref<1000000x128xf32, #tpu.memory_space<hbm>>, %arg4: memref<229376x128xf32, #tpu.memory_space<hbm>>, %arg5: memref<4x128xi32, #tpu.memory_space<vmem>>, %arg6: memref<512x128xf32, #tpu.memory_space<vmem>>, %arg7: memref<!tpu.dma_semaphore, #tpu.memory_space<semaphore_mem>>) attributes {dimension_semantics = [#tpu.dimension_semantics<core_parallel>, #tpu.dimension_semantics<subcore_parallel>], iteration_bounds = array<i64: 2, 16>, scalar_prefetch = 0 : i64, scratch_operands = 3 : i64, tpu.core_type = #tpu.core_type<sc_vector_subcore>, window_params = [{transform_indices = #map}, {transform_indices = #map}, {transform_indices = #map}]} {
    %mul3A = arith.constant 2 : i32
    %mul3A_0 = arith.muli %arg1, %mul3A : i32
    %add3A = arith.addi %mul3A_0, %arg0 : i32
    %mul3A_1 = arith.constant 7168 : i32
    %mul3A_2 = arith.muli %add3A, %mul3A_1 : i32
    %scan3A = arith.constant 0 : i32
    %scan3A_3 = arith.constant 0 : i32
    %scan3A_4 = arith.constant 14 : i32
    %scan3A_5 = arith.addi %scan3A_3, %scan3A_4 : i32
    %scan3A_6 = arith.constant 1 : i32
    scf.for %scan3A_8 = %scan3A_3 to %scan3A_5 step %scan3A_6  : i32 {
      %mul3A_9 = arith.constant 512 : i32
      %mul3A_10 = arith.muli %scan3A_8, %mul3A_9 : i32
      %add3A_11 = arith.addi %mul3A_2, %mul3A_10 : i32
      %jit3A = arith.constant 128 : i32
      %div3A = arith.divsi %add3A_11, %jit3A : i32
      %sign3A = arith.constant 0 : i32
      %sign3A_12 = arith.cmpi sgt, %add3A_11, %sign3A : i32
      %sign3A_13 = arith.extui %sign3A_12 : i1 to i32
      %sign3A_14 = arith.constant 0 : i32
      %sign3A_15 = arith.cmpi slt, %add3A_11, %sign3A_14 : i32
      %sign3A_16 = arith.extui %sign3A_15 : i1 to i32
      %sign3A_17 = arith.subi %sign3A_13, %sign3A_16 : i32
      %sign3A_18 = arith.constant 0 : i32
      %sign3A_19 = arith.cmpi sgt, %jit3A, %sign3A_18 : i32
      %sign3A_20 = arith.extui %sign3A_19 : i1 to i32
      %sign3A_21 = arith.constant 0 : i32
      %sign3A_22 = arith.cmpi slt, %jit3A, %sign3A_21 : i32
      %sign3A_23 = arith.extui %sign3A_22 : i1 to i32
      %sign3A_24 = arith.subi %sign3A_20, %sign3A_23 : i32
      %ne3A = arith.cmpi ne, %sign3A_17, %sign3A_24 : i32
      %rem3A = arith.remsi %add3A_11, %jit3A : i32
      %ne3A_25 = arith.constant 0 : i32
      %ne3A_26 = arith.cmpi ne, %rem3A, %ne3A_25 : i32
      %and3A = arith.andi %ne3A, %ne3A_26 : i1
      %sub3A = arith.constant 1 : i32
      %sub3A_27 = arith.subi %div3A, %sub3A : i32
      %select_n3A = arith.select %and3A, %sub3A_27, %div3A : i32
      %multiple_of3A = tpu.assume_multiple %select_n3A, 4 : i32
      "tpu.region"() ({
        %run_scoped3A = tpu.sem_alloc : memref<!tpu.dma_semaphore, #tpu.memory_space<semaphore_mem>>
        %dma_start3A_106 = arith.constant 0 : i32
        %dma_start3A_107 = arith.constant 0 : i32
        %dma_start3A_108 = tpu.memref_slice %arg5[%dma_start3A_106, %dma_start3A_107] : memref<4x128xi32, #tpu.memory_space<vmem>> -> memref<4x128xi32, #tpu.memory_space<vmem>>
        %dma_start3A_109 = arith.constant 0 : i32
        %dma_start3A_110 = tpu.memref_slice %arg2[%multiple_of3A, %dma_start3A_109] : memref<1792x128xi32, #tpu.memory_space<hbm>> -> memref<4x128xi32, #tpu.memory_space<hbm>>
        %dma_start3A_111 = arith.constant 0 : i32
        %dma_start3A_112 = arith.constant 0 : i32
        %dma_start3A_113 = tpu.memref_slice %arg5[%dma_start3A_111, %dma_start3A_112] : memref<4x128xi32, #tpu.memory_space<vmem>> -> memref<4x128xi32, #tpu.memory_space<vmem>>
        %dma_start3A_114 = arith.constant 0 : i32
        %dma_start3A_115 = tpu.memref_slice %arg2[%multiple_of3A, %dma_start3A_114] : memref<1792x128xi32, #tpu.memory_space<hbm>> -> memref<4x128xi32, #tpu.memory_space<hbm>>
        tpu.enqueue_dma source(%dma_start3A_115 : memref<4x128xi32, #tpu.memory_space<hbm>>) target(%dma_start3A_113 : memref<4x128xi32, #tpu.memory_space<vmem>>) target_semaphore(%run_scoped3A : memref<!tpu.dma_semaphore, #tpu.memory_space<semaphore_mem>>)
        %dma_wait3A_116 = arith.constant 0 : i32
        %dma_wait3A_117 = arith.constant 0 : i32
        %dma_wait3A_118 = tpu.memref_slice %arg5[%dma_wait3A_116, %dma_wait3A_117] : memref<4x128xi32, #tpu.memory_space<vmem>> -> memref<4x128xi32, #tpu.memory_space<vmem>>
        %dma_wait3A_119 = arith.constant 0 : i32
        %dma_wait3A_120 = tpu.memref_slice %arg2[%multiple_of3A, %dma_wait3A_119] : memref<1792x128xi32, #tpu.memory_space<hbm>> -> memref<4x128xi32, #tpu.memory_space<hbm>>
        %dma_wait3A_121 = arith.constant 0 : i32
        %dma_wait3A_122 = arith.constant 0 : i32
        %dma_wait3A_123 = tpu.memref_slice %arg5[%dma_wait3A_121, %dma_wait3A_122] : memref<4x128xi32, #tpu.memory_space<vmem>> -> memref<4x128xi32, #tpu.memory_space<vmem>>
        %dma_wait3A_124 = arith.constant 0 : i32
        %dma_wait3A_125 = tpu.memref_slice %arg2[%multiple_of3A, %dma_wait3A_124] : memref<1792x128xi32, #tpu.memory_space<hbm>> -> memref<4x128xi32, #tpu.memory_space<hbm>>
        tpu.wait_dma2 semaphore(%run_scoped3A : memref<!tpu.dma_semaphore, #tpu.memory_space<semaphore_mem>>) src(%dma_wait3A_125 : memref<4x128xi32, #tpu.memory_space<hbm>>) dst(%dma_wait3A_123 : memref<4x128xi32, #tpu.memory_space<vmem>>)
        tpu.yield
      }) : () -> ()
      %dma_start3A = arith.constant 0 : i32
      %dma_start3A_28 = arith.constant 0 : i32
      %dma_start3A_29 = arith.constant 0 : i32
      %dma_start3A_30 = tpu.memref_slice %arg6[%dma_start3A_28, %dma_start3A_29] : memref<512x128xf32, #tpu.memory_space<vmem>> -> memref<128x128xf32, #tpu.memory_space<vmem>>
      %dma_start3A_31 = arith.constant 0 : i32
      %dma_start3A_32 = tpu.memref_slice %arg5[%dma_start3A, %dma_start3A_31] : memref<4x128xi32, #tpu.memory_space<vmem>> -> memref<1x128xi32, #tpu.memory_space<vmem>>
      %dma_start3A_33 = tpu.memref_squeeze %dma_start3A_32 : memref<1x128xi32, #tpu.memory_space<vmem>> -> memref<128xi32, #tpu.memory_space<vmem>>
      %dma_start3A_34 = arith.constant 0 : i32
      %dma_start3A_35 = arith.constant 0 : i32
      %dma_start3A_36 = tpu.memref_slice %arg3[%dma_start3A_34, %dma_start3A_35] : memref<1000000x128xf32, #tpu.memory_space<hbm>> -> memref<1000000x128xf32, #tpu.memory_space<hbm>>
      tpu.enqueue_indirect_dma source(%dma_start3A_36 : memref<1000000x128xf32, #tpu.memory_space<hbm>>) target(%dma_start3A_30 : memref<128x128xf32, #tpu.memory_space<vmem>>) offsets(%dma_start3A_33 : memref<128xi32, #tpu.memory_space<vmem>>) semaphore(%arg7 : memref<!tpu.dma_semaphore, #tpu.memory_space<semaphore_mem>>)
      %dma_start3A_37 = arith.constant 1 : i32
      %dma_start3A_38 = arith.constant 128 : i32
      %dma_start3A_39 = arith.constant 0 : i32
      %dma_start3A_40 = tpu.memref_slice %arg6[%dma_start3A_38, %dma_start3A_39] : memref<512x128xf32, #tpu.memory_space<vmem>> -> memref<128x128xf32, #tpu.memory_space<vmem>>
      %dma_start3A_41 = arith.constant 0 : i32
      %dma_start3A_42 = tpu.memref_slice %arg5[%dma_start3A_37, %dma_start3A_41] : memref<4x128xi32, #tpu.memory_space<vmem>> -> memref<1x128xi32, #tpu.memory_space<vmem>>
      %dma_start3A_43 = tpu.memref_squeeze %dma_start3A_42 : memref<1x128xi32, #tpu.memory_space<vmem>> -> memref<128xi32, #tpu.memory_space<vmem>>
      %dma_start3A_44 = arith.constant 0 : i32
      %dma_start3A_45 = arith.constant 0 : i32
      %dma_start3A_46 = tpu.memref_slice %arg3[%dma_start3A_44, %dma_start3A_45] : memref<1000000x128xf32, #tpu.memory_space<hbm>> -> memref<1000000x128xf32, #tpu.memory_space<hbm>>
      tpu.enqueue_indirect_dma source(%dma_start3A_46 : memref<1000000x128xf32, #tpu.memory_space<hbm>>) target(%dma_start3A_40 : memref<128x128xf32, #tpu.memory_space<vmem>>) offsets(%dma_start3A_43 : memref<128xi32, #tpu.memory_space<vmem>>) semaphore(%arg7 : memref<!tpu.dma_semaphore, #tpu.memory_space<semaphore_mem>>)
      %dma_start3A_47 = arith.constant 2 : i32
      %dma_start3A_48 = arith.constant 256 : i32
      %dma_start3A_49 = arith.constant 0 : i32
      %dma_start3A_50 = tpu.memref_slice %arg6[%dma_start3A_48, %dma_start3A_49] : memref<512x128xf32, #tpu.memory_space<vmem>> -> memref<128x128xf32, #tpu.memory_space<vmem>>
      %dma_start3A_51 = arith.constant 0 : i32
      %dma_start3A_52 = tpu.memref_slice %arg5[%dma_start3A_47, %dma_start3A_51] : memref<4x128xi32, #tpu.memory_space<vmem>> -> memref<1x128xi32, #tpu.memory_space<vmem>>
      %dma_start3A_53 = tpu.memref_squeeze %dma_start3A_52 : memref<1x128xi32, #tpu.memory_space<vmem>> -> memref<128xi32, #tpu.memory_space<vmem>>
      %dma_start3A_54 = arith.constant 0 : i32
      %dma_start3A_55 = arith.constant 0 : i32
      %dma_start3A_56 = tpu.memref_slice %arg3[%dma_start3A_54, %dma_start3A_55] : memref<1000000x128xf32, #tpu.memory_space<hbm>> -> memref<1000000x128xf32, #tpu.memory_space<hbm>>
      tpu.enqueue_indirect_dma source(%dma_start3A_56 : memref<1000000x128xf32, #tpu.memory_space<hbm>>) target(%dma_start3A_50 : memref<128x128xf32, #tpu.memory_space<vmem>>) offsets(%dma_start3A_53 : memref<128xi32, #tpu.memory_space<vmem>>) semaphore(%arg7 : memref<!tpu.dma_semaphore, #tpu.memory_space<semaphore_mem>>)
      %dma_start3A_57 = arith.constant 3 : i32
      %dma_start3A_58 = arith.constant 384 : i32
      %dma_start3A_59 = arith.constant 0 : i32
      %dma_start3A_60 = tpu.memref_slice %arg6[%dma_start3A_58, %dma_start3A_59] : memref<512x128xf32, #tpu.memory_space<vmem>> -> memref<128x128xf32, #tpu.memory_space<vmem>>
      %dma_start3A_61 = arith.constant 0 : i32
      %dma_start3A_62 = tpu.memref_slice %arg5[%dma_start3A_57, %dma_start3A_61] : memref<4x128xi32, #tpu.memory_space<vmem>> -> memref<1x128xi32, #tpu.memory_space<vmem>>
      %dma_start3A_63 = tpu.memref_squeeze %dma_start3A_62 : memref<1x128xi32, #tpu.memory_space<vmem>> -> memref<128xi32, #tpu.memory_space<vmem>>
      %dma_start3A_64 = arith.constant 0 : i32
      %dma_start3A_65 = arith.constant 0 : i32
      %dma_start3A_66 = tpu.memref_slice %arg3[%dma_start3A_64, %dma_start3A_65] : memref<1000000x128xf32, #tpu.memory_space<hbm>> -> memref<1000000x128xf32, #tpu.memory_space<hbm>>
      tpu.enqueue_indirect_dma source(%dma_start3A_66 : memref<1000000x128xf32, #tpu.memory_space<hbm>>) target(%dma_start3A_60 : memref<128x128xf32, #tpu.memory_space<vmem>>) offsets(%dma_start3A_63 : memref<128xi32, #tpu.memory_space<vmem>>) semaphore(%arg7 : memref<!tpu.dma_semaphore, #tpu.memory_space<semaphore_mem>>)
      %dma_wait3A = arith.constant 0 : i32
      %dma_wait3A_67 = arith.constant 0 : i32
      %dma_wait3A_68 = arith.constant 0 : i32
      %dma_wait3A_69 = tpu.memref_slice %arg6[%dma_wait3A_67, %dma_wait3A_68] : memref<512x128xf32, #tpu.memory_space<vmem>> -> memref<128x128xf32, #tpu.memory_space<vmem>>
      %dma_wait3A_70 = arith.constant 0 : i32
      %dma_wait3A_71 = tpu.memref_slice %arg5[%dma_wait3A, %dma_wait3A_70] : memref<4x128xi32, #tpu.memory_space<vmem>> -> memref<1x128xi32, #tpu.memory_space<vmem>>
      %dma_wait3A_72 = tpu.memref_squeeze %dma_wait3A_71 : memref<1x128xi32, #tpu.memory_space<vmem>> -> memref<128xi32, #tpu.memory_space<vmem>>
      %dma_wait3A_73 = arith.constant 0 : i32
      %dma_wait3A_74 = arith.constant 0 : i32
      %dma_wait3A_75 = tpu.memref_slice %arg3[%dma_wait3A_73, %dma_wait3A_74] : memref<1000000x128xf32, #tpu.memory_space<hbm>> -> memref<1000000x128xf32, #tpu.memory_space<hbm>>
      tpu.wait_indirect_dma semaphore(%arg7 : memref<!tpu.dma_semaphore, #tpu.memory_space<semaphore_mem>>) src(%dma_wait3A_75 : memref<1000000x128xf32, #tpu.memory_space<hbm>>) dst(%dma_wait3A_69 : memref<128x128xf32, #tpu.memory_space<vmem>>)
      %dma_wait3A_76 = arith.constant 1 : i32
      %dma_wait3A_77 = arith.constant 128 : i32
      %dma_wait3A_78 = arith.constant 0 : i32
      %dma_wait3A_79 = tpu.memref_slice %arg6[%dma_wait3A_77, %dma_wait3A_78] : memref<512x128xf32, #tpu.memory_space<vmem>> -> memref<128x128xf32, #tpu.memory_space<vmem>>
      %dma_wait3A_80 = arith.constant 0 : i32
      %dma_wait3A_81 = tpu.memref_slice %arg5[%dma_wait3A_76, %dma_wait3A_80] : memref<4x128xi32, #tpu.memory_space<vmem>> -> memref<1x128xi32, #tpu.memory_space<vmem>>
      %dma_wait3A_82 = tpu.memref_squeeze %dma_wait3A_81 : memref<1x128xi32, #tpu.memory_space<vmem>> -> memref<128xi32, #tpu.memory_space<vmem>>
      %dma_wait3A_83 = arith.constant 0 : i32
      %dma_wait3A_84 = arith.constant 0 : i32
      %dma_wait3A_85 = tpu.memref_slice %arg3[%dma_wait3A_83, %dma_wait3A_84] : memref<1000000x128xf32, #tpu.memory_space<hbm>> -> memref<1000000x128xf32, #tpu.memory_space<hbm>>
      tpu.wait_indirect_dma semaphore(%arg7 : memref<!tpu.dma_semaphore, #tpu.memory_space<semaphore_mem>>) src(%dma_wait3A_85 : memref<1000000x128xf32, #tpu.memory_space<hbm>>) dst(%dma_wait3A_79 : memref<128x128xf32, #tpu.memory_space<vmem>>)
      %dma_wait3A_86 = arith.constant 2 : i32
      %dma_wait3A_87 = arith.constant 256 : i32
      %dma_wait3A_88 = arith.constant 0 : i32
      %dma_wait3A_89 = tpu.memref_slice %arg6[%dma_wait3A_87, %dma_wait3A_88] : memref<512x128xf32, #tpu.memory_space<vmem>> -> memref<128x128xf32, #tpu.memory_space<vmem>>
      %dma_wait3A_90 = arith.constant 0 : i32
      %dma_wait3A_91 = tpu.memref_slice %arg5[%dma_wait3A_86, %dma_wait3A_90] : memref<4x128xi32, #tpu.memory_space<vmem>> -> memref<1x128xi32, #tpu.memory_space<vmem>>
      %dma_wait3A_92 = tpu.memref_squeeze %dma_wait3A_91 : memref<1x128xi32, #tpu.memory_space<vmem>> -> memref<128xi32, #tpu.memory_space<vmem>>
      %dma_wait3A_93 = arith.constant 0 : i32
      %dma_wait3A_94 = arith.constant 0 : i32
      %dma_wait3A_95 = tpu.memref_slice %arg3[%dma_wait3A_93, %dma_wait3A_94] : memref<1000000x128xf32, #tpu.memory_space<hbm>> -> memref<1000000x128xf32, #tpu.memory_space<hbm>>
      tpu.wait_indirect_dma semaphore(%arg7 : memref<!tpu.dma_semaphore, #tpu.memory_space<semaphore_mem>>) src(%dma_wait3A_95 : memref<1000000x128xf32, #tpu.memory_space<hbm>>) dst(%dma_wait3A_89 : memref<128x128xf32, #tpu.memory_space<vmem>>)
      %dma_wait3A_96 = arith.constant 3 : i32
      %dma_wait3A_97 = arith.constant 384 : i32
      %dma_wait3A_98 = arith.constant 0 : i32
      %dma_wait3A_99 = tpu.memref_slice %arg6[%dma_wait3A_97, %dma_wait3A_98] : memref<512x128xf32, #tpu.memory_space<vmem>> -> memref<128x128xf32, #tpu.memory_space<vmem>>
      %dma_wait3A_100 = arith.constant 0 : i32
      %dma_wait3A_101 = tpu.memref_slice %arg5[%dma_wait3A_96, %dma_wait3A_100] : memref<4x128xi32, #tpu.memory_space<vmem>> -> memref<1x128xi32, #tpu.memory_space<vmem>>
      %dma_wait3A_102 = tpu.memref_squeeze %dma_wait3A_101 : memref<1x128xi32, #tpu.memory_space<vmem>> -> memref<128xi32, #tpu.memory_space<vmem>>
      %dma_wait3A_103 = arith.constant 0 : i32
      %dma_wait3A_104 = arith.constant 0 : i32
      %dma_wait3A_105 = tpu.memref_slice %arg3[%dma_wait3A_103, %dma_wait3A_104] : memref<1000000x128xf32, #tpu.memory_space<hbm>> -> memref<1000000x128xf32, #tpu.memory_space<hbm>>
      tpu.wait_indirect_dma semaphore(%arg7 : memref<!tpu.dma_semaphore, #tpu.memory_space<semaphore_mem>>) src(%dma_wait3A_105 : memref<1000000x128xf32, #tpu.memory_space<hbm>>) dst(%dma_wait3A_99 : memref<128x128xf32, #tpu.memory_space<vmem>>)
      "tpu.region"() ({
        %run_scoped3A = tpu.sem_alloc : memref<!tpu.dma_semaphore, #tpu.memory_space<semaphore_mem>>
        %dma_start3A_106 = arith.constant 0 : i32
        %dma_start3A_107 = arith.constant 0 : i32
        %dma_start3A_108 = tpu.memref_slice %arg6[%dma_start3A_106, %dma_start3A_107] : memref<512x128xf32, #tpu.memory_space<vmem>> -> memref<512x128xf32, #tpu.memory_space<vmem>>
        %dma_start3A_109 = arith.constant 0 : i32
        %dma_start3A_110 = tpu.memref_slice %arg4[%add3A_11, %dma_start3A_109] : memref<229376x128xf32, #tpu.memory_space<hbm>> -> memref<512x128xf32, #tpu.memory_space<hbm>>
        %dma_start3A_111 = arith.constant 0 : i32
        %dma_start3A_112 = tpu.memref_slice %arg4[%add3A_11, %dma_start3A_111] : memref<229376x128xf32, #tpu.memory_space<hbm>> -> memref<512x128xf32, #tpu.memory_space<hbm>>
        %dma_start3A_113 = arith.constant 0 : i32
        %dma_start3A_114 = arith.constant 0 : i32
        %dma_start3A_115 = tpu.memref_slice %arg6[%dma_start3A_113, %dma_start3A_114] : memref<512x128xf32, #tpu.memory_space<vmem>> -> memref<512x128xf32, #tpu.memory_space<vmem>>
        tpu.enqueue_dma source(%dma_start3A_115 : memref<512x128xf32, #tpu.memory_space<vmem>>) target(%dma_start3A_112 : memref<512x128xf32, #tpu.memory_space<hbm>>) target_semaphore(%run_scoped3A : memref<!tpu.dma_semaphore, #tpu.memory_space<semaphore_mem>>)
        %dma_wait3A_116 = arith.constant 0 : i32
        %dma_wait3A_117 = arith.constant 0 : i32
        %dma_wait3A_118 = tpu.memref_slice %arg6[%dma_wait3A_116, %dma_wait3A_117] : memref<512x128xf32, #tpu.memory_space<vmem>> -> memref<512x128xf32, #tpu.memory_space<vmem>>
        %dma_wait3A_119 = arith.constant 0 : i32
        %dma_wait3A_120 = tpu.memref_slice %arg4[%add3A_11, %dma_wait3A_119] : memref<229376x128xf32, #tpu.memory_space<hbm>> -> memref<512x128xf32, #tpu.memory_space<hbm>>
        %dma_wait3A_121 = arith.constant 0 : i32
        %dma_wait3A_122 = tpu.memref_slice %arg4[%add3A_11, %dma_wait3A_121] : memref<229376x128xf32, #tpu.memory_space<hbm>> -> memref<512x128xf32, #tpu.memory_space<hbm>>
        %dma_wait3A_123 = arith.constant 0 : i32
        %dma_wait3A_124 = arith.constant 0 : i32
        %dma_wait3A_125 = tpu.memref_slice %arg6[%dma_wait3A_123, %dma_wait3A_124] : memref<512x128xf32, #tpu.memory_space<vmem>> -> memref<512x128xf32, #tpu.memory_space<vmem>>
        tpu.wait_dma2 semaphore(%run_scoped3A : memref<!tpu.dma_semaphore, #tpu.memory_space<semaphore_mem>>) src(%dma_wait3A_125 : memref<512x128xf32, #tpu.memory_space<vmem>>) dst(%dma_wait3A_122 : memref<512x128xf32, #tpu.memory_space<hbm>>)
        tpu.yield
      }) : () -> ()
    }
    %scan3A_7 = arith.constant 14 : i32
    return
  }
}

#map = affine_map<(d0, d1) -> (0, 0)>
module attributes {stable_mosaic.version = 14 : i64} {
  func.func @gk(%arg0: i32, %arg1: i32, %arg2: memref<1792x128xi32, #tpu.memory_space<hbm>>, %arg3: memref<1000000x128xf32, #tpu.memory_space<hbm>>, %arg4: memref<229376x128xf32, #tpu.memory_space<hbm>>, %arg5: memref<4x128xi32, #tpu.memory_space<vmem>>, %arg6: memref<512x128xf32, #tpu.memory_space<vmem>>, %arg7: memref<!tpu.dma_semaphore, #tpu.memory_space<semaphore_mem>>) attributes {dimension_semantics = [#tpu.dimension_semantics<core_parallel>, #tpu.dimension_semantics<subcore_parallel>], iteration_bounds = array<i64: 2, 16>, scalar_prefetch = 0 : i64, scratch_operands = 3 : i64, tpu.core_type = #tpu.core_type<sc_vector_subcore>, window_params = [{transform_indices = #map}, {transform_indices = #map}, {transform_indices = #map}]} {
    %mul3A = arith.constant 2 : i32
    %mul3A_0 = arith.muli %arg1, %mul3A : i32
    %add3A = arith.addi %mul3A_0, %arg0 : i32
    %mul3A_1 = arith.constant 7168 : i32
    %mul3A_2 = arith.muli %add3A, %mul3A_1 : i32
    %scan3A = arith.constant 0 : i32
    %scan3A_3 = arith.constant 0 : i32
    %scan3A_4 = arith.constant 14 : i32
    %scan3A_5 = arith.addi %scan3A_3, %scan3A_4 : i32
    %scan3A_6 = arith.constant 1 : i32
    scf.for %scan3A_8 = %scan3A_3 to %scan3A_5 step %scan3A_6  : i32 {
      %mul3A_9 = arith.constant 512 : i32
      %mul3A_10 = arith.muli %scan3A_8, %mul3A_9 : i32
      %add3A_11 = arith.addi %mul3A_2, %mul3A_10 : i32
      %jit3A = arith.constant 128 : i32
      %div3A = arith.divsi %add3A_11, %jit3A : i32
      %sign3A = arith.constant 0 : i32
      %sign3A_12 = arith.cmpi sgt, %add3A_11, %sign3A : i32
      %sign3A_13 = arith.extui %sign3A_12 : i1 to i32
      %sign3A_14 = arith.constant 0 : i32
      %sign3A_15 = arith.cmpi slt, %add3A_11, %sign3A_14 : i32
      %sign3A_16 = arith.extui %sign3A_15 : i1 to i32
      %sign3A_17 = arith.subi %sign3A_13, %sign3A_16 : i32
      %sign3A_18 = arith.constant 0 : i32
      %sign3A_19 = arith.cmpi sgt, %jit3A, %sign3A_18 : i32
      %sign3A_20 = arith.extui %sign3A_19 : i1 to i32
      %sign3A_21 = arith.constant 0 : i32
      %sign3A_22 = arith.cmpi slt, %jit3A, %sign3A_21 : i32
      %sign3A_23 = arith.extui %sign3A_22 : i1 to i32
      %sign3A_24 = arith.subi %sign3A_20, %sign3A_23 : i32
      %ne3A = arith.cmpi ne, %sign3A_17, %sign3A_24 : i32
      %rem3A = arith.remsi %add3A_11, %jit3A : i32
      %ne3A_25 = arith.constant 0 : i32
      %ne3A_26 = arith.cmpi ne, %rem3A, %ne3A_25 : i32
      %and3A = arith.andi %ne3A, %ne3A_26 : i1
      %sub3A = arith.constant 1 : i32
      %sub3A_27 = arith.subi %div3A, %sub3A : i32
      %select_n3A = arith.select %and3A, %sub3A_27, %div3A : i32
      %multiple_of3A = tpu.assume_multiple %select_n3A, 4 : i32
      "tpu.region"() ({
        %run_scoped3A = tpu.sem_alloc : memref<!tpu.dma_semaphore, #tpu.memory_space<semaphore_mem>>
        %dma_start3A_106 = arith.constant 0 : i32
        %dma_start3A_107 = arith.constant 0 : i32
        %dma_start3A_108 = tpu.memref_slice %arg5[%dma_start3A_106, %dma_start3A_107] : memref<4x128xi32, #tpu.memory_space<vmem>> -> memref<4x128xi32, #tpu.memory_space<vmem>>
        %dma_start3A_109 = arith.constant 0 : i32
        %dma_start3A_110 = tpu.memref_slice %arg2[%multiple_of3A, %dma_start3A_109] : memref<1792x128xi32, #tpu.memory_space<hbm>> -> memref<4x128xi32, #tpu.memory_space<hbm>>
        %dma_start3A_111 = arith.constant 0 : i32
        %dma_start3A_112 = arith.constant 0 : i32
        %dma_start3A_113 = tpu.memref_slice %arg5[%dma_start3A_111, %dma_start3A_112] : memref<4x128xi32, #tpu.memory_space<vmem>> -> memref<4x128xi32, #tpu.memory_space<vmem>>
        %dma_start3A_114 = arith.constant 0 : i32
        %dma_start3A_115 = tpu.memref_slice %arg2[%multiple_of3A, %dma_start3A_114] : memref<1792x128xi32, #tpu.memory_space<hbm>> -> memref<4x128xi32, #tpu.memory_space<hbm>>
        tpu.enqueue_dma source(%dma_start3A_115 : memref<4x128xi32, #tpu.memory_space<hbm>>) target(%dma_start3A_113 : memref<4x128xi32, #tpu.memory_space<vmem>>) target_semaphore(%run_scoped3A : memref<!tpu.dma_semaphore, #tpu.memory_space<semaphore_mem>>)
        %dma_wait3A_116 = arith.constant 0 : i32
        %dma_wait3A_117 = arith.constant 0 : i32
        %dma_wait3A_118 = tpu.memref_slice %arg5[%dma_wait3A_116, %dma_wait3A_117] : memref<4x128xi32, #tpu.memory_space<vmem>> -> memref<4x128xi32, #tpu.memory_space<vmem>>
        %dma_wait3A_119 = arith.constant 0 : i32
        %dma_wait3A_120 = tpu.memref_slice %arg2[%multiple_of3A, %dma_wait3A_119] : memref<1792x128xi32, #tpu.memory_space<hbm>> -> memref<4x128xi32, #tpu.memory_space<hbm>>
        %dma_wait3A_121 = arith.constant 0 : i32
        %dma_wait3A_122 = arith.constant 0 : i32
        %dma_wait3A_123 = tpu.memref_slice %arg5[%dma_wait3A_121, %dma_wait3A_122] : memref<4x128xi32, #tpu.memory_space<vmem>> -> memref<4x128xi32, #tpu.memory_space<vmem>>
        %dma_wait3A_124 = arith.constant 0 : i32
        %dma_wait3A_125 = tpu.memref_slice %arg2[%multiple_of3A, %dma_wait3A_124] : memref<1792x128xi32, #tpu.memory_space<hbm>> -> memref<4x128xi32, #tpu.memory_space<hbm>>
        tpu.wait_dma2 semaphore(%run_scoped3A : memref<!tpu.dma_semaphore, #tpu.memory_space<semaphore_mem>>) src(%dma_wait3A_125 : memref<4x128xi32, #tpu.memory_space<hbm>>) dst(%dma_wait3A_123 : memref<4x128xi32, #tpu.memory_space<vmem>>)
        tpu.yield
      }) : () -> ()
      %dma_start3A = arith.constant 0 : i32
      %dma_start3A_28 = arith.constant 0 : i32
      %dma_start3A_29 = arith.constant 0 : i32
      %dma_start3A_30 = tpu.memref_slice %arg6[%dma_start3A_28, %dma_start3A_29] : memref<512x128xf32, #tpu.memory_space<vmem>> -> memref<128x128xf32, #tpu.memory_space<vmem>>
      %dma_start3A_31 = arith.constant 0 : i32
      %dma_start3A_32 = tpu.memref_slice %arg5[%dma_start3A, %dma_start3A_31] : memref<4x128xi32, #tpu.memory_space<vmem>> -> memref<1x128xi32, #tpu.memory_space<vmem>>
      %dma_start3A_33 = tpu.memref_squeeze %dma_start3A_32 : memref<1x128xi32, #tpu.memory_space<vmem>> -> memref<128xi32, #tpu.memory_space<vmem>>
      %dma_start3A_34 = arith.constant 0 : i32
      %dma_start3A_35 = arith.constant 0 : i32
      %dma_start3A_36 = tpu.memref_slice %arg3[%dma_start3A_34, %dma_start3A_35] : memref<1000000x128xf32, #tpu.memory_space<hbm>> -> memref<1000000x128xf32, #tpu.memory_space<hbm>>
      tpu.enqueue_indirect_dma source(%dma_start3A_36 : memref<1000000x128xf32, #tpu.memory_space<hbm>>) target(%dma_start3A_30 : memref<128x128xf32, #tpu.memory_space<vmem>>) offsets(%dma_start3A_33 : memref<128xi32, #tpu.memory_space<vmem>>) semaphore(%arg7 : memref<!tpu.dma_semaphore, #tpu.memory_space<semaphore_mem>>)
      %dma_start3A_37 = arith.constant 1 : i32
      %dma_start3A_38 = arith.constant 128 : i32
      %dma_start3A_39 = arith.constant 0 : i32
      %dma_start3A_40 = tpu.memref_slice %arg6[%dma_start3A_38, %dma_start3A_39] : memref<512x128xf32, #tpu.memory_space<vmem>> -> memref<128x128xf32, #tpu.memory_space<vmem>>
      %dma_start3A_41 = arith.constant 0 : i32
      %dma_start3A_42 = tpu.memref_slice %arg5[%dma_start3A_37, %dma_start3A_41] : memref<4x128xi32, #tpu.memory_space<vmem>> -> memref<1x128xi32, #tpu.memory_space<vmem>>
      %dma_start3A_43 = tpu.memref_squeeze %dma_start3A_42 : memref<1x128xi32, #tpu.memory_space<vmem>> -> memref<128xi32, #tpu.memory_space<vmem>>
      %dma_start3A_44 = arith.constant 0 : i32
      %dma_start3A_45 = arith.constant 0 : i32
      %dma_start3A_46 = tpu.memref_slice %arg3[%dma_start3A_44, %dma_start3A_45] : memref<1000000x128xf32, #tpu.memory_space<hbm>> -> memref<1000000x128xf32, #tpu.memory_space<hbm>>
      tpu.enqueue_indirect_dma source(%dma_start3A_46 : memref<1000000x128xf32, #tpu.memory_space<hbm>>) target(%dma_start3A_40 : memref<128x128xf32, #tpu.memory_space<vmem>>) offsets(%dma_start3A_43 : memref<128xi32, #tpu.memory_space<vmem>>) semaphore(%arg7 : memref<!tpu.dma_semaphore, #tpu.memory_space<semaphore_mem>>)
      %dma_start3A_47 = arith.constant 2 : i32
      %dma_start3A_48 = arith.constant 256 : i32
      %dma_start3A_49 = arith.constant 0 : i32
      %dma_start3A_50 = tpu.memref_slice %arg6[%dma_start3A_48, %dma_start3A_49] : memref<512x128xf32, #tpu.memory_space<vmem>> -> memref<128x128xf32, #tpu.memory_space<vmem>>
      %dma_start3A_51 = arith.constant 0 : i32
      %dma_start3A_52 = tpu.memref_slice %arg5[%dma_start3A_47, %dma_start3A_51] : memref<4x128xi32, #tpu.memory_space<vmem>> -> memref<1x128xi32, #tpu.memory_space<vmem>>
      %dma_start3A_53 = tpu.memref_squeeze %dma_start3A_52 : memref<1x128xi32, #tpu.memory_space<vmem>> -> memref<128xi32, #tpu.memory_space<vmem>>
      %dma_start3A_54 = arith.constant 0 : i32
      %dma_start3A_55 = arith.constant 0 : i32
      %dma_start3A_56 = tpu.memref_slice %arg3[%dma_start3A_54, %dma_start3A_55] : memref<1000000x128xf32, #tpu.memory_space<hbm>> -> memref<1000000x128xf32, #tpu.memory_space<hbm>>
      tpu.enqueue_indirect_dma source(%dma_start3A_56 : memref<1000000x128xf32, #tpu.memory_space<hbm>>) target(%dma_start3A_50 : memref<128x128xf32, #tpu.memory_space<vmem>>) offsets(%dma_start3A_53 : memref<128xi32, #tpu.memory_space<vmem>>) semaphore(%arg7 : memref<!tpu.dma_semaphore, #tpu.memory_space<semaphore_mem>>)
      %dma_start3A_57 = arith.constant 3 : i32
      %dma_start3A_58 = arith.constant 384 : i32
      %dma_start3A_59 = arith.constant 0 : i32
      %dma_start3A_60 = tpu.memref_slice %arg6[%dma_start3A_58, %dma_start3A_59] : memref<512x128xf32, #tpu.memory_space<vmem>> -> memref<128x128xf32, #tpu.memory_space<vmem>>
      %dma_start3A_61 = arith.constant 0 : i32
      %dma_start3A_62 = tpu.memref_slice %arg5[%dma_start3A_57, %dma_start3A_61] : memref<4x128xi32, #tpu.memory_space<vmem>> -> memref<1x128xi32, #tpu.memory_space<vmem>>
      %dma_start3A_63 = tpu.memref_squeeze %dma_start3A_62 : memref<1x128xi32, #tpu.memory_space<vmem>> -> memref<128xi32, #tpu.memory_space<vmem>>
      %dma_start3A_64 = arith.constant 0 : i32
      %dma_start3A_65 = arith.constant 0 : i32
      %dma_start3A_66 = tpu.memref_slice %arg3[%dma_start3A_64, %dma_start3A_65] : memref<1000000x128xf32, #tpu.memory_space<hbm>> -> memref<1000000x128xf32, #tpu.memory_space<hbm>>
      tpu.enqueue_indirect_dma source(%dma_start3A_66 : memref<1000000x128xf32, #tpu.memory_space<hbm>>) target(%dma_start3A_60 : memref<128x128xf32, #tpu.memory_space<vmem>>) offsets(%dma_start3A_63 : memref<128xi32, #tpu.memory_space<vmem>>) semaphore(%arg7 : memref<!tpu.dma_semaphore, #tpu.memory_space<semaphore_mem>>)
      %dma_wait3A = arith.constant 0 : i32
      %dma_wait3A_67 = arith.constant 0 : i32
      %dma_wait3A_68 = arith.constant 0 : i32
      %dma_wait3A_69 = tpu.memref_slice %arg6[%dma_wait3A_67, %dma_wait3A_68] : memref<512x128xf32, #tpu.memory_space<vmem>> -> memref<128x128xf32, #tpu.memory_space<vmem>>
      %dma_wait3A_70 = arith.constant 0 : i32
      %dma_wait3A_71 = tpu.memref_slice %arg5[%dma_wait3A, %dma_wait3A_70] : memref<4x128xi32, #tpu.memory_space<vmem>> -> memref<1x128xi32, #tpu.memory_space<vmem>>
      %dma_wait3A_72 = tpu.memref_squeeze %dma_wait3A_71 : memref<1x128xi32, #tpu.memory_space<vmem>> -> memref<128xi32, #tpu.memory_space<vmem>>
      %dma_wait3A_73 = arith.constant 0 : i32
      %dma_wait3A_74 = arith.constant 0 : i32
      %dma_wait3A_75 = tpu.memref_slice %arg3[%dma_wait3A_73, %dma_wait3A_74] : memref<1000000x128xf32, #tpu.memory_space<hbm>> -> memref<1000000x128xf32, #tpu.memory_space<hbm>>
      tpu.wait_indirect_dma semaphore(%arg7 : memref<!tpu.dma_semaphore, #tpu.memory_space<semaphore_mem>>) src(%dma_wait3A_75 : memref<1000000x128xf32, #tpu.memory_space<hbm>>) dst(%dma_wait3A_69 : memref<128x128xf32, #tpu.memory_space<vmem>>)
      %dma_wait3A_76 = arith.constant 1 : i32
      %dma_wait3A_77 = arith.constant 128 : i32
      %dma_wait3A_78 = arith.constant 0 : i32
      %dma_wait3A_79 = tpu.memref_slice %arg6[%dma_wait3A_77, %dma_wait3A_78] : memref<512x128xf32, #tpu.memory_space<vmem>> -> memref<128x128xf32, #tpu.memory_space<vmem>>
      %dma_wait3A_80 = arith.constant 0 : i32
      %dma_wait3A_81 = tpu.memref_slice %arg5[%dma_wait3A_76, %dma_wait3A_80] : memref<4x128xi32, #tpu.memory_space<vmem>> -> memref<1x128xi32, #tpu.memory_space<vmem>>
      %dma_wait3A_82 = tpu.memref_squeeze %dma_wait3A_81 : memref<1x128xi32, #tpu.memory_space<vmem>> -> memref<128xi32, #tpu.memory_space<vmem>>
      %dma_wait3A_83 = arith.constant 0 : i32
      %dma_wait3A_84 = arith.constant 0 : i32
      %dma_wait3A_85 = tpu.memref_slice %arg3[%dma_wait3A_83, %dma_wait3A_84] : memref<1000000x128xf32, #tpu.memory_space<hbm>> -> memref<1000000x128xf32, #tpu.memory_space<hbm>>
      tpu.wait_indirect_dma semaphore(%arg7 : memref<!tpu.dma_semaphore, #tpu.memory_space<semaphore_mem>>) src(%dma_wait3A_85 : memref<1000000x128xf32, #tpu.memory_space<hbm>>) dst(%dma_wait3A_79 : memref<128x128xf32, #tpu.memory_space<vmem>>)
      %dma_wait3A_86 = arith.constant 2 : i32
      %dma_wait3A_87 = arith.constant 256 : i32
      %dma_wait3A_88 = arith.constant 0 : i32
      %dma_wait3A_89 = tpu.memref_slice %arg6[%dma_wait3A_87, %dma_wait3A_88] : memref<512x128xf32, #tpu.memory_space<vmem>> -> memref<128x128xf32, #tpu.memory_space<vmem>>
      %dma_wait3A_90 = arith.constant 0 : i32
      %dma_wait3A_91 = tpu.memref_slice %arg5[%dma_wait3A_86, %dma_wait3A_90] : memref<4x128xi32, #tpu.memory_space<vmem>> -> memref<1x128xi32, #tpu.memory_space<vmem>>
      %dma_wait3A_92 = tpu.memref_squeeze %dma_wait3A_91 : memref<1x128xi32, #tpu.memory_space<vmem>> -> memref<128xi32, #tpu.memory_space<vmem>>
      %dma_wait3A_93 = arith.constant 0 : i32
      %dma_wait3A_94 = arith.constant 0 : i32
      %dma_wait3A_95 = tpu.memref_slice %arg3[%dma_wait3A_93, %dma_wait3A_94] : memref<1000000x128xf32, #tpu.memory_space<hbm>> -> memref<1000000x128xf32, #tpu.memory_space<hbm>>
      tpu.wait_indirect_dma semaphore(%arg7 : memref<!tpu.dma_semaphore, #tpu.memory_space<semaphore_mem>>) src(%dma_wait3A_95 : memref<1000000x128xf32, #tpu.memory_space<hbm>>) dst(%dma_wait3A_89 : memref<128x128xf32, #tpu.memory_space<vmem>>)
      %dma_wait3A_96 = arith.constant 3 : i32
      %dma_wait3A_97 = arith.constant 384 : i32
      %dma_wait3A_98 = arith.constant 0 : i32
      %dma_wait3A_99 = tpu.memref_slice %arg6[%dma_wait3A_97, %dma_wait3A_98] : memref<512x128xf32, #tpu.memory_space<vmem>> -> memref<128x128xf32, #tpu.memory_space<vmem>>
      %dma_wait3A_100 = arith.constant 0 : i32
      %dma_wait3A_101 = tpu.memref_slice %arg5[%dma_wait3A_96, %dma_wait3A_100] : memref<4x128xi32, #tpu.memory_space<vmem>> -> memref<1x128xi32, #tpu.memory_space<vmem>>
      %dma_wait3A_102 = tpu.memref_squeeze %dma_wait3A_101 : memref<1x128xi32, #tpu.memory_space<vmem>> -> memref<128xi32, #tpu.memory_space<vmem>>
      %dma_wait3A_103 = arith.constant 0 : i32
      %dma_wait3A_104 = arith.constant 0 : i32
      %dma_wait3A_105 = tpu.memref_slice %arg3[%dma_wait3A_103, %dma_wait3A_104] : memref<1000000x128xf32, #tpu.memory_space<hbm>> -> memref<1000000x128xf32, #tpu.memory_space<hbm>>
      tpu.wait_indirect_dma semaphore(%arg7 : memref<!tpu.dma_semaphore, #tpu.memory_space<semaphore_mem>>) src(%dma_wait3A_105 : memref<1000000x128xf32, #tpu.memory_space<hbm>>) dst(%dma_wait3A_99 : memref<128x128xf32, #tpu.memory_space<vmem>>)
      "tpu.region"() ({
        %run_scoped3A = tpu.sem_alloc : memref<!tpu.dma_semaphore, #tpu.memory_space<semaphore_mem>>
        %dma_start3A_106 = arith.constant 0 : i32
        %dma_start3A_107 = arith.constant 0 : i32
        %dma_start3A_108 = tpu.memref_slice %arg6[%dma_start3A_106, %dma_start3A_107] : memref<512x128xf32, #tpu.memory_space<vmem>> -> memref<512x128xf32, #tpu.memory_space<vmem>>
        %dma_start3A_109 = arith.constant 0 : i32
        %dma_start3A_110 = tpu.memref_slice %arg4[%add3A_11, %dma_start3A_109] : memref<229376x128xf32, #tpu.memory_space<hbm>> -> memref<512x128xf32, #tpu.memory_space<hbm>>
        %dma_start3A_111 = arith.constant 0 : i32
        %dma_start3A_112 = tpu.memref_slice %arg4[%add3A_11, %dma_start3A_111] : memref<229376x128xf32, #tpu.memory_space<hbm>> -> memref<512x128xf32, #tpu.memory_space<hbm>>
        %dma_start3A_113 = arith.constant 0 : i32
        %dma_start3A_114 = arith.constant 0 : i32
        %dma_start3A_115 = tpu.memref_slice %arg6[%dma_start3A_113, %dma_start3A_114] : memref<512x128xf32, #tpu.memory_space<vmem>> -> memref<512x128xf32, #tpu.memory_space<vmem>>
        tpu.enqueue_dma source(%dma_start3A_115 : memref<512x128xf32, #tpu.memory_space<vmem>>) target(%dma_start3A_112 : memref<512x128xf32, #tpu.memory_space<hbm>>) target_semaphore(%run_scoped3A : memref<!tpu.dma_semaphore, #tpu.memory_space<semaphore_mem>>)
        %dma_wait3A_116 = arith.constant 0 : i32
        %dma_wait3A_117 = arith.constant 0 : i32
        %dma_wait3A_118 = tpu.memref_slice %arg6[%dma_wait3A_116, %dma_wait3A_117] : memref<512x128xf32, #tpu.memory_space<vmem>> -> memref<512x128xf32, #tpu.memory_space<vmem>>
        %dma_wait3A_119 = arith.constant 0 : i32
        %dma_wait3A_120 = tpu.memref_slice %arg4[%add3A_11, %dma_wait3A_119] : memref<229376x128xf32, #tpu.memory_space<hbm>> -> memref<512x128xf32, #tpu.memory_space<hbm>>
        %dma_wait3A_121 = arith.constant 0 : i32
        %dma_wait3A_122 = tpu.memref_slice %arg4[%add3A_11, %dma_wait3A_121] : memref<229376x128xf32, #tpu.memory_space<hbm>> -> memref<512x128xf32, #tpu.memory_space<hbm>>
        %dma_wait3A_123 = arith.constant 0 : i32
        %dma_wait3A_124 = arith.constant 0 : i32
        %dma_wait3A_125 = tpu.memref_slice %arg6[%dma_wait3A_123, %dma_wait3A_124] : memref<512x128xf32, #tpu.memory_space<vmem>> -> memref<512x128xf32, #tpu.memory_space<vmem>>
        tpu.wait_dma2 semaphore(%run_scoped3A : memref<!tpu.dma_semaphore, #tpu.memory_space<semaphore_mem>>) src(%dma_wait3A_125 : memref<512x128xf32, #tpu.memory_space<vmem>>) dst(%dma_wait3A_122 : memref<512x128xf32, #tpu.memory_space<hbm>>)
        tpu.yield
      }) : () -> ()
    }
    %scan3A_7 = arith.constant 14 : i32
    return
  }
}

module attributes {stable_mosaic.version = 14 : i64} {
  func.func @tk(%arg0: i32, %arg1: memref<64x16384xf32, #tpu.memory_space<vmem>>, %arg2: memref<16384x128xf32, #tpu.memory_space<vmem>>) attributes {dimension_semantics = [#tpu.dimension_semantics<arbitrary>], iteration_bounds = array<i64: 62>, scalar_prefetch = 0 : i64, scratch_operands = 0 : i64, tpu.core_type = #tpu.core_type<tc>, window_params = [{transform_indices = @transform_0, window_bounds = array<i64: 64, 16384>}, {transform_indices = @transform_1, window_bounds = array<i64: 16384, 128>}]} {
    %get3A = arith.constant 0 : index
    %get3A_0 = arith.constant 0 : index
    %get3A_1 = vector.load %arg1[%get3A, %get3A_0] : memref<64x16384xf32, #tpu.memory_space<vmem>>, vector<64x16384xf32>
    %transpose3A = tpu.transpose %get3A_1, [1, 0] : vector<64x16384xf32> -> vector<16384x64xf32>
    %concatenate3A = tpu.concatenate %transpose3A, %transpose3A in 1 : vector<16384x64xf32>, vector<16384x64xf32> -> vector<16384x128xf32>
    %swap3A = arith.constant 0 : index
    %swap3A_2 = arith.constant 0 : index
    %swap3A_3 = vector.load %arg2[%swap3A, %swap3A_2] : memref<16384x128xf32, #tpu.memory_space<vmem>>, vector<16384x128xf32>
    tpu.vector_store %arg2[%swap3A, %swap3A_2], %concatenate3A {strides = array<i32>} : memref<16384x128xf32, #tpu.memory_space<vmem>>, vector<16384x128xf32>,
    return
  }
  func.func @transform_0(%arg0: i32) -> (i32, i32) {
    %c0_i32 = arith.constant 0 : i32
    %c0_i32_0 = arith.constant 0 : i32
    return %c0_i32, %arg0 : i32, i32
  }
  func.func @transform_1(%arg0: i32) -> (i32, i32) {
    %c0_i32 = arith.constant 0 : i32
    %c0_i32_0 = arith.constant 0 : i32
    return %arg0, %c0_i32 : i32, i32
  }
}

module attributes {stable_mosaic.version = 14 : i64} {
  func.func @mk0(%arg0: i32, %arg1: memref<4096x128xf32, #tpu.memory_space<vmem>>, %arg2: memref<64x512xf32, #tpu.memory_space<vmem>>, %arg3: memref<1x512xf32, #tpu.memory_space<vmem>>, %arg4: memref<4096x512xf32, #tpu.memory_space<vmem>>) attributes {dimension_semantics = [#tpu.dimension_semantics<arbitrary>], iteration_bounds = array<i64: 8>, scalar_prefetch = 0 : i64, scratch_operands = 0 : i64, tpu.core_type = #tpu.core_type<tc>, window_params = [{transform_indices = @transform_0, window_bounds = array<i64: 4096, 128>}, {pipeline_mode = #tpu.pipeline_mode<synchronous>, transform_indices = @transform_1, window_bounds = array<i64: 64, 512>}, {pipeline_mode = #tpu.pipeline_mode<synchronous>, transform_indices = @transform_2, window_bounds = array<i64: 1, 512>}, {transform_indices = @transform_3, window_bounds = array<i64: 4096, 512>}]} {
    %get3A = arith.constant 0 : index
    %get3A_0 = arith.constant 0 : index
    %get3A_1 = vector.load %arg1[%get3A, %get3A_0] : memref<4096x128xf32, #tpu.memory_space<vmem>>, vector<4096x64xf32>
    %get3A_2 = arith.constant 0 : index
    %get3A_3 = arith.constant 0 : index
    %get3A_4 = vector.load %arg2[%get3A_2, %get3A_3] : memref<64x512xf32, #tpu.memory_space<vmem>>, vector<64x512xf32>
    %dot_general3A = arith.constant dense<0.000000e+00> : vector<4096x512xf32>
    %dot_general3A_5 = tpu.matmul %get3A_1, %get3A_4, %dot_general3A {dimension_numbers = #tpu.dot_dimension_numbers<[1], [0], [0], [1], [0, 0, 1, 1], [], []>, transpose_lhs_hint = false} : vector<4096x64xf32>, vector<64x512xf32>, vector<4096x512xf32> -> vector<4096x512xf32>
    %get3A_6 = arith.constant 0 : index
    %get3A_7 = arith.constant 0 : index
    %get3A_8 = vector.load %arg3[%get3A_6, %get3A_7] : memref<1x512xf32, #tpu.memory_space<vmem>>, vector<1x512xf32>
    %add3A = vector.broadcast %get3A_8 : vector<1x512xf32> to vector<4096x512xf32>
    %add3A_9 = arith.addf %dot_general3A_5, %add3A : vector<4096x512xf32>
    %max3A = arith.constant 0.000000e+00 : f32
    %max3A_10 = vector.broadcast %max3A : f32 to vector<4096x512xf32>
    %max3A_11 = arith.maximumf %add3A_9, %max3A_10 : vector<4096x512xf32>
    %swap3A = arith.constant 0 : index
    %swap3A_12 = arith.constant 0 : index
    %swap3A_13 = vector.load %arg4[%swap3A, %swap3A_12] : memref<4096x512xf32, #tpu.memory_space<vmem>>, vector<4096x512xf32>
    tpu.vector_store %arg4[%swap3A, %swap3A_12], %max3A_11 {strides = array<i32>} : memref<4096x512xf32, #tpu.memory_space<vmem>>, vector<4096x512xf32>,
    return
  }
  func.func @transform_0(%arg0: i32) -> (i32, i32) {
    %c0_i32 = arith.constant 0 : i32
    %c0_i32_0 = arith.constant 0 : i32
    return %arg0, %c0_i32 : i32, i32
  }
  func.func @transform_1(%arg0: i32) -> (i32, i32) {
    %c0_i32 = arith.constant 0 : i32
    %c0_i32_0 = arith.constant 0 : i32
    %c0_i32_1 = arith.constant 0 : i32
    return %c0_i32, %c0_i32_0 : i32, i32
  }
  func.func @transform_2(%arg0: i32) -> (i32, i32) {
    %c0_i32 = arith.constant 0 : i32
    %c0_i32_0 = arith.constant 0 : i32
    %c0_i32_1 = arith.constant 0 : i32
    return %c0_i32, %c0_i32_0 : i32, i32
  }
  func.func @transform_3(%arg0: i32) -> (i32, i32) {
    %add3A = arith.constant 0 : i32
    %add3A_0 = arith.addi %arg0, %add3A : i32
    %c0_i32 = arith.constant 0 : i32
    %c0_i32_1 = arith.constant 0 : i32
    return %add3A_0, %c0_i32 : i32, i32
  }
}

module attributes {stable_mosaic.version = 14 : i64} {
  func.func @mk(%arg0: i32, %arg1: memref<819200x512xf32, #tpu.memory_space<hbm>>, %arg2: memref<4096x128xf32, #tpu.memory_space<vmem>>, %arg3: memref<64x512xf32, #tpu.memory_space<vmem>>, %arg4: memref<1x512xf32, #tpu.memory_space<vmem>>, %arg5: memref<4096x512xf32, #tpu.memory_space<vmem>>) attributes {dimension_semantics = [#tpu.dimension_semantics<arbitrary>], iteration_bounds = array<i64: 24>, scalar_prefetch = 0 : i64, scratch_operands = 0 : i64, tpu.core_type = #tpu.core_type<tc>, window_params = [{}, {transform_indices = @transform_1, window_bounds = array<i64: 4096, 128>}, {pipeline_mode = #tpu.pipeline_mode<synchronous>, transform_indices = @transform_2, window_bounds = array<i64: 64, 512>}, {pipeline_mode = #tpu.pipeline_mode<synchronous>, transform_indices = @transform_3, window_bounds = array<i64: 1, 512>}, {transform_indices = @transform_4, window_bounds = array<i64: 4096, 512>}]} {
    %get3A = arith.constant 0 : index
    %get3A_0 = arith.constant 0 : index
    %get3A_1 = vector.load %arg2[%get3A, %get3A_0] : memref<4096x128xf32, #tpu.memory_space<vmem>>, vector<4096x64xf32>
    %get3A_2 = arith.constant 0 : index
    %get3A_3 = arith.constant 0 : index
    %get3A_4 = vector.load %arg3[%get3A_2, %get3A_3] : memref<64x512xf32, #tpu.memory_space<vmem>>, vector<64x512xf32>
    %dot_general3A = arith.constant dense<0.000000e+00> : vector<4096x512xf32>
    %dot_general3A_5 = tpu.matmul %get3A_1, %get3A_4, %dot_general3A {dimension_numbers = #tpu.dot_dimension_numbers<[1], [0], [0], [1], [0, 0, 1, 1], [], []>, transpose_lhs_hint = false} : vector<4096x64xf32>, vector<64x512xf32>, vector<4096x512xf32> -> vector<4096x512xf32>
    %get3A_6 = arith.constant 0 : index
    %get3A_7 = arith.constant 0 : index
    %get3A_8 = vector.load %arg4[%get3A_6, %get3A_7] : memref<1x512xf32, #tpu.memory_space<vmem>>, vector<1x512xf32>
    %add3A = vector.broadcast %get3A_8 : vector<1x512xf32> to vector<4096x512xf32>
    %add3A_9 = arith.addf %dot_general3A_5, %add3A : vector<4096x512xf32>
    %max3A = arith.constant 0.000000e+00 : f32
    %max3A_10 = vector.broadcast %max3A : f32 to vector<4096x512xf32>
    %max3A_11 = arith.maximumf %add3A_9, %max3A_10 : vector<4096x512xf32>
    %swap3A = arith.constant 0 : index
    %swap3A_12 = arith.constant 0 : index
    %swap3A_13 = vector.load %arg5[%swap3A, %swap3A_12] : memref<4096x512xf32, #tpu.memory_space<vmem>>, vector<4096x512xf32>
    tpu.vector_store %arg5[%swap3A, %swap3A_12], %max3A_11 {strides = array<i32>} : memref<4096x512xf32, #tpu.memory_space<vmem>>, vector<4096x512xf32>,
    return
  }
  func.func @transform_1(%arg0: i32) -> (i32, i32) {
    %c0_i32 = arith.constant 0 : i32
    %c0_i32_0 = arith.constant 0 : i32
    return %arg0, %c0_i32 : i32, i32
  }
  func.func @transform_2(%arg0: i32) -> (i32, i32) {
    %c0_i32 = arith.constant 0 : i32
    %c0_i32_0 = arith.constant 0 : i32
    %c0_i32_1 = arith.constant 0 : i32
    return %c0_i32, %c0_i32_0 : i32, i32
  }
  func.func @transform_3(%arg0: i32) -> (i32, i32) {
    %c0_i32 = arith.constant 0 : i32
    %c0_i32_0 = arith.constant 0 : i32
    %c0_i32_1 = arith.constant 0 : i32
    return %c0_i32, %c0_i32_0 : i32, i32
  }
  func.func @transform_4(%arg0: i32) -> (i32, i32) {
    %add3A = arith.constant 8 : i32
    %add3A_0 = arith.addi %arg0, %add3A : i32
    %c0_i32 = arith.constant 0 : i32
    %c0_i32_1 = arith.constant 0 : i32
    return %add3A_0, %c0_i32 : i32, i32
  }
}

module attributes {stable_mosaic.version = 14 : i64} {
  func.func @mk(%arg0: i32, %arg1: memref<819200x512xf32, #tpu.memory_space<hbm>>, %arg2: memref<4096x128xf32, #tpu.memory_space<vmem>>, %arg3: memref<64x512xf32, #tpu.memory_space<vmem>>, %arg4: memref<1x512xf32, #tpu.memory_space<vmem>>, %arg5: memref<4096x512xf32, #tpu.memory_space<vmem>>) attributes {dimension_semantics = [#tpu.dimension_semantics<arbitrary>], iteration_bounds = array<i64: 56>, scalar_prefetch = 0 : i64, scratch_operands = 0 : i64, tpu.core_type = #tpu.core_type<tc>, window_params = [{}, {transform_indices = @transform_1, window_bounds = array<i64: 4096, 128>}, {pipeline_mode = #tpu.pipeline_mode<synchronous>, transform_indices = @transform_2, window_bounds = array<i64: 64, 512>}, {pipeline_mode = #tpu.pipeline_mode<synchronous>, transform_indices = @transform_3, window_bounds = array<i64: 1, 512>}, {transform_indices = @transform_4, window_bounds = array<i64: 4096, 512>}]} {
    %get3A = arith.constant 0 : index
    %get3A_0 = arith.constant 0 : index
    %get3A_1 = vector.load %arg2[%get3A, %get3A_0] : memref<4096x128xf32, #tpu.memory_space<vmem>>, vector<4096x64xf32>
    %get3A_2 = arith.constant 0 : index
    %get3A_3 = arith.constant 0 : index
    %get3A_4 = vector.load %arg3[%get3A_2, %get3A_3] : memref<64x512xf32, #tpu.memory_space<vmem>>, vector<64x512xf32>
    %dot_general3A = arith.constant dense<0.000000e+00> : vector<4096x512xf32>
    %dot_general3A_5 = tpu.matmul %get3A_1, %get3A_4, %dot_general3A {dimension_numbers = #tpu.dot_dimension_numbers<[1], [0], [0], [1], [0, 0, 1, 1], [], []>, transpose_lhs_hint = false} : vector<4096x64xf32>, vector<64x512xf32>, vector<4096x512xf32> -> vector<4096x512xf32>
    %get3A_6 = arith.constant 0 : index
    %get3A_7 = arith.constant 0 : index
    %get3A_8 = vector.load %arg4[%get3A_6, %get3A_7] : memref<1x512xf32, #tpu.memory_space<vmem>>, vector<1x512xf32>
    %add3A = vector.broadcast %get3A_8 : vector<1x512xf32> to vector<4096x512xf32>
    %add3A_9 = arith.addf %dot_general3A_5, %add3A : vector<4096x512xf32>
    %max3A = arith.constant 0.000000e+00 : f32
    %max3A_10 = vector.broadcast %max3A : f32 to vector<4096x512xf32>
    %max3A_11 = arith.maximumf %add3A_9, %max3A_10 : vector<4096x512xf32>
    %swap3A = arith.constant 0 : index
    %swap3A_12 = arith.constant 0 : index
    %swap3A_13 = vector.load %arg5[%swap3A, %swap3A_12] : memref<4096x512xf32, #tpu.memory_space<vmem>>, vector<4096x512xf32>
    tpu.vector_store %arg5[%swap3A, %swap3A_12], %max3A_11 {strides = array<i32>} : memref<4096x512xf32, #tpu.memory_space<vmem>>, vector<4096x512xf32>,
    return
  }
  func.func @transform_1(%arg0: i32) -> (i32, i32) {
    %c0_i32 = arith.constant 0 : i32
    %c0_i32_0 = arith.constant 0 : i32
    return %arg0, %c0_i32 : i32, i32
  }
  func.func @transform_2(%arg0: i32) -> (i32, i32) {
    %c0_i32 = arith.constant 0 : i32
    %c0_i32_0 = arith.constant 0 : i32
    %c0_i32_1 = arith.constant 0 : i32
    return %c0_i32, %c0_i32_0 : i32, i32
  }
  func.func @transform_3(%arg0: i32) -> (i32, i32) {
    %c0_i32 = arith.constant 0 : i32
    %c0_i32_0 = arith.constant 0 : i32
    %c0_i32_1 = arith.constant 0 : i32
    return %c0_i32, %c0_i32_0 : i32, i32
  }
  func.func @transform_4(%arg0: i32) -> (i32, i32) {
    %add3A = arith.constant 32 : i32
    %add3A_0 = arith.addi %arg0, %add3A : i32
    %c0_i32 = arith.constant 0 : i32
    %c0_i32_1 = arith.constant 0 : i32
    return %add3A_0, %c0_i32 : i32, i32
  }
}

module attributes {stable_mosaic.version = 14 : i64} {
  func.func @mk(%arg0: i32, %arg1: memref<819200x512xf32, #tpu.memory_space<hbm>>, %arg2: memref<4096x128xf32, #tpu.memory_space<vmem>>, %arg3: memref<64x512xf32, #tpu.memory_space<vmem>>, %arg4: memref<1x512xf32, #tpu.memory_space<vmem>>, %arg5: memref<4096x512xf32, #tpu.memory_space<vmem>>) attributes {dimension_semantics = [#tpu.dimension_semantics<arbitrary>], iteration_bounds = array<i64: 56>, scalar_prefetch = 0 : i64, scratch_operands = 0 : i64, tpu.core_type = #tpu.core_type<tc>, window_params = [{}, {transform_indices = @transform_1, window_bounds = array<i64: 4096, 128>}, {pipeline_mode = #tpu.pipeline_mode<synchronous>, transform_indices = @transform_2, window_bounds = array<i64: 64, 512>}, {pipeline_mode = #tpu.pipeline_mode<synchronous>, transform_indices = @transform_3, window_bounds = array<i64: 1, 512>}, {transform_indices = @transform_4, window_bounds = array<i64: 4096, 512>}]} {
    %get3A = arith.constant 0 : index
    %get3A_0 = arith.constant 0 : index
    %get3A_1 = vector.load %arg2[%get3A, %get3A_0] : memref<4096x128xf32, #tpu.memory_space<vmem>>, vector<4096x64xf32>
    %get3A_2 = arith.constant 0 : index
    %get3A_3 = arith.constant 0 : index
    %get3A_4 = vector.load %arg3[%get3A_2, %get3A_3] : memref<64x512xf32, #tpu.memory_space<vmem>>, vector<64x512xf32>
    %dot_general3A = arith.constant dense<0.000000e+00> : vector<4096x512xf32>
    %dot_general3A_5 = tpu.matmul %get3A_1, %get3A_4, %dot_general3A {dimension_numbers = #tpu.dot_dimension_numbers<[1], [0], [0], [1], [0, 0, 1, 1], [], []>, transpose_lhs_hint = false} : vector<4096x64xf32>, vector<64x512xf32>, vector<4096x512xf32> -> vector<4096x512xf32>
    %get3A_6 = arith.constant 0 : index
    %get3A_7 = arith.constant 0 : index
    %get3A_8 = vector.load %arg4[%get3A_6, %get3A_7] : memref<1x512xf32, #tpu.memory_space<vmem>>, vector<1x512xf32>
    %add3A = vector.broadcast %get3A_8 : vector<1x512xf32> to vector<4096x512xf32>
    %add3A_9 = arith.addf %dot_general3A_5, %add3A : vector<4096x512xf32>
    %max3A = arith.constant 0.000000e+00 : f32
    %max3A_10 = vector.broadcast %max3A : f32 to vector<4096x512xf32>
    %max3A_11 = arith.maximumf %add3A_9, %max3A_10 : vector<4096x512xf32>
    %swap3A = arith.constant 0 : index
    %swap3A_12 = arith.constant 0 : index
    %swap3A_13 = vector.load %arg5[%swap3A, %swap3A_12] : memref<4096x512xf32, #tpu.memory_space<vmem>>, vector<4096x512xf32>
    tpu.vector_store %arg5[%swap3A, %swap3A_12], %max3A_11 {strides = array<i32>} : memref<4096x512xf32, #tpu.memory_space<vmem>>, vector<4096x512xf32>,
    return
  }
  func.func @transform_1(%arg0: i32) -> (i32, i32) {
    %c0_i32 = arith.constant 0 : i32
    %c0_i32_0 = arith.constant 0 : i32
    return %arg0, %c0_i32 : i32, i32
  }
  func.func @transform_2(%arg0: i32) -> (i32, i32) {
    %c0_i32 = arith.constant 0 : i32
    %c0_i32_0 = arith.constant 0 : i32
    %c0_i32_1 = arith.constant 0 : i32
    return %c0_i32, %c0_i32_0 : i32, i32
  }
  func.func @transform_3(%arg0: i32) -> (i32, i32) {
    %c0_i32 = arith.constant 0 : i32
    %c0_i32_0 = arith.constant 0 : i32
    %c0_i32_1 = arith.constant 0 : i32
    return %c0_i32, %c0_i32_0 : i32, i32
  }
  func.func @transform_4(%arg0: i32) -> (i32, i32) {
    %add3A = arith.constant 88 : i32
    %add3A_0 = arith.addi %arg0, %add3A : i32
    %c0_i32 = arith.constant 0 : i32
    %c0_i32_1 = arith.constant 0 : i32
    return %add3A_0, %c0_i32 : i32, i32
  }
}

module attributes {stable_mosaic.version = 14 : i64} {
  func.func @mk(%arg0: i32, %arg1: memref<819200x512xf32, #tpu.memory_space<hbm>>, %arg2: memref<4096x128xf32, #tpu.memory_space<vmem>>, %arg3: memref<64x512xf32, #tpu.memory_space<vmem>>, %arg4: memref<1x512xf32, #tpu.memory_space<vmem>>, %arg5: memref<4096x512xf32, #tpu.memory_space<vmem>>) attributes {dimension_semantics = [#tpu.dimension_semantics<arbitrary>], iteration_bounds = array<i64: 56>, scalar_prefetch = 0 : i64, scratch_operands = 0 : i64, tpu.core_type = #tpu.core_type<tc>, window_params = [{}, {transform_indices = @transform_1, window_bounds = array<i64: 4096, 128>}, {pipeline_mode = #tpu.pipeline_mode<synchronous>, transform_indices = @transform_2, window_bounds = array<i64: 64, 512>}, {pipeline_mode = #tpu.pipeline_mode<synchronous>, transform_indices = @transform_3, window_bounds = array<i64: 1, 512>}, {transform_indices = @transform_4, window_bounds = array<i64: 4096, 512>}]} {
    %get3A = arith.constant 0 : index
    %get3A_0 = arith.constant 0 : index
    %get3A_1 = vector.load %arg2[%get3A, %get3A_0] : memref<4096x128xf32, #tpu.memory_space<vmem>>, vector<4096x64xf32>
    %get3A_2 = arith.constant 0 : index
    %get3A_3 = arith.constant 0 : index
    %get3A_4 = vector.load %arg3[%get3A_2, %get3A_3] : memref<64x512xf32, #tpu.memory_space<vmem>>, vector<64x512xf32>
    %dot_general3A = arith.constant dense<0.000000e+00> : vector<4096x512xf32>
    %dot_general3A_5 = tpu.matmul %get3A_1, %get3A_4, %dot_general3A {dimension_numbers = #tpu.dot_dimension_numbers<[1], [0], [0], [1], [0, 0, 1, 1], [], []>, transpose_lhs_hint = false} : vector<4096x64xf32>, vector<64x512xf32>, vector<4096x512xf32> -> vector<4096x512xf32>
    %get3A_6 = arith.constant 0 : index
    %get3A_7 = arith.constant 0 : index
    %get3A_8 = vector.load %arg4[%get3A_6, %get3A_7] : memref<1x512xf32, #tpu.memory_space<vmem>>, vector<1x512xf32>
    %add3A = vector.broadcast %get3A_8 : vector<1x512xf32> to vector<4096x512xf32>
    %add3A_9 = arith.addf %dot_general3A_5, %add3A : vector<4096x512xf32>
    %max3A = arith.constant 0.000000e+00 : f32
    %max3A_10 = vector.broadcast %max3A : f32 to vector<4096x512xf32>
    %max3A_11 = arith.maximumf %add3A_9, %max3A_10 : vector<4096x512xf32>
    %swap3A = arith.constant 0 : index
    %swap3A_12 = arith.constant 0 : index
    %swap3A_13 = vector.load %arg5[%swap3A, %swap3A_12] : memref<4096x512xf32, #tpu.memory_space<vmem>>, vector<4096x512xf32>
    tpu.vector_store %arg5[%swap3A, %swap3A_12], %max3A_11 {strides = array<i32>} : memref<4096x512xf32, #tpu.memory_space<vmem>>, vector<4096x512xf32>,
    return
  }
  func.func @transform_1(%arg0: i32) -> (i32, i32) {
    %c0_i32 = arith.constant 0 : i32
    %c0_i32_0 = arith.constant 0 : i32
    return %arg0, %c0_i32 : i32, i32
  }
  func.func @transform_2(%arg0: i32) -> (i32, i32) {
    %c0_i32 = arith.constant 0 : i32
    %c0_i32_0 = arith.constant 0 : i32
    %c0_i32_1 = arith.constant 0 : i32
    return %c0_i32, %c0_i32_0 : i32, i32
  }
  func.func @transform_3(%arg0: i32) -> (i32, i32) {
    %c0_i32 = arith.constant 0 : i32
    %c0_i32_0 = arith.constant 0 : i32
    %c0_i32_1 = arith.constant 0 : i32
    return %c0_i32, %c0_i32_0 : i32, i32
  }
  func.func @transform_4(%arg0: i32) -> (i32, i32) {
    %add3A = arith.constant 144 : i32
    %add3A_0 = arith.addi %arg0, %add3A : i32
    %c0_i32 = arith.constant 0 : i32
    %c0_i32_1 = arith.constant 0 : i32
    return %add3A_0, %c0_i32 : i32, i32
  }
}

</mosaic_0001>

<sc_bundles>
// kernel: kernel.13.cloned.1.call-start
scs
__scs_entry_jumppad:
0x0: {  	(pc) =	sbr.rel $0x88, $3  }
0x1: {  	(tag) =	ssettag $0x0;
	lr =	simm.s32 $0x1  }
0x2: {  	[smem:$0x3F9D] =	sst lr;
	_ =	strace $0xD0000000  }
0x3: {  	_ = 	snop  }
0x4: {  	_ = 	snop  }
0x5: {  	_ = 	snop  }
0x6: {  	_ = 	snop  }
0x7: {  	_ = 	snop  }
__scs_overlays_trampoline_lowered:
0x8: {  	[smem:$0x3FAC] =	sst s0  }
0x9: {  	[smem:$0x3FAD] =	sst s1  }
0xa: {  	[smem:$0x3FAE] =	sst s2  }
0xb: {  	[smem:$0x3FAF] =	sst s3  }
0xc: {  	[smem:$0x3FB0] =	sst s4  }
0xd: {  	[smem:$0x3FB1] =	sst s5  }
0xe: {  	[smem:$0x3FB2] =	sst s6  }
0xf: {  	[smem:$0x3FB3] =	sst s7  }
0x10: {  	[smem:$0x3FB4] =	sst s8  }
0x11: {  	[smem:$0x3FB5] =	sst s9;
	s0 =	simm.s32 @!p0 $0x0  }
0x12: {  	s1 =	sld [smem:$0x3F9B];
	s0 =	simm.s32 @p0 $0x1  }
0x13: {  	[smem:$0x3FB6] =	sst s0;
	s0 =	simm.s32 @!p1 $0x0  }
0x14: {  	s2 =	sld [smem:$0x3F9A];
	s0 =	simm.s32 @p1 $0x1  }
0x15: {  	[smem:$0x3FB7] =	sst s0;
	s0 =	simm.s32 @!p2 $0x0  }
0x16: {  	s3 =	sld [smem:$0x3FDB];
	s0 =	simm.s32 @p2 $0x1  }
0x17: {  	s4 =	simm.s32 $0x1BF5;
	[smem:$0x3FB9] =	sst s0  }
0x18: {  	s0 =	sld [smem:$0x3F9C];
	_ =	swait.ge [sflag:s4], $0x0  }
0x19: {  	s7 =	sld [smem:$0x3F9D]  }
0x1a: {  	s8 =	sadd.s32 $0xFFFFE003, lr  }
0x1b: {  	s9 =	sadd.s32 $0xFFFFFEF7, lr;
	s5 =	simm.s32 $0xFFFFFFFF;
	p2 =	slt.u32 s8, $0xFFFFF086  }
0x1c: {  	p1 =	slt.u32 s9, $0xF7A;
	s5 =	simm.s32 @!p2 $0x0  }
0x1d: {  	s5 =	simm.s32 @p1 $0x1;
	p0 =	seq.s32 s7, s2  }
0x1e: {  	s7 =	smul.u32 @!p0 $0xF7A, s2;
	p2 =	seq.s32 @!p0 s5, $0x0  }
0x1f: {  	s9 =	smul.u32 $0xF7A, s1;
	s8 =	simm.s32 @!p0 $0x1BF5;
	p2 =	por !p2, p0  }
0x20: {  	[sflag:s8] =	ssyncset.s32 @!p0 $0xFFFFF086;
	s6 =	sadd.s32 @!p0 s3, s7;
	s7 =	simm.s32 @!p0 $0x108  }
0x21: {  	s3 =	sadd.s32 s3, s9;
	s6 =	sadd.s32 @!p0 $0x88, s6;
	s7 =	simm.s32 @p2 $0x1082  }
0x22: {  	[simem:s7], [sflag:s8] =	dma.local @!p0 [hbm:s6], $0xF7A  }
0x23: {  	s9 =	sor.u32 $0xD0000000, s2;
	s6 =	simm.s32 $0x108;
	_ =	swait.ge @!p0 [sflag:s8], $0x0  }
0x24: {  	s3 =	sadd.s32 $0x88, s3;
	s6 =	simm.s32 @!p1 $0x1082;
	[sflag:s4] =	ssyncset.s32 $0xFFFFF086  }
0x25: {  	[simem:s6], [sflag:s4] =	dma.local [hbm:s3], $0xF7A  }
0x26: {  	[smem:$0x3F9D] =	sst s1;
	(tag) =	ssettag s2;
	_ =	strace s9  }
0x27: {  	s1 =	sld [smem:$0x3FAD]  }
0x28: {  	s2 =	sld [smem:$0x3FAE]  }
0x29: {  	s4 =	sld [smem:$0x3FB0]  }
0x2a: {  	p0 =	seq.s32 s5, $0x0;
	s5 =	sld [smem:$0x3FB1]  }
0x2b: {  	s6 =	sld [smem:$0x3FB2]  }
0x2c: {  	s7 =	sld [smem:$0x3FB3]  }
0x2d: {  	s3 =	simm.s32 $0x108;
	s8 =	sld [smem:$0x3FB4]  }
0x2e: {  	s3 =	simm.s32 @!p0 $0x1082;
	s9 =	sld [smem:$0x3FB5]  }
0x2f: {  	lr =	sadd.s32 s0, s3;
	s0 =	sld [smem:$0x3FAC]  }
0x30: {  	s3 =	sld [smem:$0x3FAF]  }
0x31: {  	[smem:$0x3FB8] =	sst s10  }
0x32: {  	s10 =	sld [smem:$0x3FB6];
	_ =	sdelay $0x3  }
0x33: {  	p0 =	seq.s32 s10, $0x1;
	s10 =	sld [smem:$0x3FB8];
	_ =	sdelay $0x3  }
0x34: {  	[smem:$0x3FB8] =	sst s10  }
0x35: {  	s10 =	sld [smem:$0x3FB7];
	_ =	sdelay $0x3  }
0x36: {  	p1 =	seq.s32 s10, $0x1;
	s10 =	sld [smem:$0x3FB8];
	_ =	sdelay $0x3  }
0x37: {  	[smem:$0x3FB8] =	sst s10  }
0x38: {  	s10 =	sld [smem:$0x3FB9]  }
0x39: {  	_ = 	snop;
	(pc) =	sbr.ind lr, $3  }
0x3a: {  	_ = 	snop  }
0x3b: {  	_ = 	snop  }
0x3c: {  	p2 =	seq.s32 s10, $0x1;
	s10 =	sld [smem:$0x3FB8]  }
0x3d: {  	_ =	shalt  }
0x3e: {  	_ =	shalt  }
0x3f: {  	_ =	shalt  }
0x40: {  	_ =	shalt  }
0x41: {  	_ =	shalt  }
0x42: {  	_ =	shalt  }
0x43: {  	_ =	shalt  }
0x44: {  	_ =	shalt  }
0x45: {  	_ =	shalt  }
0x46: {  	_ =	shalt  }
0x47: {  	_ =	shalt  }
0x48: {  	_ =	shalt  }
0x49: {  	_ =	shalt  }
0x4a: {  	_ =	shalt  }
0x4b: {  	_ =	shalt  }
0x4c: {  	_ =	shalt  }
0x4d: {  	_ =	shalt  }
0x4e: {  	_ =	shalt  }
0x4f: {  	_ =	shalt  }
0x50: {  	_ =	shalt  }
0x51: {  	_ =	shalt  }
0x52: {  	_ =	shalt  }
0x53: {  	_ =	shalt  }
0x54: {  	_ =	shalt  }
0x55: {  	_ =	shalt  }
0x56: {  	_ =	shalt  }
0x57: {  	_ =	shalt  }
0x58: {  	_ =	shalt  }
0x59: {  	_ =	shalt  }
0x5a: {  	_ =	shalt  }
0x5b: {  	_ =	shalt  }
0x5c: {  	_ =	shalt  }
0x5d: {  	_ =	shalt  }
0x5e: {  	_ =	shalt  }
0x5f: {  	_ =	shalt  }
0x60: {  	_ =	shalt  }
0x61: {  	_ =	shalt  }
0x62: {  	_ =	shalt  }
0x63: {  	_ =	shalt  }
0x64: {  	_ =	shalt  }
0x65: {  	_ =	shalt  }
0x66: {  	_ =	shalt  }
0x67: {  	_ =	shalt  }
0x68: {  	_ =	shalt  }
0x69: {  	_ =	shalt  }
0x6a: {  	_ =	shalt  }
0x6b: {  	_ =	shalt  }
0x6c: {  	_ =	shalt  }
0x6d: {  	_ =	shalt  }
0x6e: {  	_ =	shalt  }
0x6f: {  	_ =	shalt  }
0x70: {  	_ =	shalt  }
0x71: {  	_ =	shalt  }
0x72: {  	_ =	shalt  }
0x73: {  	_ =	shalt  }
0x74: {  	_ =	shalt  }
0x75: {  	_ =	shalt  }
0x76: {  	_ =	shalt  }
0x77: {  	_ =	shalt  }
0x78: {  	_ =	shalt  }
0x79: {  	_ =	shalt  }
0x7a: {  	_ =	shalt  }
0x7b: {  	_ =	shalt  }
0x7c: {  	_ =	shalt  }
0x7d: {  	_ =	shalt  }
0x7e: {  	_ =	shalt  }
0x7f: {  	_ =	shalt  }
0x80: {  	_ =	shalt  }
0x81: {  	_ =	shalt  }
0x82: {  	_ =	shalt  }
0x83: {  	_ =	shalt  }
0x84: {  	_ =	shalt  }
0x85: {  	_ =	shalt  }
0x86: {  	_ =	shalt  }
0x87: {  	_ =	shalt  }
.Lfunc_end0:
.L_simem_size_0:
called_computation_lowered:
.L_overlay_start_0:
0x88: {  	s2 =	sld [smem:$0x3FD9]  }
0x89: {  	s3 =	sld [smem:$0x3FFE];
	_ =	sdelay $0x1  }
0x8a: {  	s1 =	srdreg.scid  }
0x8b: {  	s0 =	sand.u32 $0x1, s1  }
0x8c: {  	s17 =	sshll.u32 s0, $0xA;
	s2 =	sadd.s32 s3, s2  }
0x8d: {  	s2 =	sadd.s32 s2, s17  }
0x8e: {  	[smem:$0x3FC4] =	sst s2  }
0x8f: {  	_ = 	snop  }
0x90: {  	s2 =	sld [smem:$0x3FD0];
	(tm) =	ssettm $0x1  }
0x91: {  	s18 =	sld [smem:$0x3FFB];
	_ =	sdelay $0x3  }
0x92: {  	_ =	strace s18  }
0x93: {  	s3 =	sld [smem:$0x3FFC];
	_ =	sdelay $0x3  }
0x94: {  	_ =	strace s3  }
0x95: {  	s3 =	sld [smem:$0x3FFD];
	_ =	sdelay $0x3  }
0x96: {  	_ =	strace s3  }
0x97: {  	_ =	strace $0x8FFFFFFF  }
0x98: {  	s19 =	sld [smem:$0x3FDB];
	_ =	sdelay $0x1  }
0x99: {  	s4 =	simm.s32 $_scs_section_size  }
0x9a: {  	s5 =	simm.s32 $_size__tile_overlayer_lowered;
	s6 =	simm.s32 $_tile_overlayer_lowered  }
0x9b: {  	s22 =	simm.s32 $0x1BFF;
	s21 =	sshll.u32 s6, $0x1;
	s3 =	sadd.s32 s4, s19  }
0x9c: {  	s7 =	simm.s32 $0x0;
	s20 =	sshll.u32 s5, $0x1;
	s5 =	sadd.s32 s21, s3  }
0x9d: {  	[timem:s7], [sflag:s22] =	dma.local [hbm:s5], s20  }
0x9e: {  	_ =	swait.ge [sflag:s22], s20  }
0x9f: {  	s4 =	ssub.s32 $0x0, s20;
	[sflag:s22] =	ssyncset.done $0x0  }
0xa0: {  	[sflag:s22] =	ssyncadd.s32 s4;
	_ =	sdelay $0x1  }
0xa1: {  	s23 =	simm.s32 $0x1B8B  }
0xa2: {  	_ =	swait.ge [sflag:s23], $0x1  }
0xa3: {  	[sflag:s23] =	ssyncset.done $0x0  }
0xa4: {  	s25 =	simm.s32 $0x1B8E;
	s24 =	sld [smem:$0x3FFE];
	[sflag:s23] =	ssyncadd.s32 $0xFFFFFFFF  }
0xa5: {  	s26 =	simm.s32 $execute0_lowered;
	[smem:$0x3FD2] =	sst s25  }
0xa6: {  	s5 =	sshll.u32 s26, $0x1;
	_ =	strace $0x80000046;
	[dreg:$0x1] =	wrdreg $0xFFFFFFFF  }
0xa7: {  	s28 =	simm.s32 $_size_execute0_lowered;
	s3 =	sadd.s32 s3, s5;
	[dreg:$0x0] =	wrdreg $0x0  }
0xa8: {  	s5 =	sshll.u32 s28, $0x1;
	[dreg:$0x2] =	wrdreg s3  }
0xa9: {  	[dreg:$0x3] =	wrdreg s5  }
0xaa: {  	[dreg:$0x4] =	wrdreg $0xC0  }
0xab: {  	_ =	task [dreg:s7], $0x5FFFF  }
0xac: {  	[dreg:$0x1] =	wrdreg $0xFFFFFFFF  }
0xad: {  	[dreg:$0x0] =	wrdreg $0x60  }
0xae: {  	[dreg:$0x2] =	wrdreg s24  }
0xaf: {  	[dreg:$0x3] =	wrdreg s2  }
0xb0: {  	[dreg:$0x4] =	wrdreg $0x9  }
0xb1: {  	_ =	task.clear_ibuf [dreg:s7], $0x5FFFF;
	_ =	strace $0x90000046  }
0xb2: {  	s29 =	simm.s32 $0x9;
	_ =	strace $0x80000048  }
0xb3: {  	_ =	swait.ge [sflag:s29], $0x1  }
0xb4: {  	[sflag:s29] =	ssyncadd.s32 $0xFFFFFFFF  }
0xb5: {  	_ =	strace $0x90000048  }
0xb6: {  	_ =	sfence  }
0xb7: {  	s30 =	sld [smem:$0x0];
	_ =	sdelay $0x2  }
0xb8: {  	s31 =	sshll.u32 s1, $0xD;
	s1 =	sshrl.u32 s1, $0x2  }
0xb9: {  	s3 =	sand.u32 $0x4000, s31;
	s1 =	sadd.s32 s1, s30  }
0xba: {  	s0 =	sor.u32 s3, s0;
	s1 =	sshll.u32 s1, $0x11  }
0xbb: {  	s0 =	sor.u32 s1, s0  }
0xbc: {  	s0 =	sadd.s32 $0x8F2B, s0  }
0xbd: {  	[sflag:s0] =	ssyncadd.remote.s32 $0x1  }
0xbe: {  	_ =	sfence.sel $0xFFFF  }
0xbf: {  	[dreg:$0x0] =	wrdreg $0xFFFFFFFF;
	(pc) =	sbr.abs _section_cstart, $3  }
0xc0: {  	[dreg:$0x1] =	wrdreg $0xFFFFFFFF  }
0xc1: {  	_ =	task.clear_ibuf [dreg:s7], $0x2FFFF;
	_ =	strace $0x9FFFFFFF  }
0xc2: {  	(tm) =	ssettm $0x7FFFFFFF  }
0xc3: {  	_ =	shalt  }
tec
execute0_lowered:
.L_overlay_start_1:
0x0: {  	(tag) =	ssettag $0x1  }
0x1: {  	s1 =	srdreg.scid  }
0x2: {  	s5 =	rddreg [dreg:$0x0];
	s0 =	stileid.u32;
	s17 =	sand.u32 $0x1, s1  }
0x3: {  	s16 =	rddreg [dreg:$0x1];
	s3 =	sshll.u32 s0, $0xB;
	s4 =	sshll.u32 s17, $0xA  }
0x4: {  	s2 =	simm.s32 $0x0;
	s1 =	rddreg [dreg:$0x2];
	s15 =	sor.u32 s4, s3  }
0x5: {  	[smem:$0x7FF] =	sst s2;
	s18 =	sadd.s32 $0x2000, s5;
	s3 =	sshrl.u32 s15, $0x3  }
0x6: {  	_ =	strace $0x80000047;
	s4 =	sadd.s32 s18, s3;
	s3 =	simm.s32 $0x2  }
0x7: {  	[tilespmem:s2], [sflag:$0x2] =	stream.linear.gather [hbm4b:s4+s2], $0x200, $0x38;
	[tilespmem:$0x10200] =	vst v63  }
0x8: {  	_ =	swait.ge [sflag:s3], $0x200  }
0x9: {  	s6 =	simm.s32 $0x80;
	[sflag:s3] =	ssyncset.done $0x0  }
0xa: {  	s7 =	simm.s32 $0x200;
	s5 =	sadd.s32 $0x3000, s5;
	[sflag:s3] =	ssyncadd.s32 $0xFFFFFE00  }
0xb: {  	[tilespmem:s7], [sflag:$0x1] =	stream.indirect.gather [hbm4b:s5+s6], $0x80, s2, s6, $0xb8;
	[tilespmem:$0x10200] =	vst v63  }
0xc: {  	s8 =	simm.s32 $0x4200  }
0xd: {  	[tilespmem:s8], [sflag:$0x1] =	stream.indirect.gather [hbm4b:s5+s6], $0x80, s6, s6, $0xb8;
	[tilespmem:$0x10200] =	vst v63  }
0xe: {  	s9 =	simm.s32 $0x100;
	s10 =	simm.s32 $0x8200  }
0xf: {  	[tilespmem:s10], [sflag:$0x1] =	stream.indirect.gather [hbm4b:s5+s6], $0x80, s9, s6, $0xb8;
	[tilespmem:$0x10200] =	vst v63  }
0x10: {  	s11 =	simm.s32 $0x180;
	s12 =	simm.s32 $0xC200;
	s13 =	simm.s32 $0x1  }
0x11: {  	[tilespmem:s12], [sflag:$0x1] =	stream.indirect.gather [hbm4b:s5+s6], $0x80, s11, s6, $0xb8;
	[tilespmem:$0x10200] =	vst v63  }
0x12: {  	_ =	swait.ge [sflag:s13], $0x4000  }
0x13: {  	[sflag:s13] =	ssyncset.done $0x0  }
0x14: {  	[sflag:s13] =	ssyncadd.s32 $0xFFFFC000  }
0x15: {  	_ =	swait.ge [sflag:s13], $0x4000  }
0x16: {  	[sflag:s13] =	ssyncset.done $0x0  }
0x17: {  	[sflag:s13] =	ssyncadd.s32 $0xFFFFC000  }
0x18: {  	_ =	swait.ge [sflag:s13], $0x4000  }
0x19: {  	[sflag:s13] =	ssyncset.done $0x0  }
0x1a: {  	[sflag:s13] =	ssyncadd.s32 $0xFFFFC000  }
0x1b: {  	_ =	swait.ge [sflag:s13], $0x4000  }
0x1c: {  	s14 =	sshll.u32 s15, $0x4;
	[sflag:s13] =	ssyncset.done $0x0  }
0x1d: {  	s14 =	sadd.s32 s16, s14;
	[sflag:s13] =	ssyncadd.s32 $0xFFFFC000  }
0x1e: {  	[hbm4b:s14+s2] =	stream.linear.scatter [tilespmem:s7], [sflag:$0x2], $0x10000, $0x38;
	[tilespmem:$0x10200] =	vst v63  }
0x1f: {  	s19 =	sor.u32 $0x200, s15;
	_ =	swait.ge [sflag:s3], $0x10000  }
0x20: {  	s15 =	sshrl.u32 s19, $0x3;
	[sflag:s3] =	ssyncset.done $0x0  }
0x21: {  	s15 =	sadd.s32 s18, s15;
	[sflag:s3] =	ssyncadd.s32 $0xFFFF0000  }
0x22: {  	[tilespmem:s2], [sflag:$0x2] =	stream.linear.gather [hbm4b:s15+s2], $0x200, $0x38;
	[tilespmem:$0x10200] =	vst v63  }
0x23: {  	_ =	swait.ge [sflag:s3], $0x200  }
0x24: {  	[sflag:s3] =	ssyncset.done $0x0  }
0x25: {  	[sflag:s3] =	ssyncadd.s32 $0xFFFFFE00  }
0x26: {  	[tilespmem:s7], [sflag:$0x1] =	stream.indirect.gather [hbm4b:s5+s6], $0x80, s2, s6, $0xb8;
	[tilespmem:$0x10200] =	vst v63  }
0x27: {  	_ = 	snop  }
0x28: {  	[tilespmem:s8], [sflag:$0x1] =	stream.indirect.gather [hbm4b:s5+s6], $0x80, s6, s6, $0xb8;
	[tilespmem:$0x10200] =	vst v63  }
0x29: {  	_ = 	snop  }
0x2a: {  	[tilespmem:s10], [sflag:$0x1] =	stream.indirect.gather [hbm4b:s5+s6], $0x80, s9, s6, $0xb8;
	[tilespmem:$0x10200] =	vst v63  }
0x2b: {  	_ = 	snop  }
0x2c: {  	[tilespmem:s12], [sflag:$0x1] =	stream.indirect.gather [hbm4b:s5+s6], $0x80, s11, s6, $0xb8;
	[tilespmem:$0x10200] =	vst v63  }
0x2d: {  	_ =	swait.ge [sflag:s13], $0x4000  }
0x2e: {  	[sflag:s13] =	ssyncset.done $0x0  }
0x2f: {  	[sflag:s13] =	ssyncadd.s32 $0xFFFFC000  }
0x30: {  	_ =	swait.ge [sflag:s13], $0x4000  }
0x31: {  	[sflag:s13] =	ssyncset.done $0x0  }
0x32: {  	s17 =	ssub.s32 $0x2, s17;
	[sflag:s13] =	ssyncadd.s32 $0xFFFFC000  }
0x33: {  	s30 =	sshrl.u32 s17, $0x1;
	_ =	swait.ge [sflag:s13], $0x4000  }
0x34: {  	s17 =	ssub.s32 s17, s30;
	[sflag:s13] =	ssyncset.done $0x0  }
0x35: {  	s17 =	smax.u32 s17, $0x1;
	[sflag:s13] =	ssyncadd.s32 $0xFFFFC000  }
0x36: {  	p0 =	sne.s32 s17, $0x1;
	_ =	swait.ge [sflag:s13], $0x4000  }
.Ltmp0:
0x37: {  	s31 =	sshll.u32 s19, $0x4;
	[sflag:s13] =	ssyncset.done $0x0;
	(pc) =	sbr.rel @!p0 .LBB2_2-.Ltmp0, $4  }
0x38: {  	s16 =	sadd.s32 s16, s31;
	[sflag:s13] =	ssyncadd.s32 $0xFFFFC000  }
0x39: {  	[hbm4b:s16+s2] =	stream.linear.scatter [tilespmem:s7], [sflag:$0x2], $0x10000, $0x38;
	[tilespmem:$0x10200] =	vst v63  }
0x3a: {  	_ =	swait.ge [sflag:s3], $0x10000  }
0x3b: {  	s17 =	sadd.s32 $0xFFFFFFFF, s17;
	[sflag:s3] =	ssyncset.done $0x0  }
.LBB2_1:
0x3c: {  	p0 =	sne.s32 s17, $0x1;
	s17 =	sadd.s32 $0xFFFFFFFF, s17;
	[sflag:s3] =	ssyncadd.s32 $0xFFFF0000  }
0x3d: {  	[tilespmem:s2], [sflag:$0x2] =	stream.linear.gather [hbm4b:s4+s2], $0x200, $0x38;
	[tilespmem:$0x10200] =	vst v63  }
0x3e: {  	_ =	swait.ge [sflag:s3], $0x200  }
0x3f: {  	[sflag:s3] =	ssyncset.done $0x0  }
0x40: {  	[sflag:s3] =	ssyncadd.s32 $0xFFFFFE00  }
0x41: {  	[tilespmem:s7], [sflag:$0x1] =	stream.indirect.gather [hbm4b:s5+s6], $0x80, s2, s6, $0xb8;
	[tilespmem:$0x10200] =	vst v63  }
0x42: {  	_ = 	snop  }
0x43: {  	[tilespmem:s8], [sflag:$0x1] =	stream.indirect.gather [hbm4b:s5+s6], $0x80, s6, s6, $0xb8;
	[tilespmem:$0x10200] =	vst v63  }
0x44: {  	_ = 	snop  }
0x45: {  	[tilespmem:s10], [sflag:$0x1] =	stream.indirect.gather [hbm4b:s5+s6], $0x80, s9, s6, $0xb8;
	[tilespmem:$0x10200] =	vst v63  }
0x46: {  	_ = 	snop  }
0x47: {  	[tilespmem:s12], [sflag:$0x1] =	stream.indirect.gather [hbm4b:s5+s6], $0x80, s11, s6, $0xb8;
	[tilespmem:$0x10200] =	vst v63  }
0x48: {  	_ =	swait.ge [sflag:s13], $0x4000  }
0x49: {  	[sflag:s13] =	ssyncset.done $0x0  }
0x4a: {  	[sflag:s13] =	ssyncadd.s32 $0xFFFFC000  }
0x4b: {  	_ =	swait.ge [sflag:s13], $0x4000  }
0x4c: {  	[sflag:s13] =	ssyncset.done $0x0  }
0x4d: {  	[sflag:s13] =	ssyncadd.s32 $0xFFFFC000  }
0x4e: {  	_ =	swait.ge [sflag:s13], $0x4000  }
0x4f: {  	[sflag:s13] =	ssyncset.done $0x0  }
0x50: {  	[sflag:s13] =	ssyncadd.s32 $0xFFFFC000  }
0x51: {  	_ =	swait.ge [sflag:s13], $0x4000  }
0x52: {  	[sflag:s13] =	ssyncset.done $0x0  }
0x53: {  	[sflag:s13] =	ssyncadd.s32 $0xFFFFC000  }
0x54: {  	[hbm4b:s14+s2] =	stream.linear.scatter [tilespmem:s7], [sflag:$0x2], $0x10000, $0x38;
	[tilespmem:$0x10200] =	vst v63  }
0x55: {  	_ =	swait.ge [sflag:s3], $0x10000  }
0x56: {  	[sflag:s3] =	ssyncset.done $0x0  }
0x57: {  	[sflag:s3] =	ssyncadd.s32 $0xFFFF0000  }
0x58: {  	[tilespmem:s2], [sflag:$0x2] =	stream.linear.gather [hbm4b:s15+s2], $0x200, $0x38;
	[tilespmem:$0x10200] =	vst v63  }
0x59: {  	_ =	swait.ge [sflag:s3], $0x200  }
0x5a: {  	[sflag:s3] =	ssyncset.done $0x0  }
0x5b: {  	[sflag:s3] =	ssyncadd.s32 $0xFFFFFE00  }
0x5c: {  	[tilespmem:s7], [sflag:$0x1] =	stream.indirect.gather [hbm4b:s5+s6], $0x80, s2, s6, $0xb8;
	[tilespmem:$0x10200] =	vst v63  }
0x5d: {  	_ = 	snop  }
0x5e: {  	[tilespmem:s8], [sflag:$0x1] =	stream.indirect.gather [hbm4b:s5+s6], $0x80, s6, s6, $0xb8;
	[tilespmem:$0x10200] =	vst v63  }
0x5f: {  	_ = 	snop  }
0x60: {  	[tilespmem:s10], [sflag:$0x1] =	stream.indirect.gather [hbm4b:s5+s6], $0x80, s9, s6, $0xb8;
	[tilespmem:$0x10200] =	vst v63  }
0x61: {  	_ = 	snop  }
0x62: {  	[tilespmem:s12], [sflag:$0x1] =	stream.indirect.gather [hbm4b:s5+s6], $0x80, s11, s6, $0xb8;
	[tilespmem:$0x10200] =	vst v63  }
0x63: {  	_ =	swait.ge [sflag:s13], $0x4000  }
0x64: {  	[sflag:s13] =	ssyncset.done $0x0  }
0x65: {  	[sflag:s13] =	ssyncadd.s32 $0xFFFFC000  }
0x66: {  	_ =	swait.ge [sflag:s13], $0x4000  }
0x67: {  	[sflag:s13] =	ssyncset.done $0x0  }
0x68: {  	[sflag:s13] =	ssyncadd.s32 $0xFFFFC000  }
0x69: {  	_ =	swait.ge [sflag:s13], $0x4000  }
0x6a: {  	[sflag:s13] =	ssyncset.done $0x0  }
0x6b: {  	[sflag:s13] =	ssyncadd.s32 $0xFFFFC000  }
0x6c: {  	_ =	swait.ge [sflag:s13], $0x4000  }
.Ltmp1:
0x6d: {  	[sflag:s13] =	ssyncset.done $0x0;
	(pc) =	sbr.rel @p0 .LBB2_1-.Ltmp1, $4  }
0x6e: {  	[sflag:s13] =	ssyncadd.s32 $0xFFFFC000  }
0x6f: {  	[hbm4b:s16+s2] =	stream.linear.scatter [tilespmem:s7], [sflag:$0x2], $0x10000, $0x38;
	[tilespmem:$0x10200] =	vst v63  }
0x70: {  	_ =	swait.ge [sflag:s3], $0x10000  }
0x71: {  	[sflag:s3] =	ssyncset.done $0x0  }
.LBB2_2:
0x72: {  	[sflag:s3] =	ssyncadd.s32 $0xFFFF0000  }
0x73: {  	_ =	sfence.sel $0x180000  }
0x74: {  	[bflag:$0x0] =	sbarrier.arrive $0xFFFF  }
0x75: {  	p0 =	sne.s32 s0, $0x0;
	_ =	strace $0x90000047  }
0x76: {  	s0 =	sadd.s32 @!p0 $0x100000, s1;
	[bflag:$0x2] =	sbarrier.arrive $0xFFFF  }
0x77: {  	[sflag:s0] =	ssyncadd.tile.s32 @!p0 $0x1;
	_ =	shalt  }
.Lfunc_end2:
_tile_overlayer_lowered:
.L_overlay_start_2:
0x78: {  	(tag) =	ssettag $0x2  }
0x79: {  	s0 =	rddreg [dreg:$0x0];
	s2 =	stileid.u32  }
0x7a: {  	s1 =	rddreg [dreg:$0x1];
	p0 =	sne.s32 s2, $0x0  }
0x7b: {  	s3 =	rddreg [dreg:$0x2];
	[bflag:$0x3] =	sbarrier.arrive $0xFFFF;
	s2 =	simm.s32 @!p0 $0x1C02  }
0x7c: {  	[timem:s3], [sflag:s2] =	dma.local @!p0 [hbm:s0], s1  }
0x7d: {  	s0 =	simm.s32 @!p0 $0x2  }
0x7e: {  	_ =	swait.ge @!p0 [sflag:s0], s1  }
0x7f: {  	s1 =	ssub.s32 @!p0 $0x0, s1;
	[sflag:s0] =	ssyncset.done @!p0 $0x0  }
0x80: {  	[sflag:s0] =	ssyncadd.s32 @!p0 s1  }
0x81: {  	[bflag:$0x3] =	sbarrier.arrive $0xFFFF  }
0x82: {  	_ =	shalt  }

// kernel: kernel.16.cloned.1.call-start
scs
__scs_entry_jumppad:
0x0: {  	(pc) =	sbr.rel $0x88, $3  }
0x1: {  	(tag) =	ssettag $0x0;
	lr =	simm.s32 $0x1  }
0x2: {  	[smem:$0x3F9D] =	sst lr;
	_ =	strace $0xD0000000  }
0x3: {  	_ = 	snop  }
0x4: {  	_ = 	snop  }
0x5: {  	_ = 	snop  }
0x6: {  	_ = 	snop  }
0x7: {  	_ = 	snop  }
__scs_overlays_trampoline_lowered:
0x8: {  	[smem:$0x3FAC] =	sst s0  }
0x9: {  	[smem:$0x3FAD] =	sst s1  }
0xa: {  	[smem:$0x3FAE] =	sst s2  }
0xb: {  	[smem:$0x3FAF] =	sst s3  }
0xc: {  	[smem:$0x3FB0] =	sst s4  }
0xd: {  	[smem:$0x3FB1] =	sst s5  }
0xe: {  	[smem:$0x3FB2] =	sst s6  }
0xf: {  	[smem:$0x3FB3] =	sst s7  }
0x10: {  	[smem:$0x3FB4] =	sst s8  }
0x11: {  	[smem:$0x3FB5] =	sst s9;
	s0 =	simm.s32 @!p0 $0x0  }
0x12: {  	s1 =	sld [smem:$0x3F9B];
	s0 =	simm.s32 @p0 $0x1  }
0x13: {  	[smem:$0x3FB6] =	sst s0;
	s0 =	simm.s32 @!p1 $0x0  }
0x14: {  	s2 =	sld [smem:$0x3F9A];
	s0 =	simm.s32 @p1 $0x1  }
0x15: {  	[smem:$0x3FB7] =	sst s0;
	s0 =	simm.s32 @!p2 $0x0  }
0x16: {  	s3 =	sld [smem:$0x3FDB];
	s0 =	simm.s32 @p2 $0x1  }
0x17: {  	s4 =	simm.s32 $0x1BF5;
	[smem:$0x3FB9] =	sst s0  }
0x18: {  	s0 =	sld [smem:$0x3F9C];
	_ =	swait.ge [sflag:s4], $0x0  }
0x19: {  	s7 =	sld [smem:$0x3F9D]  }
0x1a: {  	s8 =	sadd.s32 $0xFFFFE003, lr  }
0x1b: {  	s9 =	sadd.s32 $0xFFFFFEF7, lr;
	s5 =	simm.s32 $0xFFFFFFFF;
	p2 =	slt.u32 s8, $0xFFFFF086  }
0x1c: {  	p1 =	slt.u32 s9, $0xF7A;
	s5 =	simm.s32 @!p2 $0x0  }
0x1d: {  	s5 =	simm.s32 @p1 $0x1;
	p0 =	seq.s32 s7, s2  }
0x1e: {  	s7 =	smul.u32 @!p0 $0xF7A, s2;
	p2 =	seq.s32 @!p0 s5, $0x0  }
0x1f: {  	s9 =	smul.u32 $0xF7A, s1;
	s8 =	simm.s32 @!p0 $0x1BF5;
	p2 =	por !p2, p0  }
0x20: {  	[sflag:s8] =	ssyncset.s32 @!p0 $0xFFFFF086;
	s6 =	sadd.s32 @!p0 s3, s7;
	s7 =	simm.s32 @!p0 $0x108  }
0x21: {  	s3 =	sadd.s32 s3, s9;
	s6 =	sadd.s32 @!p0 $0x88, s6;
	s7 =	simm.s32 @p2 $0x1082  }
0x22: {  	[simem:s7], [sflag:s8] =	dma.local @!p0 [hbm:s6], $0xF7A  }
0x23: {  	s9 =	sor.u32 $0xD0000000, s2;
	s6 =	simm.s32 $0x108;
	_ =	swait.ge @!p0 [sflag:s8], $0x0  }
0x24: {  	s3 =	sadd.s32 $0x88, s3;
	s6 =	simm.s32 @!p1 $0x1082;
	[sflag:s4] =	ssyncset.s32 $0xFFFFF086  }
0x25: {  	[simem:s6], [sflag:s4] =	dma.local [hbm:s3], $0xF7A  }
0x26: {  	[smem:$0x3F9D] =	sst s1;
	(tag) =	ssettag s2;
	_ =	strace s9  }
0x27: {  	s1 =	sld [smem:$0x3FAD]  }
0x28: {  	s2 =	sld [smem:$0x3FAE]  }
0x29: {  	s4 =	sld [smem:$0x3FB0]  }
0x2a: {  	p0 =	seq.s32 s5, $0x0;
	s5 =	sld [smem:$0x3FB1]  }
0x2b: {  	s6 =	sld [smem:$0x3FB2]  }
0x2c: {  	s7 =	sld [smem:$0x3FB3]  }
0x2d: {  	s3 =	simm.s32 $0x108;
	s8 =	sld [smem:$0x3FB4]  }
0x2e: {  	s3 =	simm.s32 @!p0 $0x1082;
	s9 =	sld [smem:$0x3FB5]  }
0x2f: {  	lr =	sadd.s32 s0, s3;
	s0 =	sld [smem:$0x3FAC]  }
0x30: {  	s3 =	sld [smem:$0x3FAF]  }
0x31: {  	[smem:$0x3FB8] =	sst s10  }
0x32: {  	s10 =	sld [smem:$0x3FB6];
	_ =	sdelay $0x3  }
0x33: {  	p0 =	seq.s32 s10, $0x1;
	s10 =	sld [smem:$0x3FB8];
	_ =	sdelay $0x3  }
0x34: {  	[smem:$0x3FB8] =	sst s10  }
0x35: {  	s10 =	sld [smem:$0x3FB7];
	_ =	sdelay $0x3  }
0x36: {  	p1 =	seq.s32 s10, $0x1;
	s10 =	sld [smem:$0x3FB8];
	_ =	sdelay $0x3  }
0x37: {  	[smem:$0x3FB8] =	sst s10  }
0x38: {  	s10 =	sld [smem:$0x3FB9]  }
0x39: {  	_ = 	snop;
	(pc) =	sbr.ind lr, $3  }
0x3a: {  	_ = 	snop  }
0x3b: {  	_ = 	snop  }
0x3c: {  	p2 =	seq.s32 s10, $0x1;
	s10 =	sld [smem:$0x3FB8]  }
0x3d: {  	_ =	shalt  }
0x3e: {  	_ =	shalt  }
0x3f: {  	_ =	shalt  }
0x40: {  	_ =	shalt  }
0x41: {  	_ =	shalt  }
0x42: {  	_ =	shalt  }
0x43: {  	_ =	shalt  }
0x44: {  	_ =	shalt  }
0x45: {  	_ =	shalt  }
0x46: {  	_ =	shalt  }
0x47: {  	_ =	shalt  }
0x48: {  	_ =	shalt  }
0x49: {  	_ =	shalt  }
0x4a: {  	_ =	shalt  }
0x4b: {  	_ =	shalt  }
0x4c: {  	_ =	shalt  }
0x4d: {  	_ =	shalt  }
0x4e: {  	_ =	shalt  }
0x4f: {  	_ =	shalt  }
0x50: {  	_ =	shalt  }
0x51: {  	_ =	shalt  }
0x52: {  	_ =	shalt  }
0x53: {  	_ =	shalt  }
0x54: {  	_ =	shalt  }
0x55: {  	_ =	shalt  }
0x56: {  	_ =	shalt  }
0x57: {  	_ =	shalt  }
0x58: {  	_ =	shalt  }
0x59: {  	_ =	shalt  }
0x5a: {  	_ =	shalt  }
0x5b: {  	_ =	shalt  }
0x5c: {  	_ =	shalt  }
0x5d: {  	_ =	shalt  }
0x5e: {  	_ =	shalt  }
0x5f: {  	_ =	shalt  }
0x60: {  	_ =	shalt  }
0x61: {  	_ =	shalt  }
0x62: {  	_ =	shalt  }
0x63: {  	_ =	shalt  }
0x64: {  	_ =	shalt  }
0x65: {  	_ =	shalt  }
0x66: {  	_ =	shalt  }
0x67: {  	_ =	shalt  }
0x68: {  	_ =	shalt  }
0x69: {  	_ =	shalt  }
0x6a: {  	_ =	shalt  }
0x6b: {  	_ =	shalt  }
0x6c: {  	_ =	shalt  }
0x6d: {  	_ =	shalt  }
0x6e: {  	_ =	shalt  }
0x6f: {  	_ =	shalt  }
0x70: {  	_ =	shalt  }
0x71: {  	_ =	shalt  }
0x72: {  	_ =	shalt  }
0x73: {  	_ =	shalt  }
0x74: {  	_ =	shalt  }
0x75: {  	_ =	shalt  }
0x76: {  	_ =	shalt  }
0x77: {  	_ =	shalt  }
0x78: {  	_ =	shalt  }
0x79: {  	_ =	shalt  }
0x7a: {  	_ =	shalt  }
0x7b: {  	_ =	shalt  }
0x7c: {  	_ =	shalt  }
0x7d: {  	_ =	shalt  }
0x7e: {  	_ =	shalt  }
0x7f: {  	_ =	shalt  }
0x80: {  	_ =	shalt  }
0x81: {  	_ =	shalt  }
0x82: {  	_ =	shalt  }
0x83: {  	_ =	shalt  }
0x84: {  	_ =	shalt  }
0x85: {  	_ =	shalt  }
0x86: {  	_ =	shalt  }
0x87: {  	_ =	shalt  }
.Lfunc_end0:
.L_simem_size_0:
called_computation.1_lowered:
.L_overlay_start_0:
0x88: {  	s2 =	sld [smem:$0x3FD9]  }
0x89: {  	s3 =	sld [smem:$0x3FFE];
	_ =	sdelay $0x1  }
0x8a: {  	s1 =	srdreg.scid  }
0x8b: {  	s0 =	sand.u32 $0x1, s1  }
0x8c: {  	s17 =	sshll.u32 s0, $0xA;
	s2 =	sadd.s32 s3, s2  }
0x8d: {  	s2 =	sadd.s32 s2, s17  }
0x8e: {  	[smem:$0x3FC4] =	sst s2  }
0x8f: {  	_ = 	snop  }
0x90: {  	(tm) =	ssettm $0x1  }
0x91: {  	s18 =	sld [smem:$0x3FFB];
	_ =	sdelay $0x3  }
0x92: {  	_ =	strace s18  }
0x93: {  	s2 =	sld [smem:$0x3FFC];
	_ =	sdelay $0x3  }
0x94: {  	_ =	strace s2  }
0x95: {  	s2 =	sld [smem:$0x3FFD];
	_ =	sdelay $0x3  }
0x96: {  	_ =	strace s2  }
0x97: {  	_ =	strace $0x8FFFFFFF  }
0x98: {  	s19 =	sld [smem:$0x3FDB];
	_ =	sdelay $0x1  }
0x99: {  	s20 =	simm.s32 $_scs_section_size  }
0x9a: {  	s4 =	simm.s32 $_size__tile_overlayer_lowered;
	s5 =	simm.s32 $_tile_overlayer_lowered  }
0x9b: {  	s6 =	simm.s32 $0x1BFF;
	s21 =	sshll.u32 s5, $0x1;
	s3 =	sadd.s32 s20, s19  }
0x9c: {  	s22 =	simm.s32 $0x0;
	s4 =	sshll.u32 s4, $0x1;
	s5 =	sadd.s32 s21, s3  }
0x9d: {  	[timem:s22], [sflag:s6] =	dma.local [hbm:s5], s4  }
0x9e: {  	_ =	swait.ge [sflag:s6], s4  }
0x9f: {  	s4 =	ssub.s32 $0x0, s4;
	[sflag:s6] =	ssyncset.done $0x0  }
0xa0: {  	[sflag:s6] =	ssyncadd.s32 s4;
	_ =	sdelay $0x1  }
0xa1: {  	s23 =	simm.s32 $0x1B8B  }
0xa2: {  	_ =	swait.ge [sflag:s23], $0x1  }
0xa3: {  	[sflag:s23] =	ssyncset.done $0x0  }
0xa4: {  	[sflag:s23] =	ssyncadd.s32 $0xFFFFFFFF  }
0xa5: {  	s4 =	sld [smem:$0x0]  }
0xa6: {  	s5 =	sand.u32 $0xFFFFFFFE, s1  }
0xa7: {  	p0 =	sne.s32 s1, s5  }
0xa8: {  	s5 =	sshll.u32 @p0 s5, $0xE  }
0xa9: {  	s5 =	sadd.s32 @p0 $0x11B8D, s5;
	s6 =	sshll.u32 @p0 s4, $0x11  }
0xaa: {  	s5 =	sor.u32 @p0 s6, s5  }
0xab: {  	[sflag:s5] =	ssyncadd.remote.s32 @p0 $0x1;
	_ =	sdelay $0x1  }
0xac: {  	s5 =	simm.s32 @p0 $0x1B8D  }
0xad: {  	_ =	swait.eq @p0 [sflag:s5], $0x1  }
0xae: {  	[sflag:s5] =	ssyncadd.s32 @p0 $0xFFFFFFFF  }
0xaf: {  	s6 =	sshll.u32 @!p0 s1, $0xE  }
0xb0: {  	s6 =	sor.u32 @!p0 $0x4000, s6;
	s5 =	simm.s32 @!p0 $0x1B8D  }
0xb1: {  	s4 =	sshll.u32 @!p0 s4, $0x11;
	s6 =	sadd.s32 @!p0 $0x11B8D, s6;
	_ =	swait.eq @!p0 [sflag:s5], $0x1  }
0xb2: {  	s4 =	sor.u32 @!p0 s4, s6;
	[sflag:s5] =	ssyncadd.s32 @!p0 $0xFFFFFFFF  }
0xb3: {  	s25 =	simm.s32 $0x1B8E;
	s24 =	sld [smem:$0x3FFE];
	[sflag:s4] =	ssyncadd.remote.s32 @!p0 $0x1  }
0xb4: {  	s26 =	simm.s32 $execute0_lowered;
	[smem:$0x3FD2] =	sst s25  }
0xb5: {  	s5 =	sshll.u32 s26, $0x1;
	_ =	strace $0x80000049;
	[dreg:$0x1] =	wrdreg $0xFFFFFFFF  }
0xb6: {  	s28 =	simm.s32 $_size_execute0_lowered;
	s3 =	sadd.s32 s3, s5;
	[dreg:$0x0] =	wrdreg $0x0  }
0xb7: {  	s5 =	sshll.u32 s28, $0x1;
	[dreg:$0x2] =	wrdreg s3  }
0xb8: {  	[dreg:$0x3] =	wrdreg s5  }
0xb9: {  	[dreg:$0x4] =	wrdreg $0xC0  }
0xba: {  	_ =	task [dreg:s22], $0x5FFFF  }
0xbb: {  	[dreg:$0x1] =	wrdreg $0xFFFFFFFF  }
0xbc: {  	[dreg:$0x0] =	wrdreg $0x60  }
0xbd: {  	[dreg:$0x2] =	wrdreg s24  }
0xbe: {  	[dreg:$0x3] =	wrdreg $0xA  }
0xbf: {  	_ =	task.clear_ibuf [dreg:s22], $0x4FFFF;
	_ =	strace $0x90000049  }
0xc0: {  	s29 =	simm.s32 $0xA;
	_ =	strace $0x8000004B  }
0xc1: {  	_ =	swait.ge [sflag:s29], $0x1  }
0xc2: {  	[sflag:s29] =	ssyncadd.s32 $0xFFFFFFFF  }
0xc3: {  	_ =	strace $0x9000004B  }
0xc4: {  	_ =	sfence  }
0xc5: {  	s30 =	sld [smem:$0x0];
	_ =	sdelay $0x2  }
0xc6: {  	s31 =	sshll.u32 s1, $0xD;
	s1 =	sshrl.u32 s1, $0x2  }
0xc7: {  	s4 =	sand.u32 $0x4000, s31;
	s1 =	sadd.s32 s1, s30  }
0xc8: {  	s0 =	sor.u32 s4, s0;
	s1 =	sshll.u32 s1, $0x11  }
0xc9: {  	s0 =	sor.u32 s1, s0  }
0xca: {  	s0 =	sadd.s32 $0x8F2B, s0  }
0xcb: {  	[sflag:s0] =	ssyncadd.remote.s32 $0x1  }
0xcc: {  	_ =	sfence.sel $0xFFFF  }
0xcd: {  	[dreg:$0x0] =	wrdreg $0xFFFFFFFF;
	(pc) =	sbr.abs _section_cstart, $3  }
0xce: {  	[dreg:$0x1] =	wrdreg $0xFFFFFFFF  }
0xcf: {  	_ =	task.clear_ibuf [dreg:s22], $0x2FFFF;
	_ =	strace $0x9FFFFFFF  }
0xd0: {  	(tm) =	ssettm $0x7FFFFFFF  }
0xd1: {  	_ =	shalt  }
tec
execute0_lowered:
.L_overlay_start_1:
0x0: {  	(tag) =	ssettag $0x1  }
0x1: {  	s4 =	rddreg [dreg:$0x0]  }
0x2: {  	s0 =	rddreg [dreg:$0x1]  }
0x3: {  	s2 =	simm.s32 $0x0;
	s1 =	stileid.u32;
	s3 =	srdreg.scid  }
0x4: {  	s12 =	simm.s32 $0x100;
	s13 =	simm.s32 $0x8200;
	s14 =	simm.s32 $0x180  }
0x5: {  	s15 =	simm.s32 $0xC200;
	s16 =	simm.s32 $0x1;
	s5 =	smul.u32 $0x18000, s1  }
0x6: {  	s17 =	simm.s32 $0x0;
	s6 =	sand.u32 $0x1, s3;
	s10 =	smul.u32 $0x1800, s1  }
0x7: {  	[smem:$0x7FF] =	sst s2;
	s3 =	sadd.s32 $0xF5E400, s4;
	s8 =	smul.u32 $0xC000, s6  }
0x8: {  	_ =	strace $0x8000004A;
	s7 =	ssub.s32 $0x2, s6;
	s30 =	smul.u32 $0xC00, s6  }
0x9: {  	s9 =	sshrl.u32 s7, $0x1;
	s11 =	sadd.s32 s5, s4;
	s4 =	sadd.s32 $0x3000, s4  }
0xa: {  	s29 =	ssub.s32 s7, s9;
	s31 =	sadd.s32 s8, s11;
	s7 =	sadd.s32 s30, s10  }
0xb: {  	s8 =	simm.s32 $0x2;
	s9 =	simm.s32 $0x80;
	s10 =	simm.s32 $0x200  }
0xc: {  	s11 =	simm.s32 $0x4200;
	s5 =	smax.u32 s29, $0x1;
	s6 =	sadd.s32 $0xF61400, s31  }
.LBB2_1:
0xd: {  	s18 =	sadd.s32 $0x0, s7  }
0xe: {  	s19 =	sand.u32 $0x200, s2;
	s18 =	sand.u32 $0x3FC00, s18  }
0xf: {  	s18 =	sor.u32 s19, s18  }
0x10: {  	s18 =	sshrl.u32 s18, $0x3  }
0x11: {  	s18 =	sadd.s32 s3, s18  }
0x12: {  	[tilespmem:s2], [sflag:$0x2] =	stream.linear.gather [hbm4b:s18+s2], $0x200, $0x38;
	[tilespmem:$0x10200] =	vst v63  }
0x13: {  	_ =	swait.ge [sflag:s8], $0x200  }
0x14: {  	[sflag:s8] =	ssyncset.done $0x0  }
0x15: {  	[sflag:s8] =	ssyncadd.s32 $0xFFFFFE00  }
0x16: {  	[tilespmem:s10], [sflag:$0x1] =	stream.indirect.gather [hbm4b:s4+s9], $0x80, s2, s9, $0xb8;
	[tilespmem:$0x10200] =	vst v63  }
0x17: {  	_ = 	snop  }
0x18: {  	[tilespmem:s11], [sflag:$0x1] =	stream.indirect.gather [hbm4b:s4+s9], $0x80, s9, s9, $0xb8;
	[tilespmem:$0x10200] =	vst v63  }
0x19: {  	_ = 	snop  }
0x1a: {  	[tilespmem:s13], [sflag:$0x1] =	stream.indirect.gather [hbm4b:s4+s9], $0x80, s12, s9, $0xb8;
	[tilespmem:$0x10200] =	vst v63  }
0x1b: {  	_ = 	snop  }
0x1c: {  	[tilespmem:s15], [sflag:$0x1] =	stream.indirect.gather [hbm4b:s4+s9], $0x80, s14, s9, $0xb8;
	[tilespmem:$0x10200] =	vst v63  }
0x1d: {  	_ =	swait.ge [sflag:s16], $0x4000  }
0x1e: {  	[sflag:s16] =	ssyncset.done $0x0  }
0x1f: {  	[sflag:s16] =	ssyncadd.s32 $0xFFFFC000  }
0x20: {  	_ =	swait.ge [sflag:s16], $0x4000  }
0x21: {  	[sflag:s16] =	ssyncset.done $0x0  }
0x22: {  	[sflag:s16] =	ssyncadd.s32 $0xFFFFC000  }
0x23: {  	_ =	swait.ge [sflag:s16], $0x4000  }
0x24: {  	s31 =	sadd.s32 $0x200, s7;
	[sflag:s16] =	ssyncset.done $0x0  }
0x25: {  	s30 =	simm.s32 $0x200;
	s20 =	sand.u32 $0x3FC00, s31;
	[sflag:s16] =	ssyncadd.s32 $0xFFFFC000  }
0x26: {  	s19 =	simm.s32 $0x400;
	s18 =	sand.u32 $0x200, s30;
	_ =	swait.ge [sflag:s16], $0x4000  }
0x27: {  	s18 =	sor.u32 s18, s20;
	s20 =	smov.u32 s6;
	[sflag:s16] =	ssyncset.done $0x0  }
0x28: {  	s21 =	sshrl.u32 s18, $0x3;
	s18 =	sadd.s32 $0x2000, s6;
	[sflag:s16] =	ssyncadd.s32 $0xFFFFC000  }
.LBB2_2:
0x29: {  	[hbm4b:s20+s2] =	stream.linear.scatter [tilespmem:s10], [sflag:$0x2], $0x10000, $0x38;
	[tilespmem:$0x10200] =	vst v63  }
0x2a: {  	s22 =	smov.u32 s19;
	s20 =	smov.u32 s18  }
0x2b: {  	p0 =	sne.s32 s19, $0xA00;
	s19 =	sadd.s32 $0x200, s19;
	_ =	swait.ge [sflag:s8], $0x10000  }
0x2c: {  	[sflag:s8] =	ssyncset.done $0x0  }
0x2d: {  	s21 =	sadd.s32 s3, s21;
	[sflag:s8] =	ssyncadd.s32 $0xFFFF0000  }
0x2e: {  	[tilespmem:s2], [sflag:$0x2] =	stream.linear.gather [hbm4b:s21+s2], $0x200, $0x38;
	[tilespmem:$0x10200] =	vst v63  }
0x2f: {  	_ =	swait.ge [sflag:s8], $0x200  }
0x30: {  	[sflag:s8] =	ssyncset.done $0x0  }
0x31: {  	[sflag:s8] =	ssyncadd.s32 $0xFFFFFE00  }
0x32: {  	[tilespmem:s10], [sflag:$0x1] =	stream.indirect.gather [hbm4b:s4+s9], $0x80, s2, s9, $0xb8;
	[tilespmem:$0x10200] =	vst v63  }
0x33: {  	_ = 	snop  }
0x34: {  	[tilespmem:s11], [sflag:$0x1] =	stream.indirect.gather [hbm4b:s4+s9], $0x80, s9, s9, $0xb8;
	[tilespmem:$0x10200] =	vst v63  }
0x35: {  	_ = 	snop  }
0x36: {  	[tilespmem:s13], [sflag:$0x1] =	stream.indirect.gather [hbm4b:s4+s9], $0x80, s12, s9, $0xb8;
	[tilespmem:$0x10200] =	vst v63  }
0x37: {  	_ = 	snop  }
0x38: {  	[tilespmem:s15], [sflag:$0x1] =	stream.indirect.gather [hbm4b:s4+s9], $0x80, s14, s9, $0xb8;
	[tilespmem:$0x10200] =	vst v63  }
0x39: {  	_ =	swait.ge [sflag:s16], $0x4000  }
0x3a: {  	[sflag:s16] =	ssyncset.done $0x0  }
0x3b: {  	[sflag:s16] =	ssyncadd.s32 $0xFFFFC000  }
0x3c: {  	_ =	swait.ge [sflag:s16], $0x4000  }
0x3d: {  	[sflag:s16] =	ssyncset.done $0x0  }
0x3e: {  	[sflag:s16] =	ssyncadd.s32 $0xFFFFC000  }
0x3f: {  	_ =	swait.ge [sflag:s16], $0x4000  }
.Ltmp0:
0x40: {  	[sflag:s16] =	ssyncset.done $0x0;
	(pc) =	sbr.rel @p0 .LBB2_2-.Ltmp0, $4  }
0x41: {  	s21 =	sadd.s32 s22, s7;
	[sflag:s16] =	ssyncadd.s32 $0xFFFFC000  }
0x42: {  	s22 =	sand.u32 $0x200, s22;
	s21 =	sand.u32 $0x3FC00, s21;
	_ =	swait.ge [sflag:s16], $0x4000  }
0x43: {  	s21 =	sor.u32 s22, s21;
	[sflag:s16] =	ssyncset.done $0x0  }
0x44: {  	s18 =	sadd.s32 $0x2000, s18;
	s21 =	sshrl.u32 s21, $0x3;
	[sflag:s16] =	ssyncadd.s32 $0xFFFFC000  }
0x45: {  	[hbm4b:s20+s2] =	stream.linear.scatter [tilespmem:s10], [sflag:$0x2], $0x10000, $0x38;
	[tilespmem:$0x10200] =	vst v63  }
0x46: {  	_ =	swait.ge [sflag:s8], $0x10000  }
0x47: {  	[sflag:s8] =	ssyncset.done $0x0  }
0x48: {  	s19 =	sadd.s32 s3, s21;
	[sflag:s8] =	ssyncadd.s32 $0xFFFF0000  }
0x49: {  	[tilespmem:s2], [sflag:$0x2] =	stream.linear.gather [hbm4b:s19+s2], $0x200, $0x38;
	[tilespmem:$0x10200] =	vst v63  }
0x4a: {  	_ =	swait.ge [sflag:s8], $0x200  }
0x4b: {  	[sflag:s8] =	ssyncset.done $0x0  }
0x4c: {  	[sflag:s8] =	ssyncadd.s32 $0xFFFFFE00  }
0x4d: {  	[tilespmem:s10], [sflag:$0x1] =	stream.indirect.gather [hbm4b:s4+s9], $0x80, s2, s9, $0xb8;
	[tilespmem:$0x10200] =	vst v63  }
0x4e: {  	_ = 	snop  }
0x4f: {  	[tilespmem:s11], [sflag:$0x1] =	stream.indirect.gather [hbm4b:s4+s9], $0x80, s9, s9, $0xb8;
	[tilespmem:$0x10200] =	vst v63  }
0x50: {  	_ = 	snop  }
0x51: {  	[tilespmem:s13], [sflag:$0x1] =	stream.indirect.gather [hbm4b:s4+s9], $0x80, s12, s9, $0xb8;
	[tilespmem:$0x10200] =	vst v63  }
0x52: {  	_ = 	snop  }
0x53: {  	[tilespmem:s15], [sflag:$0x1] =	stream.indirect.gather [hbm4b:s4+s9], $0x80, s14, s9, $0xb8;
	[tilespmem:$0x10200] =	vst v63  }
0x54: {  	_ =	swait.ge [sflag:s16], $0x4000  }
0x55: {  	[sflag:s16] =	ssyncset.done $0x0  }
0x56: {  	[sflag:s16] =	ssyncadd.s32 $0xFFFFC000  }
0x57: {  	_ =	swait.ge [sflag:s16], $0x4000  }
0x58: {  	[sflag:s16] =	ssyncset.done $0x0  }
0x59: {  	[sflag:s16] =	ssyncadd.s32 $0xFFFFC000  }
0x5a: {  	_ =	swait.ge [sflag:s16], $0x4000  }
0x5b: {  	[sflag:s16] =	ssyncset.done $0x0  }
0x5c: {  	[sflag:s16] =	ssyncadd.s32 $0xFFFFC000  }
0x5d: {  	s17 =	sadd.s32 $0x1, s17;
	_ =	swait.ge [sflag:s16], $0x4000  }
0x5e: {  	p0 =	sne.s32 s17, s5;
	[sflag:s16] =	ssyncset.done $0x0  }
.Ltmp1:
0x5f: {  	[sflag:s16] =	ssyncadd.s32 $0xFFFFC000;
	(pc) =	sbr.rel @p0 .LBB2_1-.Ltmp1, $4  }
0x60: {  	[hbm4b:s18+s2] =	stream.linear.scatter [tilespmem:s10], [sflag:$0x2], $0x10000, $0x38;
	[tilespmem:$0x10200] =	vst v63  }
0x61: {  	_ =	swait.ge [sflag:s8], $0x10000  }
0x62: {  	[sflag:s8] =	ssyncset.done $0x0  }
0x63: {  	[sflag:s8] =	ssyncadd.s32 $0xFFFF0000  }
0x64: {  	_ =	sfence.sel $0x180000  }
0x65: {  	[bflag:$0x0] =	sbarrier.arrive $0xFFFF  }
0x66: {  	p0 =	sne.s32 s1, $0x0;
	_ =	strace $0x9000004A  }
0x67: {  	s0 =	sadd.s32 @!p0 $0x100000, s0;
	[bflag:$0x2] =	sbarrier.arrive $0xFFFF  }
0x68: {  	[sflag:s0] =	ssyncadd.tile.s32 @!p0 $0x1;
	_ =	shalt  }
.Lfunc_end2:
_tile_overlayer_lowered:
.L_overlay_start_2:
0x69: {  	(tag) =	ssettag $0x2  }
0x6a: {  	s0 =	rddreg [dreg:$0x0];
	s2 =	stileid.u32  }
0x6b: {  	s1 =	rddreg [dreg:$0x1];
	p0 =	sne.s32 s2, $0x0  }
0x6c: {  	s3 =	rddreg [dreg:$0x2];
	[bflag:$0x3] =	sbarrier.arrive $0xFFFF;
	s2 =	simm.s32 @!p0 $0x1C02  }
0x6d: {  	[timem:s3], [sflag:s2] =	dma.local @!p0 [hbm:s0], s1  }
0x6e: {  	s0 =	simm.s32 @!p0 $0x2  }
0x6f: {  	_ =	swait.ge @!p0 [sflag:s0], s1  }
0x70: {  	s1 =	ssub.s32 @!p0 $0x0, s1;
	[sflag:s0] =	ssyncset.done @!p0 $0x0  }
0x71: {  	[sflag:s0] =	ssyncadd.s32 @!p0 s1  }
0x72: {  	[bflag:$0x3] =	sbarrier.arrive $0xFFFF  }
0x73: {  	_ =	shalt  }

// kernel: kernel.19.cloned.1.call-start
scs
__scs_entry_jumppad:
0x0: {  	(pc) =	sbr.rel $0x88, $3  }
0x1: {  	(tag) =	ssettag $0x0;
	lr =	simm.s32 $0x1  }
0x2: {  	[smem:$0x3F9D] =	sst lr;
	_ =	strace $0xD0000000  }
0x3: {  	_ = 	snop  }
0x4: {  	_ = 	snop  }
0x5: {  	_ = 	snop  }
0x6: {  	_ = 	snop  }
0x7: {  	_ = 	snop  }
__scs_overlays_trampoline_lowered:
0x8: {  	[smem:$0x3FAC] =	sst s0  }
0x9: {  	[smem:$0x3FAD] =	sst s1  }
0xa: {  	[smem:$0x3FAE] =	sst s2  }
0xb: {  	[smem:$0x3FAF] =	sst s3  }
0xc: {  	[smem:$0x3FB0] =	sst s4  }
0xd: {  	[smem:$0x3FB1] =	sst s5  }
0xe: {  	[smem:$0x3FB2] =	sst s6  }
0xf: {  	[smem:$0x3FB3] =	sst s7  }
0x10: {  	[smem:$0x3FB4] =	sst s8  }
0x11: {  	[smem:$0x3FB5] =	sst s9;
	s0 =	simm.s32 @!p0 $0x0  }
0x12: {  	s1 =	sld [smem:$0x3F9B];
	s0 =	simm.s32 @p0 $0x1  }
0x13: {  	[smem:$0x3FB6] =	sst s0;
	s0 =	simm.s32 @!p1 $0x0  }
0x14: {  	s2 =	sld [smem:$0x3F9A];
	s0 =	simm.s32 @p1 $0x1  }
0x15: {  	[smem:$0x3FB7] =	sst s0;
	s0 =	simm.s32 @!p2 $0x0  }
0x16: {  	s3 =	sld [smem:$0x3FDB];
	s0 =	simm.s32 @p2 $0x1  }
0x17: {  	s4 =	simm.s32 $0x1BF5;
	[smem:$0x3FB9] =	sst s0  }
0x18: {  	s0 =	sld [smem:$0x3F9C];
	_ =	swait.ge [sflag:s4], $0x0  }
0x19: {  	s7 =	sld [smem:$0x3F9D]  }
0x1a: {  	s8 =	sadd.s32 $0xFFFFE003, lr  }
0x1b: {  	s9 =	sadd.s32 $0xFFFFFEF7, lr;
	s5 =	simm.s32 $0xFFFFFFFF;
	p2 =	slt.u32 s8, $0xFFFFF086  }
0x1c: {  	p1 =	slt.u32 s9, $0xF7A;
	s5 =	simm.s32 @!p2 $0x0  }
0x1d: {  	s5 =	simm.s32 @p1 $0x1;
	p0 =	seq.s32 s7, s2  }
0x1e: {  	s7 =	smul.u32 @!p0 $0xF7A, s2;
	p2 =	seq.s32 @!p0 s5, $0x0  }
0x1f: {  	s9 =	smul.u32 $0xF7A, s1;
	s8 =	simm.s32 @!p0 $0x1BF5;
	p2 =	por !p2, p0  }
0x20: {  	[sflag:s8] =	ssyncset.s32 @!p0 $0xFFFFF086;
	s6 =	sadd.s32 @!p0 s3, s7;
	s7 =	simm.s32 @!p0 $0x108  }
0x21: {  	s3 =	sadd.s32 s3, s9;
	s6 =	sadd.s32 @!p0 $0x88, s6;
	s7 =	simm.s32 @p2 $0x1082  }
0x22: {  	[simem:s7], [sflag:s8] =	dma.local @!p0 [hbm:s6], $0xF7A  }
0x23: {  	s9 =	sor.u32 $0xD0000000, s2;
	s6 =	simm.s32 $0x108;
	_ =	swait.ge @!p0 [sflag:s8], $0x0  }
0x24: {  	s3 =	sadd.s32 $0x88, s3;
	s6 =	simm.s32 @!p1 $0x1082;
	[sflag:s4] =	ssyncset.s32 $0xFFFFF086  }
0x25: {  	[simem:s6], [sflag:s4] =	dma.local [hbm:s3], $0xF7A  }
0x26: {  	[smem:$0x3F9D] =	sst s1;
	(tag) =	ssettag s2;
	_ =	strace s9  }
0x27: {  	s1 =	sld [smem:$0x3FAD]  }
0x28: {  	s2 =	sld [smem:$0x3FAE]  }
0x29: {  	s4 =	sld [smem:$0x3FB0]  }
0x2a: {  	p0 =	seq.s32 s5, $0x0;
	s5 =	sld [smem:$0x3FB1]  }
0x2b: {  	s6 =	sld [smem:$0x3FB2]  }
0x2c: {  	s7 =	sld [smem:$0x3FB3]  }
0x2d: {  	s3 =	simm.s32 $0x108;
	s8 =	sld [smem:$0x3FB4]  }
0x2e: {  	s3 =	simm.s32 @!p0 $0x1082;
	s9 =	sld [smem:$0x3FB5]  }
0x2f: {  	lr =	sadd.s32 s0, s3;
	s0 =	sld [smem:$0x3FAC]  }
0x30: {  	s3 =	sld [smem:$0x3FAF]  }
0x31: {  	[smem:$0x3FB8] =	sst s10  }
0x32: {  	s10 =	sld [smem:$0x3FB6];
	_ =	sdelay $0x3  }
0x33: {  	p0 =	seq.s32 s10, $0x1;
	s10 =	sld [smem:$0x3FB8];
	_ =	sdelay $0x3  }
0x34: {  	[smem:$0x3FB8] =	sst s10  }
0x35: {  	s10 =	sld [smem:$0x3FB7];
	_ =	sdelay $0x3  }
0x36: {  	p1 =	seq.s32 s10, $0x1;
	s10 =	sld [smem:$0x3FB8];
	_ =	sdelay $0x3  }
0x37: {  	[smem:$0x3FB8] =	sst s10  }
0x38: {  	s10 =	sld [smem:$0x3FB9]  }
0x39: {  	_ = 	snop;
	(pc) =	sbr.ind lr, $3  }
0x3a: {  	_ = 	snop  }
0x3b: {  	_ = 	snop  }
0x3c: {  	p2 =	seq.s32 s10, $0x1;
	s10 =	sld [smem:$0x3FB8]  }
0x3d: {  	_ =	shalt  }
0x3e: {  	_ =	shalt  }
0x3f: {  	_ =	shalt  }
0x40: {  	_ =	shalt  }
0x41: {  	_ =	shalt  }
0x42: {  	_ =	shalt  }
0x43: {  	_ =	shalt  }
0x44: {  	_ =	shalt  }
0x45: {  	_ =	shalt  }
0x46: {  	_ =	shalt  }
0x47: {  	_ =	shalt  }
0x48: {  	_ =	shalt  }
0x49: {  	_ =	shalt  }
0x4a: {  	_ =	shalt  }
0x4b: {  	_ =	shalt  }
0x4c: {  	_ =	shalt  }
0x4d: {  	_ =	shalt  }
0x4e: {  	_ =	shalt  }
0x4f: {  	_ =	shalt  }
0x50: {  	_ =	shalt  }
0x51: {  	_ =	shalt  }
0x52: {  	_ =	shalt  }
0x53: {  	_ =	shalt  }
0x54: {  	_ =	shalt  }
0x55: {  	_ =	shalt  }
0x56: {  	_ =	shalt  }
0x57: {  	_ =	shalt  }
0x58: {  	_ =	shalt  }
0x59: {  	_ =	shalt  }
0x5a: {  	_ =	shalt  }
0x5b: {  	_ =	shalt  }
0x5c: {  	_ =	shalt  }
0x5d: {  	_ =	shalt  }
0x5e: {  	_ =	shalt  }
0x5f: {  	_ =	shalt  }
0x60: {  	_ =	shalt  }
0x61: {  	_ =	shalt  }
0x62: {  	_ =	shalt  }
0x63: {  	_ =	shalt  }
0x64: {  	_ =	shalt  }
0x65: {  	_ =	shalt  }
0x66: {  	_ =	shalt  }
0x67: {  	_ =	shalt  }
0x68: {  	_ =	shalt  }
0x69: {  	_ =	shalt  }
0x6a: {  	_ =	shalt  }
0x6b: {  	_ =	shalt  }
0x6c: {  	_ =	shalt  }
0x6d: {  	_ =	shalt  }
0x6e: {  	_ =	shalt  }
0x6f: {  	_ =	shalt  }
0x70: {  	_ =	shalt  }
0x71: {  	_ =	shalt  }
0x72: {  	_ =	shalt  }
0x73: {  	_ =	shalt  }
0x74: {  	_ =	shalt  }
0x75: {  	_ =	shalt  }
0x76: {  	_ =	shalt  }
0x77: {  	_ =	shalt  }
0x78: {  	_ =	shalt  }
0x79: {  	_ =	shalt  }
0x7a: {  	_ =	shalt  }
0x7b: {  	_ =	shalt  }
0x7c: {  	_ =	shalt  }
0x7d: {  	_ =	shalt  }
0x7e: {  	_ =	shalt  }
0x7f: {  	_ =	shalt  }
0x80: {  	_ =	shalt  }
0x81: {  	_ =	shalt  }
0x82: {  	_ =	shalt  }
0x83: {  	_ =	shalt  }
0x84: {  	_ =	shalt  }
0x85: {  	_ =	shalt  }
0x86: {  	_ =	shalt  }
0x87: {  	_ =	shalt  }
.Lfunc_end0:
.L_simem_size_0:
called_computation.2_lowered:
.L_overlay_start_0:
0x88: {  	s2 =	sld [smem:$0x3FD9]  }
0x89: {  	s3 =	sld [smem:$0x3FFE];
	_ =	sdelay $0x1  }
0x8a: {  	s1 =	srdreg.scid  }
0x8b: {  	s0 =	sand.u32 $0x1, s1  }
0x8c: {  	s17 =	sshll.u32 s0, $0xA;
	s2 =	sadd.s32 s3, s2  }
0x8d: {  	s2 =	sadd.s32 s2, s17  }
0x8e: {  	[smem:$0x3FC4] =	sst s2  }
0x8f: {  	_ = 	snop  }
0x90: {  	(tm) =	ssettm $0x1  }
0x91: {  	s18 =	sld [smem:$0x3FFB];
	_ =	sdelay $0x3  }
0x92: {  	_ =	strace s18  }
0x93: {  	s2 =	sld [smem:$0x3FFC];
	_ =	sdelay $0x3  }
0x94: {  	_ =	strace s2  }
0x95: {  	s2 =	sld [smem:$0x3FFD];
	_ =	sdelay $0x3  }
0x96: {  	_ =	strace s2  }
0x97: {  	_ =	strace $0x8FFFFFFF  }
0x98: {  	s19 =	sld [smem:$0x3FDB];
	_ =	sdelay $0x1  }
0x99: {  	s20 =	simm.s32 $_scs_section_size  }
0x9a: {  	s4 =	simm.s32 $_size__tile_overlayer_lowered;
	s5 =	simm.s32 $_tile_overlayer_lowered  }
0x9b: {  	s6 =	simm.s32 $0x1BFF;
	s21 =	sshll.u32 s5, $0x1;
	s3 =	sadd.s32 s20, s19  }
0x9c: {  	s22 =	simm.s32 $0x0;
	s4 =	sshll.u32 s4, $0x1;
	s5 =	sadd.s32 s21, s3  }
0x9d: {  	[timem:s22], [sflag:s6] =	dma.local [hbm:s5], s4  }
0x9e: {  	_ =	swait.ge [sflag:s6], s4  }
0x9f: {  	s4 =	ssub.s32 $0x0, s4;
	[sflag:s6] =	ssyncset.done $0x0  }
0xa0: {  	[sflag:s6] =	ssyncadd.s32 s4;
	_ =	sdelay $0x1  }
0xa1: {  	s23 =	simm.s32 $0x1B8B  }
0xa2: {  	_ =	swait.ge [sflag:s23], $0x1  }
0xa3: {  	[sflag:s23] =	ssyncset.done $0x0  }
0xa4: {  	[sflag:s23] =	ssyncadd.s32 $0xFFFFFFFF  }
0xa5: {  	s4 =	sld [smem:$0x0]  }
0xa6: {  	s5 =	sand.u32 $0xFFFFFFFE, s1  }
0xa7: {  	p0 =	sne.s32 s1, s5  }
0xa8: {  	s5 =	sshll.u32 @p0 s5, $0xE  }
0xa9: {  	s5 =	sadd.s32 @p0 $0x11B8D, s5;
	s6 =	sshll.u32 @p0 s4, $0x11  }
0xaa: {  	s5 =	sor.u32 @p0 s6, s5  }
0xab: {  	[sflag:s5] =	ssyncadd.remote.s32 @p0 $0x1;
	_ =	sdelay $0x1  }
0xac: {  	s5 =	simm.s32 @p0 $0x1B8D  }
0xad: {  	_ =	swait.eq @p0 [sflag:s5], $0x1  }
0xae: {  	[sflag:s5] =	ssyncadd.s32 @p0 $0xFFFFFFFF  }
0xaf: {  	s6 =	sshll.u32 @!p0 s1, $0xE  }
0xb0: {  	s6 =	sor.u32 @!p0 $0x4000, s6;
	s5 =	simm.s32 @!p0 $0x1B8D  }
0xb1: {  	s4 =	sshll.u32 @!p0 s4, $0x11;
	s6 =	sadd.s32 @!p0 $0x11B8D, s6;
	_ =	swait.eq @!p0 [sflag:s5], $0x1  }
0xb2: {  	s4 =	sor.u32 @!p0 s4, s6;
	[sflag:s5] =	ssyncadd.s32 @!p0 $0xFFFFFFFF  }
0xb3: {  	s25 =	simm.s32 $0x1B8E;
	s24 =	sld [smem:$0x3FFE];
	[sflag:s4] =	ssyncadd.remote.s32 @!p0 $0x1  }
0xb4: {  	s26 =	simm.s32 $execute0_lowered;
	[smem:$0x3FD2] =	sst s25  }
0xb5: {  	s5 =	sshll.u32 s26, $0x1;
	_ =	strace $0x8000004C;
	[dreg:$0x1] =	wrdreg $0xFFFFFFFF  }
0xb6: {  	s28 =	simm.s32 $_size_execute0_lowered;
	s3 =	sadd.s32 s3, s5;
	[dreg:$0x0] =	wrdreg $0x0  }
0xb7: {  	s5 =	sshll.u32 s28, $0x1;
	[dreg:$0x2] =	wrdreg s3  }
0xb8: {  	[dreg:$0x3] =	wrdreg s5  }
0xb9: {  	[dreg:$0x4] =	wrdreg $0xC0  }
0xba: {  	_ =	task [dreg:s22], $0x5FFFF  }
0xbb: {  	[dreg:$0x1] =	wrdreg $0xFFFFFFFF  }
0xbc: {  	[dreg:$0x0] =	wrdreg $0x60  }
0xbd: {  	[dreg:$0x2] =	wrdreg s24  }
0xbe: {  	[dreg:$0x3] =	wrdreg $0xB  }
0xbf: {  	_ =	task.clear_ibuf [dreg:s22], $0x4FFFF;
	_ =	strace $0x9000004C  }
0xc0: {  	s29 =	simm.s32 $0xB;
	_ =	strace $0x8000004E  }
0xc1: {  	_ =	swait.ge [sflag:s29], $0x1  }
0xc2: {  	[sflag:s29] =	ssyncadd.s32 $0xFFFFFFFF  }
0xc3: {  	_ =	strace $0x9000004E  }
0xc4: {  	_ =	sfence  }
0xc5: {  	s30 =	sld [smem:$0x0];
	_ =	sdelay $0x2  }
0xc6: {  	s31 =	sshll.u32 s1, $0xD;
	s1 =	sshrl.u32 s1, $0x2  }
0xc7: {  	s4 =	sand.u32 $0x4000, s31;
	s1 =	sadd.s32 s1, s30  }
0xc8: {  	s0 =	sor.u32 s4, s0;
	s1 =	sshll.u32 s1, $0x11  }
0xc9: {  	s0 =	sor.u32 s1, s0  }
0xca: {  	s0 =	sadd.s32 $0x8F2B, s0  }
0xcb: {  	[sflag:s0] =	ssyncadd.remote.s32 $0x1  }
0xcc: {  	_ =	sfence.sel $0xFFFF  }
0xcd: {  	[dreg:$0x0] =	wrdreg $0xFFFFFFFF;
	(pc) =	sbr.abs _section_cstart, $3  }
0xce: {  	[dreg:$0x1] =	wrdreg $0xFFFFFFFF  }
0xcf: {  	_ =	task.clear_ibuf [dreg:s22], $0x2FFFF;
	_ =	strace $0x9FFFFFFF  }
0xd0: {  	(tm) =	ssettm $0x7FFFFFFF  }
0xd1: {  	_ =	shalt  }
tec
execute0_lowered:
.L_overlay_start_1:
0x0: {  	(tag) =	ssettag $0x1  }
0x1: {  	s4 =	rddreg [dreg:$0x0]  }
0x2: {  	s0 =	rddreg [dreg:$0x1]  }
0x3: {  	s2 =	simm.s32 $0x0;
	s1 =	stileid.u32;
	s3 =	srdreg.scid  }
0x4: {  	s12 =	simm.s32 $0x100;
	s13 =	simm.s32 $0x8200;
	s14 =	simm.s32 $0x180  }
0x5: {  	s15 =	simm.s32 $0xC200;
	s16 =	simm.s32 $0x1;
	s5 =	smul.u32 $0x38000, s1  }
0x6: {  	s17 =	simm.s32 $0x0;
	s6 =	sand.u32 $0x1, s3;
	s10 =	smul.u32 $0x3800, s1  }
0x7: {  	[smem:$0x7FF] =	sst s2;
	s3 =	sadd.s32 $0x10E1400, s4;
	s8 =	smul.u32 $0x1C000, s6  }
0x8: {  	_ =	strace $0x8000004D;
	s7 =	ssub.s32 $0x2, s6;
	s30 =	smul.u32 $0x1C00, s6  }
0x9: {  	s9 =	sshrl.u32 s7, $0x1;
	s11 =	sadd.s32 s5, s4;
	s4 =	sadd.s32 $0x3000, s4  }
0xa: {  	s29 =	ssub.s32 s7, s9;
	s31 =	sadd.s32 s8, s11;
	s7 =	sadd.s32 s30, s10  }
0xb: {  	s8 =	simm.s32 $0x2;
	s9 =	simm.s32 $0x80;
	s10 =	simm.s32 $0x200  }
0xc: {  	s11 =	simm.s32 $0x4200;
	s5 =	smax.u32 s29, $0x1;
	s6 =	sadd.s32 $0x10F6400, s31  }
.LBB2_1:
0xd: {  	s18 =	sadd.s32 $0x0, s7  }
0xe: {  	s19 =	sand.u32 $0x200, s2;
	s18 =	sand.u32 $0x7FC00, s18  }
0xf: {  	s18 =	sor.u32 s19, s18  }
0x10: {  	s18 =	sshrl.u32 s18, $0x3  }
0x11: {  	s18 =	sadd.s32 s3, s18  }
0x12: {  	[tilespmem:s2], [sflag:$0x2] =	stream.linear.gather [hbm4b:s18+s2], $0x200, $0x38;
	[tilespmem:$0x10200] =	vst v63  }
0x13: {  	_ =	swait.ge [sflag:s8], $0x200  }
0x14: {  	[sflag:s8] =	ssyncset.done $0x0  }
0x15: {  	[sflag:s8] =	ssyncadd.s32 $0xFFFFFE00  }
0x16: {  	[tilespmem:s10], [sflag:$0x1] =	stream.indirect.gather [hbm4b:s4+s9], $0x80, s2, s9, $0xb8;
	[tilespmem:$0x10200] =	vst v63  }
0x17: {  	_ = 	snop  }
0x18: {  	[tilespmem:s11], [sflag:$0x1] =	stream.indirect.gather [hbm4b:s4+s9], $0x80, s9, s9, $0xb8;
	[tilespmem:$0x10200] =	vst v63  }
0x19: {  	_ = 	snop  }
0x1a: {  	[tilespmem:s13], [sflag:$0x1] =	stream.indirect.gather [hbm4b:s4+s9], $0x80, s12, s9, $0xb8;
	[tilespmem:$0x10200] =	vst v63  }
0x1b: {  	_ = 	snop  }
0x1c: {  	[tilespmem:s15], [sflag:$0x1] =	stream.indirect.gather [hbm4b:s4+s9], $0x80, s14, s9, $0xb8;
	[tilespmem:$0x10200] =	vst v63  }
0x1d: {  	_ =	swait.ge [sflag:s16], $0x4000  }
0x1e: {  	[sflag:s16] =	ssyncset.done $0x0  }
0x1f: {  	[sflag:s16] =	ssyncadd.s32 $0xFFFFC000  }
0x20: {  	_ =	swait.ge [sflag:s16], $0x4000  }
0x21: {  	[sflag:s16] =	ssyncset.done $0x0  }
0x22: {  	[sflag:s16] =	ssyncadd.s32 $0xFFFFC000  }
0x23: {  	_ =	swait.ge [sflag:s16], $0x4000  }
0x24: {  	s31 =	sadd.s32 $0x200, s7;
	[sflag:s16] =	ssyncset.done $0x0  }
0x25: {  	s30 =	simm.s32 $0x200;
	s20 =	sand.u32 $0x7FC00, s31;
	[sflag:s16] =	ssyncadd.s32 $0xFFFFC000  }
0x26: {  	s19 =	simm.s32 $0x400;
	s18 =	sand.u32 $0x200, s30;
	_ =	swait.ge [sflag:s16], $0x4000  }
0x27: {  	s18 =	sor.u32 s18, s20;
	s20 =	smov.u32 s6;
	[sflag:s16] =	ssyncset.done $0x0  }
0x28: {  	s21 =	sshrl.u32 s18, $0x3;
	s18 =	sadd.s32 $0x2000, s6;
	[sflag:s16] =	ssyncadd.s32 $0xFFFFC000  }
.LBB2_2:
0x29: {  	[hbm4b:s20+s2] =	stream.linear.scatter [tilespmem:s10], [sflag:$0x2], $0x10000, $0x38;
	[tilespmem:$0x10200] =	vst v63  }
0x2a: {  	s22 =	smov.u32 s19;
	s20 =	smov.u32 s18  }
0x2b: {  	p0 =	sne.s32 s19, $0x1A00;
	s19 =	sadd.s32 $0x200, s19;
	_ =	swait.ge [sflag:s8], $0x10000  }
0x2c: {  	[sflag:s8] =	ssyncset.done $0x0  }
0x2d: {  	s21 =	sadd.s32 s3, s21;
	[sflag:s8] =	ssyncadd.s32 $0xFFFF0000  }
0x2e: {  	[tilespmem:s2], [sflag:$0x2] =	stream.linear.gather [hbm4b:s21+s2], $0x200, $0x38;
	[tilespmem:$0x10200] =	vst v63  }
0x2f: {  	_ =	swait.ge [sflag:s8], $0x200  }
0x30: {  	[sflag:s8] =	ssyncset.done $0x0  }
0x31: {  	[sflag:s8] =	ssyncadd.s32 $0xFFFFFE00  }
0x32: {  	[tilespmem:s10], [sflag:$0x1] =	stream.indirect.gather [hbm4b:s4+s9], $0x80, s2, s9, $0xb8;
	[tilespmem:$0x10200] =	vst v63  }
0x33: {  	_ = 	snop  }
0x34: {  	[tilespmem:s11], [sflag:$0x1] =	stream.indirect.gather [hbm4b:s4+s9], $0x80, s9, s9, $0xb8;
	[tilespmem:$0x10200] =	vst v63  }
0x35: {  	_ = 	snop  }
0x36: {  	[tilespmem:s13], [sflag:$0x1] =	stream.indirect.gather [hbm4b:s4+s9], $0x80, s12, s9, $0xb8;
	[tilespmem:$0x10200] =	vst v63  }
0x37: {  	_ = 	snop  }
0x38: {  	[tilespmem:s15], [sflag:$0x1] =	stream.indirect.gather [hbm4b:s4+s9], $0x80, s14, s9, $0xb8;
	[tilespmem:$0x10200] =	vst v63  }
0x39: {  	_ =	swait.ge [sflag:s16], $0x4000  }
0x3a: {  	[sflag:s16] =	ssyncset.done $0x0  }
0x3b: {  	[sflag:s16] =	ssyncadd.s32 $0xFFFFC000  }
0x3c: {  	_ =	swait.ge [sflag:s16], $0x4000  }
0x3d: {  	[sflag:s16] =	ssyncset.done $0x0  }
0x3e: {  	[sflag:s16] =	ssyncadd.s32 $0xFFFFC000  }
0x3f: {  	_ =	swait.ge [sflag:s16], $0x4000  }
.Ltmp0:
0x40: {  	[sflag:s16] =	ssyncset.done $0x0;
	(pc) =	sbr.rel @p0 .LBB2_2-.Ltmp0, $4  }
0x41: {  	s21 =	sadd.s32 s22, s7;
	[sflag:s16] =	ssyncadd.s32 $0xFFFFC000  }
0x42: {  	s22 =	sand.u32 $0x200, s22;
	s21 =	sand.u32 $0x7FC00, s21;
	_ =	swait.ge [sflag:s16], $0x4000  }
0x43: {  	s21 =	sor.u32 s22, s21;
	[sflag:s16] =	ssyncset.done $0x0  }
0x44: {  	s18 =	sadd.s32 $0x2000, s18;
	s21 =	sshrl.u32 s21, $0x3;
	[sflag:s16] =	ssyncadd.s32 $0xFFFFC000  }
0x45: {  	[hbm4b:s20+s2] =	stream.linear.scatter [tilespmem:s10], [sflag:$0x2], $0x10000, $0x38;
	[tilespmem:$0x10200] =	vst v63  }
0x46: {  	_ =	swait.ge [sflag:s8], $0x10000  }
0x47: {  	[sflag:s8] =	ssyncset.done $0x0  }
0x48: {  	s19 =	sadd.s32 s3, s21;
	[sflag:s8] =	ssyncadd.s32 $0xFFFF0000  }
0x49: {  	[tilespmem:s2], [sflag:$0x2] =	stream.linear.gather [hbm4b:s19+s2], $0x200, $0x38;
	[tilespmem:$0x10200] =	vst v63  }
0x4a: {  	_ =	swait.ge [sflag:s8], $0x200  }
0x4b: {  	[sflag:s8] =	ssyncset.done $0x0  }
0x4c: {  	[sflag:s8] =	ssyncadd.s32 $0xFFFFFE00  }
0x4d: {  	[tilespmem:s10], [sflag:$0x1] =	stream.indirect.gather [hbm4b:s4+s9], $0x80, s2, s9, $0xb8;
	[tilespmem:$0x10200] =	vst v63  }
0x4e: {  	_ = 	snop  }
0x4f: {  	[tilespmem:s11], [sflag:$0x1] =	stream.indirect.gather [hbm4b:s4+s9], $0x80, s9, s9, $0xb8;
	[tilespmem:$0x10200] =	vst v63  }
0x50: {  	_ = 	snop  }
0x51: {  	[tilespmem:s13], [sflag:$0x1] =	stream.indirect.gather [hbm4b:s4+s9], $0x80, s12, s9, $0xb8;
	[tilespmem:$0x10200] =	vst v63  }
0x52: {  	_ = 	snop  }
0x53: {  	[tilespmem:s15], [sflag:$0x1] =	stream.indirect.gather [hbm4b:s4+s9], $0x80, s14, s9, $0xb8;
	[tilespmem:$0x10200] =	vst v63  }
0x54: {  	_ =	swait.ge [sflag:s16], $0x4000  }
0x55: {  	[sflag:s16] =	ssyncset.done $0x0  }
0x56: {  	[sflag:s16] =	ssyncadd.s32 $0xFFFFC000  }
0x57: {  	_ =	swait.ge [sflag:s16], $0x4000  }
0x58: {  	[sflag:s16] =	ssyncset.done $0x0  }
0x59: {  	[sflag:s16] =	ssyncadd.s32 $0xFFFFC000  }
0x5a: {  	_ =	swait.ge [sflag:s16], $0x4000  }
0x5b: {  	[sflag:s16] =	ssyncset.done $0x0  }
0x5c: {  	[sflag:s16] =	ssyncadd.s32 $0xFFFFC000  }
0x5d: {  	s17 =	sadd.s32 $0x1, s17;
	_ =	swait.ge [sflag:s16], $0x4000  }
0x5e: {  	p0 =	sne.s32 s17, s5;
	[sflag:s16] =	ssyncset.done $0x0  }
.Ltmp1:
0x5f: {  	[sflag:s16] =	ssyncadd.s32 $0xFFFFC000;
	(pc) =	sbr.rel @p0 .LBB2_1-.Ltmp1, $4  }
0x60: {  	[hbm4b:s18+s2] =	stream.linear.scatter [tilespmem:s10], [sflag:$0x2], $0x10000, $0x38;
	[tilespmem:$0x10200] =	vst v63  }
0x61: {  	_ =	swait.ge [sflag:s8], $0x10000  }
0x62: {  	[sflag:s8] =	ssyncset.done $0x0  }
0x63: {  	[sflag:s8] =	ssyncadd.s32 $0xFFFF0000  }
0x64: {  	_ =	sfence.sel $0x180000  }
0x65: {  	[bflag:$0x0] =	sbarrier.arrive $0xFFFF  }
0x66: {  	p0 =	sne.s32 s1, $0x0;
	_ =	strace $0x9000004D  }
0x67: {  	s0 =	sadd.s32 @!p0 $0x100000, s0;
	[bflag:$0x2] =	sbarrier.arrive $0xFFFF  }
0x68: {  	[sflag:s0] =	ssyncadd.tile.s32 @!p0 $0x1;
	_ =	shalt  }
.Lfunc_end2:
_tile_overlayer_lowered:
.L_overlay_start_2:
0x69: {  	(tag) =	ssettag $0x2  }
0x6a: {  	s0 =	rddreg [dreg:$0x0];
	s2 =	stileid.u32  }
0x6b: {  	s1 =	rddreg [dreg:$0x1];
	p0 =	sne.s32 s2, $0x0  }
0x6c: {  	s3 =	rddreg [dreg:$0x2];
	[bflag:$0x3] =	sbarrier.arrive $0xFFFF;
	s2 =	simm.s32 @!p0 $0x1C02  }
0x6d: {  	[timem:s3], [sflag:s2] =	dma.local @!p0 [hbm:s0], s1  }
0x6e: {  	s0 =	simm.s32 @!p0 $0x2  }
0x6f: {  	_ =	swait.ge @!p0 [sflag:s0], s1  }
0x70: {  	s1 =	ssub.s32 @!p0 $0x0, s1;
	[sflag:s0] =	ssyncset.done @!p0 $0x0  }
0x71: {  	[sflag:s0] =	ssyncadd.s32 @!p0 s1  }
0x72: {  	[bflag:$0x3] =	sbarrier.arrive $0xFFFF  }
0x73: {  	_ =	shalt  }

// kernel: kernel.22.cloned.1.call-start
scs
__scs_entry_jumppad:
0x0: {  	(pc) =	sbr.rel $0x88, $3  }
0x1: {  	(tag) =	ssettag $0x0;
	lr =	simm.s32 $0x1  }
0x2: {  	[smem:$0x3F9D] =	sst lr;
	_ =	strace $0xD0000000  }
0x3: {  	_ = 	snop  }
0x4: {  	_ = 	snop  }
0x5: {  	_ = 	snop  }
0x6: {  	_ = 	snop  }
0x7: {  	_ = 	snop  }
__scs_overlays_trampoline_lowered:
0x8: {  	[smem:$0x3FAC] =	sst s0  }
0x9: {  	[smem:$0x3FAD] =	sst s1  }
0xa: {  	[smem:$0x3FAE] =	sst s2  }
0xb: {  	[smem:$0x3FAF] =	sst s3  }
0xc: {  	[smem:$0x3FB0] =	sst s4  }
0xd: {  	[smem:$0x3FB1] =	sst s5  }
0xe: {  	[smem:$0x3FB2] =	sst s6  }
0xf: {  	[smem:$0x3FB3] =	sst s7  }
0x10: {  	[smem:$0x3FB4] =	sst s8  }
0x11: {  	[smem:$0x3FB5] =	sst s9;
	s0 =	simm.s32 @!p0 $0x0  }
0x12: {  	s1 =	sld [smem:$0x3F9B];
	s0 =	simm.s32 @p0 $0x1  }
0x13: {  	[smem:$0x3FB6] =	sst s0;
	s0 =	simm.s32 @!p1 $0x0  }
0x14: {  	s2 =	sld [smem:$0x3F9A];
	s0 =	simm.s32 @p1 $0x1  }
0x15: {  	[smem:$0x3FB7] =	sst s0;
	s0 =	simm.s32 @!p2 $0x0  }
0x16: {  	s3 =	sld [smem:$0x3FDB];
	s0 =	simm.s32 @p2 $0x1  }
0x17: {  	s4 =	simm.s32 $0x1BF5;
	[smem:$0x3FB9] =	sst s0  }
0x18: {  	s0 =	sld [smem:$0x3F9C];
	_ =	swait.ge [sflag:s4], $0x0  }
0x19: {  	s7 =	sld [smem:$0x3F9D]  }
0x1a: {  	s8 =	sadd.s32 $0xFFFFE003, lr  }
0x1b: {  	s9 =	sadd.s32 $0xFFFFFEF7, lr;
	s5 =	simm.s32 $0xFFFFFFFF;
	p2 =	slt.u32 s8, $0xFFFFF086  }
0x1c: {  	p1 =	slt.u32 s9, $0xF7A;
	s5 =	simm.s32 @!p2 $0x0  }
0x1d: {  	s5 =	simm.s32 @p1 $0x1;
	p0 =	seq.s32 s7, s2  }
0x1e: {  	s7 =	smul.u32 @!p0 $0xF7A, s2;
	p2 =	seq.s32 @!p0 s5, $0x0  }
0x1f: {  	s9 =	smul.u32 $0xF7A, s1;
	s8 =	simm.s32 @!p0 $0x1BF5;
	p2 =	por !p2, p0  }
0x20: {  	[sflag:s8] =	ssyncset.s32 @!p0 $0xFFFFF086;
	s6 =	sadd.s32 @!p0 s3, s7;
	s7 =	simm.s32 @!p0 $0x108  }
0x21: {  	s3 =	sadd.s32 s3, s9;
	s6 =	sadd.s32 @!p0 $0x88, s6;
	s7 =	simm.s32 @p2 $0x1082  }
0x22: {  	[simem:s7], [sflag:s8] =	dma.local @!p0 [hbm:s6], $0xF7A  }
0x23: {  	s9 =	sor.u32 $0xD0000000, s2;
	s6 =	simm.s32 $0x108;
	_ =	swait.ge @!p0 [sflag:s8], $0x0  }
0x24: {  	s3 =	sadd.s32 $0x88, s3;
	s6 =	simm.s32 @!p1 $0x1082;
	[sflag:s4] =	ssyncset.s32 $0xFFFFF086  }
0x25: {  	[simem:s6], [sflag:s4] =	dma.local [hbm:s3], $0xF7A  }
0x26: {  	[smem:$0x3F9D] =	sst s1;
	(tag) =	ssettag s2;
	_ =	strace s9  }
0x27: {  	s1 =	sld [smem:$0x3FAD]  }
0x28: {  	s2 =	sld [smem:$0x3FAE]  }
0x29: {  	s4 =	sld [smem:$0x3FB0]  }
0x2a: {  	p0 =	seq.s32 s5, $0x0;
	s5 =	sld [smem:$0x3FB1]  }
0x2b: {  	s6 =	sld [smem:$0x3FB2]  }
0x2c: {  	s7 =	sld [smem:$0x3FB3]  }
0x2d: {  	s3 =	simm.s32 $0x108;
	s8 =	sld [smem:$0x3FB4]  }
0x2e: {  	s3 =	simm.s32 @!p0 $0x1082;
	s9 =	sld [smem:$0x3FB5]  }
0x2f: {  	lr =	sadd.s32 s0, s3;
	s0 =	sld [smem:$0x3FAC]  }
0x30: {  	s3 =	sld [smem:$0x3FAF]  }
0x31: {  	[smem:$0x3FB8] =	sst s10  }
0x32: {  	s10 =	sld [smem:$0x3FB6];
	_ =	sdelay $0x3  }
0x33: {  	p0 =	seq.s32 s10, $0x1;
	s10 =	sld [smem:$0x3FB8];
	_ =	sdelay $0x3  }
0x34: {  	[smem:$0x3FB8] =	sst s10  }
0x35: {  	s10 =	sld [smem:$0x3FB7];
	_ =	sdelay $0x3  }
0x36: {  	p1 =	seq.s32 s10, $0x1;
	s10 =	sld [smem:$0x3FB8];
	_ =	sdelay $0x3  }
0x37: {  	[smem:$0x3FB8] =	sst s10  }
0x38: {  	s10 =	sld [smem:$0x3FB9]  }
0x39: {  	_ = 	snop;
	(pc) =	sbr.ind lr, $3  }
0x3a: {  	_ = 	snop  }
0x3b: {  	_ = 	snop  }
0x3c: {  	p2 =	seq.s32 s10, $0x1;
	s10 =	sld [smem:$0x3FB8]  }
0x3d: {  	_ =	shalt  }
0x3e: {  	_ =	shalt  }
0x3f: {  	_ =	shalt  }
0x40: {  	_ =	shalt  }
0x41: {  	_ =	shalt  }
0x42: {  	_ =	shalt  }
0x43: {  	_ =	shalt  }
0x44: {  	_ =	shalt  }
0x45: {  	_ =	shalt  }
0x46: {  	_ =	shalt  }
0x47: {  	_ =	shalt  }
0x48: {  	_ =	shalt  }
0x49: {  	_ =	shalt  }
0x4a: {  	_ =	shalt  }
0x4b: {  	_ =	shalt  }
0x4c: {  	_ =	shalt  }
0x4d: {  	_ =	shalt  }
0x4e: {  	_ =	shalt  }
0x4f: {  	_ =	shalt  }
0x50: {  	_ =	shalt  }
0x51: {  	_ =	shalt  }
0x52: {  	_ =	shalt  }
0x53: {  	_ =	shalt  }
0x54: {  	_ =	shalt  }
0x55: {  	_ =	shalt  }
0x56: {  	_ =	shalt  }
0x57: {  	_ =	shalt  }
0x58: {  	_ =	shalt  }
0x59: {  	_ =	shalt  }
0x5a: {  	_ =	shalt  }
0x5b: {  	_ =	shalt  }
0x5c: {  	_ =	shalt  }
0x5d: {  	_ =	shalt  }
0x5e: {  	_ =	shalt  }
0x5f: {  	_ =	shalt  }
0x60: {  	_ =	shalt  }
0x61: {  	_ =	shalt  }
0x62: {  	_ =	shalt  }
0x63: {  	_ =	shalt  }
0x64: {  	_ =	shalt  }
0x65: {  	_ =	shalt  }
0x66: {  	_ =	shalt  }
0x67: {  	_ =	shalt  }
0x68: {  	_ =	shalt  }
0x69: {  	_ =	shalt  }
0x6a: {  	_ =	shalt  }
0x6b: {  	_ =	shalt  }
0x6c: {  	_ =	shalt  }
0x6d: {  	_ =	shalt  }
0x6e: {  	_ =	shalt  }
0x6f: {  	_ =	shalt  }
0x70: {  	_ =	shalt  }
0x71: {  	_ =	shalt  }
0x72: {  	_ =	shalt  }
0x73: {  	_ =	shalt  }
0x74: {  	_ =	shalt  }
0x75: {  	_ =	shalt  }
0x76: {  	_ =	shalt  }
0x77: {  	_ =	shalt  }
0x78: {  	_ =	shalt  }
0x79: {  	_ =	shalt  }
0x7a: {  	_ =	shalt  }
0x7b: {  	_ =	shalt  }
0x7c: {  	_ =	shalt  }
0x7d: {  	_ =	shalt  }
0x7e: {  	_ =	shalt  }
0x7f: {  	_ =	shalt  }
0x80: {  	_ =	shalt  }
0x81: {  	_ =	shalt  }
0x82: {  	_ =	shalt  }
0x83: {  	_ =	shalt  }
0x84: {  	_ =	shalt  }
0x85: {  	_ =	shalt  }
0x86: {  	_ =	shalt  }
0x87: {  	_ =	shalt  }
.Lfunc_end0:
.L_simem_size_0:
called_computation.3_lowered:
.L_overlay_start_0:
0x88: {  	s2 =	sld [smem:$0x3FD9]  }
0x89: {  	s3 =	sld [smem:$0x3FFE];
	_ =	sdelay $0x1  }
0x8a: {  	s1 =	srdreg.scid  }
0x8b: {  	s0 =	sand.u32 $0x1, s1  }
0x8c: {  	s17 =	sshll.u32 s0, $0xA;
	s2 =	sadd.s32 s3, s2  }
0x8d: {  	s2 =	sadd.s32 s2, s17  }
0x8e: {  	[smem:$0x3FC4] =	sst s2  }
0x8f: {  	_ = 	snop  }
0x90: {  	(tm) =	ssettm $0x1  }
0x91: {  	s18 =	sld [smem:$0x3FFB];
	_ =	sdelay $0x3  }
0x92: {  	_ =	strace s18  }
0x93: {  	s2 =	sld [smem:$0x3FFC];
	_ =	sdelay $0x3  }
0x94: {  	_ =	strace s2  }
0x95: {  	s2 =	sld [smem:$0x3FFD];
	_ =	sdelay $0x3  }
0x96: {  	_ =	strace s2  }
0x97: {  	_ =	strace $0x8FFFFFFF  }
0x98: {  	s19 =	sld [smem:$0x3FDB];
	_ =	sdelay $0x1  }
0x99: {  	s20 =	simm.s32 $_scs_section_size  }
0x9a: {  	s4 =	simm.s32 $_size__tile_overlayer_lowered;
	s5 =	simm.s32 $_tile_overlayer_lowered  }
0x9b: {  	s6 =	simm.s32 $0x1BFF;
	s21 =	sshll.u32 s5, $0x1;
	s3 =	sadd.s32 s20, s19  }
0x9c: {  	s22 =	simm.s32 $0x0;
	s4 =	sshll.u32 s4, $0x1;
	s5 =	sadd.s32 s21, s3  }
0x9d: {  	[timem:s22], [sflag:s6] =	dma.local [hbm:s5], s4  }
0x9e: {  	_ =	swait.ge [sflag:s6], s4  }
0x9f: {  	s4 =	ssub.s32 $0x0, s4;
	[sflag:s6] =	ssyncset.done $0x0  }
0xa0: {  	[sflag:s6] =	ssyncadd.s32 s4;
	_ =	sdelay $0x1  }
0xa1: {  	s23 =	simm.s32 $0x1B8B  }
0xa2: {  	_ =	swait.ge [sflag:s23], $0x1  }
0xa3: {  	[sflag:s23] =	ssyncset.done $0x0  }
0xa4: {  	[sflag:s23] =	ssyncadd.s32 $0xFFFFFFFF  }
0xa5: {  	s4 =	sld [smem:$0x0]  }
0xa6: {  	s5 =	sand.u32 $0xFFFFFFFE, s1  }
0xa7: {  	p0 =	sne.s32 s1, s5  }
0xa8: {  	s5 =	sshll.u32 @p0 s5, $0xE  }
0xa9: {  	s5 =	sadd.s32 @p0 $0x11B8D, s5;
	s6 =	sshll.u32 @p0 s4, $0x11  }
0xaa: {  	s5 =	sor.u32 @p0 s6, s5  }
0xab: {  	[sflag:s5] =	ssyncadd.remote.s32 @p0 $0x1;
	_ =	sdelay $0x1  }
0xac: {  	s5 =	simm.s32 @p0 $0x1B8D  }
0xad: {  	_ =	swait.eq @p0 [sflag:s5], $0x1  }
0xae: {  	[sflag:s5] =	ssyncadd.s32 @p0 $0xFFFFFFFF  }
0xaf: {  	s6 =	sshll.u32 @!p0 s1, $0xE  }
0xb0: {  	s6 =	sor.u32 @!p0 $0x4000, s6;
	s5 =	simm.s32 @!p0 $0x1B8D  }
0xb1: {  	s4 =	sshll.u32 @!p0 s4, $0x11;
	s6 =	sadd.s32 @!p0 $0x11B8D, s6;
	_ =	swait.eq @!p0 [sflag:s5], $0x1  }
0xb2: {  	s4 =	sor.u32 @!p0 s4, s6;
	[sflag:s5] =	ssyncadd.s32 @!p0 $0xFFFFFFFF  }
0xb3: {  	s25 =	simm.s32 $0x1B8E;
	s24 =	sld [smem:$0x3FFE];
	[sflag:s4] =	ssyncadd.remote.s32 @!p0 $0x1  }
0xb4: {  	s26 =	simm.s32 $execute0_lowered;
	[smem:$0x3FD2] =	sst s25  }
0xb5: {  	s5 =	sshll.u32 s26, $0x1;
	_ =	strace $0x8000004F;
	[dreg:$0x1] =	wrdreg $0xFFFFFFFF  }
0xb6: {  	s28 =	simm.s32 $_size_execute0_lowered;
	s3 =	sadd.s32 s3, s5;
	[dreg:$0x0] =	wrdreg $0x0  }
0xb7: {  	s5 =	sshll.u32 s28, $0x1;
	[dreg:$0x2] =	wrdreg s3  }
0xb8: {  	[dreg:$0x3] =	wrdreg s5  }
0xb9: {  	[dreg:$0x4] =	wrdreg $0xC0  }
0xba: {  	_ =	task [dreg:s22], $0x5FFFF  }
0xbb: {  	[dreg:$0x1] =	wrdreg $0xFFFFFFFF  }
0xbc: {  	[dreg:$0x0] =	wrdreg $0x60  }
0xbd: {  	[dreg:$0x2] =	wrdreg s24  }
0xbe: {  	[dreg:$0x3] =	wrdreg $0xC  }
0xbf: {  	_ =	task.clear_ibuf [dreg:s22], $0x4FFFF;
	_ =	strace $0x9000004F  }
0xc0: {  	s29 =	simm.s32 $0xC;
	_ =	strace $0x80000051  }
0xc1: {  	_ =	swait.ge [sflag:s29], $0x1  }
0xc2: {  	[sflag:s29] =	ssyncadd.s32 $0xFFFFFFFF  }
0xc3: {  	_ =	strace $0x90000051  }
0xc4: {  	_ =	sfence  }
0xc5: {  	s30 =	sld [smem:$0x0];
	_ =	sdelay $0x2  }
0xc6: {  	s31 =	sshll.u32 s1, $0xD;
	s1 =	sshrl.u32 s1, $0x2  }
0xc7: {  	s4 =	sand.u32 $0x4000, s31;
	s1 =	sadd.s32 s1, s30  }
0xc8: {  	s0 =	sor.u32 s4, s0;
	s1 =	sshll.u32 s1, $0x11  }
0xc9: {  	s0 =	sor.u32 s1, s0  }
0xca: {  	s0 =	sadd.s32 $0x8F2B, s0  }
0xcb: {  	[sflag:s0] =	ssyncadd.remote.s32 $0x1  }
0xcc: {  	_ =	sfence.sel $0xFFFF  }
0xcd: {  	[dreg:$0x0] =	wrdreg $0xFFFFFFFF;
	(pc) =	sbr.abs _section_cstart, $3  }
0xce: {  	[dreg:$0x1] =	wrdreg $0xFFFFFFFF  }
0xcf: {  	_ =	task.clear_ibuf [dreg:s22], $0x2FFFF;
	_ =	strace $0x9FFFFFFF  }
0xd0: {  	(tm) =	ssettm $0x7FFFFFFF  }
0xd1: {  	_ =	shalt  }
tec
execute0_lowered:
.L_overlay_start_1:
0x0: {  	(tag) =	ssettag $0x1  }
0x1: {  	s4 =	rddreg [dreg:$0x0]  }
0x2: {  	s0 =	rddreg [dreg:$0x1]  }
0x3: {  	s2 =	simm.s32 $0x0;
	s1 =	stileid.u32;
	s3 =	srdreg.scid  }
0x4: {  	s12 =	simm.s32 $0x100;
	s13 =	simm.s32 $0x8200;
	s14 =	simm.s32 $0x180  }
0x5: {  	s15 =	simm.s32 $0xC200;
	s16 =	simm.s32 $0x1;
	s5 =	smul.u32 $0x38000, s1  }
0x6: {  	s17 =	simm.s32 $0x0;
	s6 =	sand.u32 $0x1, s3;
	s10 =	smul.u32 $0x3800, s1  }
0x7: {  	[smem:$0x7FF] =	sst s2;
	s3 =	sadd.s32 $0x10E8400, s4;
	s8 =	smul.u32 $0x1C000, s6  }
0x8: {  	_ =	strace $0x80000050;
	s7 =	ssub.s32 $0x2, s6;
	s30 =	smul.u32 $0x1C00, s6  }
0x9: {  	s9 =	sshrl.u32 s7, $0x1;
	s11 =	sadd.s32 s5, s4;
	s4 =	sadd.s32 $0x3000, s4  }
0xa: {  	s29 =	ssub.s32 s7, s9;
	s31 =	sadd.s32 s8, s11;
	s7 =	sadd.s32 s30, s10  }
0xb: {  	s8 =	simm.s32 $0x2;
	s9 =	simm.s32 $0x80;
	s10 =	simm.s32 $0x200  }
0xc: {  	s11 =	simm.s32 $0x4200;
	s5 =	smax.u32 s29, $0x1;
	s6 =	sadd.s32 $0x1476400, s31  }
.LBB2_1:
0xd: {  	s18 =	sadd.s32 $0x0, s7  }
0xe: {  	s19 =	sand.u32 $0x200, s2;
	s18 =	sand.u32 $0x7FC00, s18  }
0xf: {  	s18 =	sor.u32 s19, s18  }
0x10: {  	s18 =	sshrl.u32 s18, $0x3  }
0x11: {  	s18 =	sadd.s32 s3, s18  }
0x12: {  	[tilespmem:s2], [sflag:$0x2] =	stream.linear.gather [hbm4b:s18+s2], $0x200, $0x38;
	[tilespmem:$0x10200] =	vst v63  }
0x13: {  	_ =	swait.ge [sflag:s8], $0x200  }
0x14: {  	[sflag:s8] =	ssyncset.done $0x0  }
0x15: {  	[sflag:s8] =	ssyncadd.s32 $0xFFFFFE00  }
0x16: {  	[tilespmem:s10], [sflag:$0x1] =	stream.indirect.gather [hbm4b:s4+s9], $0x80, s2, s9, $0xb8;
	[tilespmem:$0x10200] =	vst v63  }
0x17: {  	_ = 	snop  }
0x18: {  	[tilespmem:s11], [sflag:$0x1] =	stream.indirect.gather [hbm4b:s4+s9], $0x80, s9, s9, $0xb8;
	[tilespmem:$0x10200] =	vst v63  }
0x19: {  	_ = 	snop  }
0x1a: {  	[tilespmem:s13], [sflag:$0x1] =	stream.indirect.gather [hbm4b:s4+s9], $0x80, s12, s9, $0xb8;
	[tilespmem:$0x10200] =	vst v63  }
0x1b: {  	_ = 	snop  }
0x1c: {  	[tilespmem:s15], [sflag:$0x1] =	stream.indirect.gather [hbm4b:s4+s9], $0x80, s14, s9, $0xb8;
	[tilespmem:$0x10200] =	vst v63  }
0x1d: {  	_ =	swait.ge [sflag:s16], $0x4000  }
0x1e: {  	[sflag:s16] =	ssyncset.done $0x0  }
0x1f: {  	[sflag:s16] =	ssyncadd.s32 $0xFFFFC000  }
0x20: {  	_ =	swait.ge [sflag:s16], $0x4000  }
0x21: {  	[sflag:s16] =	ssyncset.done $0x0  }
0x22: {  	[sflag:s16] =	ssyncadd.s32 $0xFFFFC000  }
0x23: {  	_ =	swait.ge [sflag:s16], $0x4000  }
0x24: {  	s31 =	sadd.s32 $0x200, s7;
	[sflag:s16] =	ssyncset.done $0x0  }
0x25: {  	s30 =	simm.s32 $0x200;
	s20 =	sand.u32 $0x7FC00, s31;
	[sflag:s16] =	ssyncadd.s32 $0xFFFFC000  }
0x26: {  	s19 =	simm.s32 $0x400;
	s18 =	sand.u32 $0x200, s30;
	_ =	swait.ge [sflag:s16], $0x4000  }
0x27: {  	s18 =	sor.u32 s18, s20;
	s20 =	smov.u32 s6;
	[sflag:s16] =	ssyncset.done $0x0  }
0x28: {  	s21 =	sshrl.u32 s18, $0x3;
	s18 =	sadd.s32 $0x2000, s6;
	[sflag:s16] =	ssyncadd.s32 $0xFFFFC000  }
.LBB2_2:
0x29: {  	[hbm4b:s20+s2] =	stream.linear.scatter [tilespmem:s10], [sflag:$0x2], $0x10000, $0x38;
	[tilespmem:$0x10200] =	vst v63  }
0x2a: {  	s22 =	smov.u32 s19;
	s20 =	smov.u32 s18  }
0x2b: {  	p0 =	sne.s32 s19, $0x1A00;
	s19 =	sadd.s32 $0x200, s19;
	_ =	swait.ge [sflag:s8], $0x10000  }
0x2c: {  	[sflag:s8] =	ssyncset.done $0x0  }
0x2d: {  	s21 =	sadd.s32 s3, s21;
	[sflag:s8] =	ssyncadd.s32 $0xFFFF0000  }
0x2e: {  	[tilespmem:s2], [sflag:$0x2] =	stream.linear.gather [hbm4b:s21+s2], $0x200, $0x38;
	[tilespmem:$0x10200] =	vst v63  }
0x2f: {  	_ =	swait.ge [sflag:s8], $0x200  }
0x30: {  	[sflag:s8] =	ssyncset.done $0x0  }
0x31: {  	[sflag:s8] =	ssyncadd.s32 $0xFFFFFE00  }
0x32: {  	[tilespmem:s10], [sflag:$0x1] =	stream.indirect.gather [hbm4b:s4+s9], $0x80, s2, s9, $0xb8;
	[tilespmem:$0x10200] =	vst v63  }
0x33: {  	_ = 	snop  }
0x34: {  	[tilespmem:s11], [sflag:$0x1] =	stream.indirect.gather [hbm4b:s4+s9], $0x80, s9, s9, $0xb8;
	[tilespmem:$0x10200] =	vst v63  }
0x35: {  	_ = 	snop  }
0x36: {  	[tilespmem:s13], [sflag:$0x1] =	stream.indirect.gather [hbm4b:s4+s9], $0x80, s12, s9, $0xb8;
	[tilespmem:$0x10200] =	vst v63  }
0x37: {  	_ = 	snop  }
0x38: {  	[tilespmem:s15], [sflag:$0x1] =	stream.indirect.gather [hbm4b:s4+s9], $0x80, s14, s9, $0xb8;
	[tilespmem:$0x10200] =	vst v63  }
0x39: {  	_ =	swait.ge [sflag:s16], $0x4000  }
0x3a: {  	[sflag:s16] =	ssyncset.done $0x0  }
0x3b: {  	[sflag:s16] =	ssyncadd.s32 $0xFFFFC000  }
0x3c: {  	_ =	swait.ge [sflag:s16], $0x4000  }
0x3d: {  	[sflag:s16] =	ssyncset.done $0x0  }
0x3e: {  	[sflag:s16] =	ssyncadd.s32 $0xFFFFC000  }
0x3f: {  	_ =	swait.ge [sflag:s16], $0x4000  }
.Ltmp0:
0x40: {  	[sflag:s16] =	ssyncset.done $0x0;
	(pc) =	sbr.rel @p0 .LBB2_2-.Ltmp0, $4  }
0x41: {  	s21 =	sadd.s32 s22, s7;
	[sflag:s16] =	ssyncadd.s32 $0xFFFFC000  }
0x42: {  	s22 =	sand.u32 $0x200, s22;
	s21 =	sand.u32 $0x7FC00, s21;
	_ =	swait.ge [sflag:s16], $0x4000  }
0x43: {  	s21 =	sor.u32 s22, s21;
	[sflag:s16] =	ssyncset.done $0x0  }
0x44: {  	s18 =	sadd.s32 $0x2000, s18;
	s21 =	sshrl.u32 s21, $0x3;
	[sflag:s16] =	ssyncadd.s32 $0xFFFFC000  }
0x45: {  	[hbm4b:s20+s2] =	stream.linear.scatter [tilespmem:s10], [sflag:$0x2], $0x10000, $0x38;
	[tilespmem:$0x10200] =	vst v63  }
0x46: {  	_ =	swait.ge [sflag:s8], $0x10000  }
0x47: {  	[sflag:s8] =	ssyncset.done $0x0  }
0x48: {  	s19 =	sadd.s32 s3, s21;
	[sflag:s8] =	ssyncadd.s32 $0xFFFF0000  }
0x49: {  	[tilespmem:s2], [sflag:$0x2] =	stream.linear.gather [hbm4b:s19+s2], $0x200, $0x38;
	[tilespmem:$0x10200] =	vst v63  }
0x4a: {  	_ =	swait.ge [sflag:s8], $0x200  }
0x4b: {  	[sflag:s8] =	ssyncset.done $0x0  }
0x4c: {  	[sflag:s8] =	ssyncadd.s32 $0xFFFFFE00  }
0x4d: {  	[tilespmem:s10], [sflag:$0x1] =	stream.indirect.gather [hbm4b:s4+s9], $0x80, s2, s9, $0xb8;
	[tilespmem:$0x10200] =	vst v63  }
0x4e: {  	_ = 	snop  }
0x4f: {  	[tilespmem:s11], [sflag:$0x1] =	stream.indirect.gather [hbm4b:s4+s9], $0x80, s9, s9, $0xb8;
	[tilespmem:$0x10200] =	vst v63  }
0x50: {  	_ = 	snop  }
0x51: {  	[tilespmem:s13], [sflag:$0x1] =	stream.indirect.gather [hbm4b:s4+s9], $0x80, s12, s9, $0xb8;
	[tilespmem:$0x10200] =	vst v63  }
0x52: {  	_ = 	snop  }
0x53: {  	[tilespmem:s15], [sflag:$0x1] =	stream.indirect.gather [hbm4b:s4+s9], $0x80, s14, s9, $0xb8;
	[tilespmem:$0x10200] =	vst v63  }
0x54: {  	_ =	swait.ge [sflag:s16], $0x4000  }
0x55: {  	[sflag:s16] =	ssyncset.done $0x0  }
0x56: {  	[sflag:s16] =	ssyncadd.s32 $0xFFFFC000  }
0x57: {  	_ =	swait.ge [sflag:s16], $0x4000  }
0x58: {  	[sflag:s16] =	ssyncset.done $0x0  }
0x59: {  	[sflag:s16] =	ssyncadd.s32 $0xFFFFC000  }
0x5a: {  	_ =	swait.ge [sflag:s16], $0x4000  }
0x5b: {  	[sflag:s16] =	ssyncset.done $0x0  }
0x5c: {  	[sflag:s16] =	ssyncadd.s32 $0xFFFFC000  }
0x5d: {  	s17 =	sadd.s32 $0x1, s17;
	_ =	swait.ge [sflag:s16], $0x4000  }
0x5e: {  	p0 =	sne.s32 s17, s5;
	[sflag:s16] =	ssyncset.done $0x0  }
.Ltmp1:
0x5f: {  	[sflag:s16] =	ssyncadd.s32 $0xFFFFC000;
	(pc) =	sbr.rel @p0 .LBB2_1-.Ltmp1, $4  }
0x60: {  	[hbm4b:s18+s2] =	stream.linear.scatter [tilespmem:s10], [sflag:$0x2], $0x10000, $0x38;
	[tilespmem:$0x10200] =	vst v63  }
0x61: {  	_ =	swait.ge [sflag:s8], $0x10000  }
0x62: {  	[sflag:s8] =	ssyncset.done $0x0  }
0x63: {  	[sflag:s8] =	ssyncadd.s32 $0xFFFF0000  }
0x64: {  	_ =	sfence.sel $0x180000  }
0x65: {  	[bflag:$0x0] =	sbarrier.arrive $0xFFFF  }
0x66: {  	p0 =	sne.s32 s1, $0x0;
	_ =	strace $0x90000050  }
0x67: {  	s0 =	sadd.s32 @!p0 $0x100000, s0;
	[bflag:$0x2] =	sbarrier.arrive $0xFFFF  }
0x68: {  	[sflag:s0] =	ssyncadd.tile.s32 @!p0 $0x1;
	_ =	shalt  }
.Lfunc_end2:
_tile_overlayer_lowered:
.L_overlay_start_2:
0x69: {  	(tag) =	ssettag $0x2  }
0x6a: {  	s0 =	rddreg [dreg:$0x0];
	s2 =	stileid.u32  }
0x6b: {  	s1 =	rddreg [dreg:$0x1];
	p0 =	sne.s32 s2, $0x0  }
0x6c: {  	s3 =	rddreg [dreg:$0x2];
	[bflag:$0x3] =	sbarrier.arrive $0xFFFF;
	s2 =	simm.s32 @!p0 $0x1C02  }
0x6d: {  	[timem:s3], [sflag:s2] =	dma.local @!p0 [hbm:s0], s1  }
0x6e: {  	s0 =	simm.s32 @!p0 $0x2  }
0x6f: {  	_ =	swait.ge @!p0 [sflag:s0], s1  }
0x70: {  	s1 =	ssub.s32 @!p0 $0x0, s1;
	[sflag:s0] =	ssyncset.done @!p0 $0x0  }
0x71: {  	[sflag:s0] =	ssyncadd.s32 @!p0 s1  }
0x72: {  	[bflag:$0x3] =	sbarrier.arrive $0xFFFF  }
0x73: {  	_ =	shalt  }

// kernel: kernel.25.cloned.1.call-start
scs
__scs_entry_jumppad:
0x0: {  	(pc) =	sbr.rel $0x88, $3  }
0x1: {  	(tag) =	ssettag $0x0;
	lr =	simm.s32 $0x1  }
0x2: {  	[smem:$0x3F9D] =	sst lr;
	_ =	strace $0xD0000000  }
0x3: {  	_ = 	snop  }
0x4: {  	_ = 	snop  }
0x5: {  	_ = 	snop  }
0x6: {  	_ = 	snop  }
0x7: {  	_ = 	snop  }
__scs_overlays_trampoline_lowered:
0x8: {  	[smem:$0x3FAC] =	sst s0  }
0x9: {  	[smem:$0x3FAD] =	sst s1  }
0xa: {  	[smem:$0x3FAE] =	sst s2  }
0xb: {  	[smem:$0x3FAF] =	sst s3  }
0xc: {  	[smem:$0x3FB0] =	sst s4  }
0xd: {  	[smem:$0x3FB1] =	sst s5  }
0xe: {  	[smem:$0x3FB2] =	sst s6  }
0xf: {  	[smem:$0x3FB3] =	sst s7  }
0x10: {  	[smem:$0x3FB4] =	sst s8  }
0x11: {  	[smem:$0x3FB5] =	sst s9;
	s0 =	simm.s32 @!p0 $0x0  }
0x12: {  	s1 =	sld [smem:$0x3F9B];
	s0 =	simm.s32 @p0 $0x1  }
0x13: {  	[smem:$0x3FB6] =	sst s0;
	s0 =	simm.s32 @!p1 $0x0  }
0x14: {  	s2 =	sld [smem:$0x3F9A];
	s0 =	simm.s32 @p1 $0x1  }
0x15: {  	[smem:$0x3FB7] =	sst s0;
	s0 =	simm.s32 @!p2 $0x0  }
0x16: {  	s3 =	sld [smem:$0x3FDB];
	s0 =	simm.s32 @p2 $0x1  }
0x17: {  	s4 =	simm.s32 $0x1BF5;
	[smem:$0x3FB9] =	sst s0  }
0x18: {  	s0 =	sld [smem:$0x3F9C];
	_ =	swait.ge [sflag:s4], $0x0  }
0x19: {  	s7 =	sld [smem:$0x3F9D]  }
0x1a: {  	s8 =	sadd.s32 $0xFFFFE003, lr  }
0x1b: {  	s9 =	sadd.s32 $0xFFFFFEF7, lr;
	s5 =	simm.s32 $0xFFFFFFFF;
	p2 =	slt.u32 s8, $0xFFFFF086  }
0x1c: {  	p1 =	slt.u32 s9, $0xF7A;
	s5 =	simm.s32 @!p2 $0x0  }
0x1d: {  	s5 =	simm.s32 @p1 $0x1;
	p0 =	seq.s32 s7, s2  }
0x1e: {  	s7 =	smul.u32 @!p0 $0xF7A, s2;
	p2 =	seq.s32 @!p0 s5, $0x0  }
0x1f: {  	s9 =	smul.u32 $0xF7A, s1;
	s8 =	simm.s32 @!p0 $0x1BF5;
	p2 =	por !p2, p0  }
0x20: {  	[sflag:s8] =	ssyncset.s32 @!p0 $0xFFFFF086;
	s6 =	sadd.s32 @!p0 s3, s7;
	s7 =	simm.s32 @!p0 $0x108  }
0x21: {  	s3 =	sadd.s32 s3, s9;
	s6 =	sadd.s32 @!p0 $0x88, s6;
	s7 =	simm.s32 @p2 $0x1082  }
0x22: {  	[simem:s7], [sflag:s8] =	dma.local @!p0 [hbm:s6], $0xF7A  }
0x23: {  	s9 =	sor.u32 $0xD0000000, s2;
	s6 =	simm.s32 $0x108;
	_ =	swait.ge @!p0 [sflag:s8], $0x0  }
0x24: {  	s3 =	sadd.s32 $0x88, s3;
	s6 =	simm.s32 @!p1 $0x1082;
	[sflag:s4] =	ssyncset.s32 $0xFFFFF086  }
0x25: {  	[simem:s6], [sflag:s4] =	dma.local [hbm:s3], $0xF7A  }
0x26: {  	[smem:$0x3F9D] =	sst s1;
	(tag) =	ssettag s2;
	_ =	strace s9  }
0x27: {  	s1 =	sld [smem:$0x3FAD]  }
0x28: {  	s2 =	sld [smem:$0x3FAE]  }
0x29: {  	s4 =	sld [smem:$0x3FB0]  }
0x2a: {  	p0 =	seq.s32 s5, $0x0;
	s5 =	sld [smem:$0x3FB1]  }
0x2b: {  	s6 =	sld [smem:$0x3FB2]  }
0x2c: {  	s7 =	sld [smem:$0x3FB3]  }
0x2d: {  	s3 =	simm.s32 $0x108;
	s8 =	sld [smem:$0x3FB4]  }
0x2e: {  	s3 =	simm.s32 @!p0 $0x1082;
	s9 =	sld [smem:$0x3FB5]  }
0x2f: {  	lr =	sadd.s32 s0, s3;
	s0 =	sld [smem:$0x3FAC]  }
0x30: {  	s3 =	sld [smem:$0x3FAF]  }
0x31: {  	[smem:$0x3FB8] =	sst s10  }
0x32: {  	s10 =	sld [smem:$0x3FB6];
	_ =	sdelay $0x3  }
0x33: {  	p0 =	seq.s32 s10, $0x1;
	s10 =	sld [smem:$0x3FB8];
	_ =	sdelay $0x3  }
0x34: {  	[smem:$0x3FB8] =	sst s10  }
0x35: {  	s10 =	sld [smem:$0x3FB7];
	_ =	sdelay $0x3  }
0x36: {  	p1 =	seq.s32 s10, $0x1;
	s10 =	sld [smem:$0x3FB8];
	_ =	sdelay $0x3  }
0x37: {  	[smem:$0x3FB8] =	sst s10  }
0x38: {  	s10 =	sld [smem:$0x3FB9]  }
0x39: {  	_ = 	snop;
	(pc) =	sbr.ind lr, $3  }
0x3a: {  	_ = 	snop  }
0x3b: {  	_ = 	snop  }
0x3c: {  	p2 =	seq.s32 s10, $0x1;
	s10 =	sld [smem:$0x3FB8]  }
0x3d: {  	_ =	shalt  }
0x3e: {  	_ =	shalt  }
0x3f: {  	_ =	shalt  }
0x40: {  	_ =	shalt  }
0x41: {  	_ =	shalt  }
0x42: {  	_ =	shalt  }
0x43: {  	_ =	shalt  }
0x44: {  	_ =	shalt  }
0x45: {  	_ =	shalt  }
0x46: {  	_ =	shalt  }
0x47: {  	_ =	shalt  }
0x48: {  	_ =	shalt  }
0x49: {  	_ =	shalt  }
0x4a: {  	_ =	shalt  }
0x4b: {  	_ =	shalt  }
0x4c: {  	_ =	shalt  }
0x4d: {  	_ =	shalt  }
0x4e: {  	_ =	shalt  }
0x4f: {  	_ =	shalt  }
0x50: {  	_ =	shalt  }
0x51: {  	_ =	shalt  }
0x52: {  	_ =	shalt  }
0x53: {  	_ =	shalt  }
0x54: {  	_ =	shalt  }
0x55: {  	_ =	shalt  }
0x56: {  	_ =	shalt  }
0x57: {  	_ =	shalt  }
0x58: {  	_ =	shalt  }
0x59: {  	_ =	shalt  }
0x5a: {  	_ =	shalt  }
0x5b: {  	_ =	shalt  }
0x5c: {  	_ =	shalt  }
0x5d: {  	_ =	shalt  }
0x5e: {  	_ =	shalt  }
0x5f: {  	_ =	shalt  }
0x60: {  	_ =	shalt  }
0x61: {  	_ =	shalt  }
0x62: {  	_ =	shalt  }
0x63: {  	_ =	shalt  }
0x64: {  	_ =	shalt  }
0x65: {  	_ =	shalt  }
0x66: {  	_ =	shalt  }
0x67: {  	_ =	shalt  }
0x68: {  	_ =	shalt  }
0x69: {  	_ =	shalt  }
0x6a: {  	_ =	shalt  }
0x6b: {  	_ =	shalt  }
0x6c: {  	_ =	shalt  }
0x6d: {  	_ =	shalt  }
0x6e: {  	_ =	shalt  }
0x6f: {  	_ =	shalt  }
0x70: {  	_ =	shalt  }
0x71: {  	_ =	shalt  }
0x72: {  	_ =	shalt  }
0x73: {  	_ =	shalt  }
0x74: {  	_ =	shalt  }
0x75: {  	_ =	shalt  }
0x76: {  	_ =	shalt  }
0x77: {  	_ =	shalt  }
0x78: {  	_ =	shalt  }
0x79: {  	_ =	shalt  }
0x7a: {  	_ =	shalt  }
0x7b: {  	_ =	shalt  }
0x7c: {  	_ =	shalt  }
0x7d: {  	_ =	shalt  }
0x7e: {  	_ =	shalt  }
0x7f: {  	_ =	shalt  }
0x80: {  	_ =	shalt  }
0x81: {  	_ =	shalt  }
0x82: {  	_ =	shalt  }
0x83: {  	_ =	shalt  }
0x84: {  	_ =	shalt  }
0x85: {  	_ =	shalt  }
0x86: {  	_ =	shalt  }
0x87: {  	_ =	shalt  }
.Lfunc_end0:
.L_simem_size_0:
called_computation.4_lowered:
.L_overlay_start_0:
0x88: {  	s2 =	sld [smem:$0x3FD9]  }
0x89: {  	s3 =	sld [smem:$0x3FFE];
	_ =	sdelay $0x1  }
0x8a: {  	s1 =	srdreg.scid  }
0x8b: {  	s0 =	sand.u32 $0x1, s1  }
0x8c: {  	s17 =	sshll.u32 s0, $0xA;
	s2 =	sadd.s32 s3, s2  }
0x8d: {  	s2 =	sadd.s32 s2, s17  }
0x8e: {  	[smem:$0x3FC4] =	sst s2  }
0x8f: {  	_ = 	snop  }
0x90: {  	(tm) =	ssettm $0x1  }
0x91: {  	s18 =	sld [smem:$0x3FFB];
	_ =	sdelay $0x3  }
0x92: {  	_ =	strace s18  }
0x93: {  	s2 =	sld [smem:$0x3FFC];
	_ =	sdelay $0x3  }
0x94: {  	_ =	strace s2  }
0x95: {  	s2 =	sld [smem:$0x3FFD];
	_ =	sdelay $0x3  }
0x96: {  	_ =	strace s2  }
0x97: {  	_ =	strace $0x8FFFFFFF  }
0x98: {  	s19 =	sld [smem:$0x3FDB];
	_ =	sdelay $0x1  }
0x99: {  	s20 =	simm.s32 $_scs_section_size  }
0x9a: {  	s4 =	simm.s32 $_size__tile_overlayer_lowered;
	s5 =	simm.s32 $_tile_overlayer_lowered  }
0x9b: {  	s6 =	simm.s32 $0x1BFF;
	s21 =	sshll.u32 s5, $0x1;
	s3 =	sadd.s32 s20, s19  }
0x9c: {  	s22 =	simm.s32 $0x0;
	s4 =	sshll.u32 s4, $0x1;
	s5 =	sadd.s32 s21, s3  }
0x9d: {  	[timem:s22], [sflag:s6] =	dma.local [hbm:s5], s4  }
0x9e: {  	_ =	swait.ge [sflag:s6], s4  }
0x9f: {  	s4 =	ssub.s32 $0x0, s4;
	[sflag:s6] =	ssyncset.done $0x0  }
0xa0: {  	[sflag:s6] =	ssyncadd.s32 s4;
	_ =	sdelay $0x1  }
0xa1: {  	s23 =	simm.s32 $0x1B8B  }
0xa2: {  	_ =	swait.ge [sflag:s23], $0x1  }
0xa3: {  	[sflag:s23] =	ssyncset.done $0x0  }
0xa4: {  	[sflag:s23] =	ssyncadd.s32 $0xFFFFFFFF  }
0xa5: {  	s4 =	sld [smem:$0x0]  }
0xa6: {  	s5 =	sand.u32 $0xFFFFFFFE, s1  }
0xa7: {  	p0 =	sne.s32 s1, s5  }
0xa8: {  	s5 =	sshll.u32 @p0 s5, $0xE  }
0xa9: {  	s5 =	sadd.s32 @p0 $0x11B8D, s5;
	s6 =	sshll.u32 @p0 s4, $0x11  }
0xaa: {  	s5 =	sor.u32 @p0 s6, s5  }
0xab: {  	[sflag:s5] =	ssyncadd.remote.s32 @p0 $0x1;
	_ =	sdelay $0x1  }
0xac: {  	s5 =	simm.s32 @p0 $0x1B8D  }
0xad: {  	_ =	swait.eq @p0 [sflag:s5], $0x1  }
0xae: {  	[sflag:s5] =	ssyncadd.s32 @p0 $0xFFFFFFFF  }
0xaf: {  	s6 =	sshll.u32 @!p0 s1, $0xE  }
0xb0: {  	s6 =	sor.u32 @!p0 $0x4000, s6;
	s5 =	simm.s32 @!p0 $0x1B8D  }
0xb1: {  	s4 =	sshll.u32 @!p0 s4, $0x11;
	s6 =	sadd.s32 @!p0 $0x11B8D, s6;
	_ =	swait.eq @!p0 [sflag:s5], $0x1  }
0xb2: {  	s4 =	sor.u32 @!p0 s4, s6;
	[sflag:s5] =	ssyncadd.s32 @!p0 $0xFFFFFFFF  }
0xb3: {  	s25 =	simm.s32 $0x1B8E;
	s24 =	sld [smem:$0x3FFE];
	[sflag:s4] =	ssyncadd.remote.s32 @!p0 $0x1  }
0xb4: {  	s26 =	simm.s32 $execute0_lowered;
	[smem:$0x3FD2] =	sst s25  }
0xb5: {  	s5 =	sshll.u32 s26, $0x1;
	_ =	strace $0x80000052;
	[dreg:$0x1] =	wrdreg $0xFFFFFFFF  }
0xb6: {  	s28 =	simm.s32 $_size_execute0_lowered;
	s3 =	sadd.s32 s3, s5;
	[dreg:$0x0] =	wrdreg $0x0  }
0xb7: {  	s5 =	sshll.u32 s28, $0x1;
	[dreg:$0x2] =	wrdreg s3  }
0xb8: {  	[dreg:$0x3] =	wrdreg s5  }
0xb9: {  	[dreg:$0x4] =	wrdreg $0xC0  }
0xba: {  	_ =	task [dreg:s22], $0x5FFFF  }
0xbb: {  	[dreg:$0x1] =	wrdreg $0xFFFFFFFF  }
0xbc: {  	[dreg:$0x0] =	wrdreg $0x60  }
0xbd: {  	[dreg:$0x2] =	wrdreg s24  }
0xbe: {  	[dreg:$0x3] =	wrdreg $0xD  }
0xbf: {  	_ =	task.clear_ibuf [dreg:s22], $0x4FFFF;
	_ =	strace $0x90000052  }
0xc0: {  	s29 =	simm.s32 $0xD;
	_ =	strace $0x80000054  }
0xc1: {  	_ =	swait.ge [sflag:s29], $0x1  }
0xc2: {  	[sflag:s29] =	ssyncadd.s32 $0xFFFFFFFF  }
0xc3: {  	_ =	strace $0x90000054  }
0xc4: {  	_ =	sfence  }
0xc5: {  	s30 =	sld [smem:$0x0];
	_ =	sdelay $0x2  }
0xc6: {  	s31 =	sshll.u32 s1, $0xD;
	s1 =	sshrl.u32 s1, $0x2  }
0xc7: {  	s4 =	sand.u32 $0x4000, s31;
	s1 =	sadd.s32 s1, s30  }
0xc8: {  	s0 =	sor.u32 s4, s0;
	s1 =	sshll.u32 s1, $0x11  }
0xc9: {  	s0 =	sor.u32 s1, s0  }
0xca: {  	s0 =	sadd.s32 $0x8F2B, s0  }
0xcb: {  	[sflag:s0] =	ssyncadd.remote.s32 $0x1  }
0xcc: {  	_ =	sfence.sel $0xFFFF  }
0xcd: {  	[dreg:$0x0] =	wrdreg $0xFFFFFFFF;
	(pc) =	sbr.abs _section_cstart, $3  }
0xce: {  	[dreg:$0x1] =	wrdreg $0xFFFFFFFF  }
0xcf: {  	_ =	task.clear_ibuf [dreg:s22], $0x2FFFF;
	_ =	strace $0x9FFFFFFF  }
0xd0: {  	(tm) =	ssettm $0x7FFFFFFF  }
0xd1: {  	_ =	shalt  }
tec
execute0_lowered:
.L_overlay_start_1:
0x0: {  	(tag) =	ssettag $0x1  }
0x1: {  	s4 =	rddreg [dreg:$0x0]  }
0x2: {  	s0 =	rddreg [dreg:$0x1]  }
0x3: {  	s2 =	simm.s32 $0x0;
	s1 =	stileid.u32;
	s3 =	srdreg.scid  }
0x4: {  	s12 =	simm.s32 $0x100;
	s13 =	simm.s32 $0x8200;
	s14 =	simm.s32 $0x180  }
0x5: {  	s15 =	simm.s32 $0xC200;
	s16 =	simm.s32 $0x1;
	s5 =	smul.u32 $0x38000, s1  }
0x6: {  	s17 =	simm.s32 $0x0;
	s6 =	sand.u32 $0x1, s3;
	s10 =	smul.u32 $0x3800, s1  }
0x7: {  	[smem:$0x7FF] =	sst s2;
	s3 =	sadd.s32 $0x10EF400, s4;
	s8 =	smul.u32 $0x1C000, s6  }
0x8: {  	_ =	strace $0x80000053;
	s7 =	ssub.s32 $0x2, s6;
	s30 =	smul.u32 $0x1C00, s6  }
0x9: {  	s9 =	sshrl.u32 s7, $0x1;
	s11 =	sadd.s32 s5, s4;
	s4 =	sadd.s32 $0x3000, s4  }
0xa: {  	s29 =	ssub.s32 s7, s9;
	s31 =	sadd.s32 s8, s11;
	s7 =	sadd.s32 s30, s10  }
0xb: {  	s8 =	simm.s32 $0x2;
	s9 =	simm.s32 $0x80;
	s10 =	simm.s32 $0x200  }
0xc: {  	s11 =	simm.s32 $0x4200;
	s5 =	smax.u32 s29, $0x1;
	s6 =	sadd.s32 $0x17F6400, s31  }
.LBB2_1:
0xd: {  	s18 =	sadd.s32 $0x0, s7  }
0xe: {  	s19 =	sand.u32 $0x200, s2;
	s18 =	sand.u32 $0x7FC00, s18  }
0xf: {  	s18 =	sor.u32 s19, s18  }
0x10: {  	s18 =	sshrl.u32 s18, $0x3  }
0x11: {  	s18 =	sadd.s32 s3, s18  }
0x12: {  	[tilespmem:s2], [sflag:$0x2] =	stream.linear.gather [hbm4b:s18+s2], $0x200, $0x38;
	[tilespmem:$0x10200] =	vst v63  }
0x13: {  	_ =	swait.ge [sflag:s8], $0x200  }
0x14: {  	[sflag:s8] =	ssyncset.done $0x0  }
0x15: {  	[sflag:s8] =	ssyncadd.s32 $0xFFFFFE00  }
0x16: {  	[tilespmem:s10], [sflag:$0x1] =	stream.indirect.gather [hbm4b:s4+s9], $0x80, s2, s9, $0xb8;
	[tilespmem:$0x10200] =	vst v63  }
0x17: {  	_ = 	snop  }
0x18: {  	[tilespmem:s11], [sflag:$0x1] =	stream.indirect.gather [hbm4b:s4+s9], $0x80, s9, s9, $0xb8;
	[tilespmem:$0x10200] =	vst v63  }
0x19: {  	_ = 	snop  }
0x1a: {  	[tilespmem:s13], [sflag:$0x1] =	stream.indirect.gather [hbm4b:s4+s9], $0x80, s12, s9, $0xb8;
	[tilespmem:$0x10200] =	vst v63  }
0x1b: {  	_ = 	snop  }
0x1c: {  	[tilespmem:s15], [sflag:$0x1] =	stream.indirect.gather [hbm4b:s4+s9], $0x80, s14, s9, $0xb8;
	[tilespmem:$0x10200] =	vst v63  }
0x1d: {  	_ =	swait.ge [sflag:s16], $0x4000  }
0x1e: {  	[sflag:s16] =	ssyncset.done $0x0  }
0x1f: {  	[sflag:s16] =	ssyncadd.s32 $0xFFFFC000  }
0x20: {  	_ =	swait.ge [sflag:s16], $0x4000  }
0x21: {  	[sflag:s16] =	ssyncset.done $0x0  }
0x22: {  	[sflag:s16] =	ssyncadd.s32 $0xFFFFC000  }
0x23: {  	_ =	swait.ge [sflag:s16], $0x4000  }
0x24: {  	s31 =	sadd.s32 $0x200, s7;
	[sflag:s16] =	ssyncset.done $0x0  }
0x25: {  	s30 =	simm.s32 $0x200;
	s20 =	sand.u32 $0x7FC00, s31;
	[sflag:s16] =	ssyncadd.s32 $0xFFFFC000  }
0x26: {  	s19 =	simm.s32 $0x400;
	s18 =	sand.u32 $0x200, s30;
	_ =	swait.ge [sflag:s16], $0x4000  }
0x27: {  	s18 =	sor.u32 s18, s20;
	s20 =	smov.u32 s6;
	[sflag:s16] =	ssyncset.done $0x0  }
0x28: {  	s21 =	sshrl.u32 s18, $0x3;
	s18 =	sadd.s32 $0x2000, s6;
	[sflag:s16] =	ssyncadd.s32 $0xFFFFC000  }
.LBB2_2:
0x29: {  	[hbm4b:s20+s2] =	stream.linear.scatter [tilespmem:s10], [sflag:$0x2], $0x10000, $0x38;
	[tilespmem:$0x10200] =	vst v63  }
0x2a: {  	s22 =	smov.u32 s19;
	s20 =	smov.u32 s18  }
0x2b: {  	p0 =	sne.s32 s19, $0x1A00;
	s19 =	sadd.s32 $0x200, s19;
	_ =	swait.ge [sflag:s8], $0x10000  }
0x2c: {  	[sflag:s8] =	ssyncset.done $0x0  }
0x2d: {  	s21 =	sadd.s32 s3, s21;
	[sflag:s8] =	ssyncadd.s32 $0xFFFF0000  }
0x2e: {  	[tilespmem:s2], [sflag:$0x2] =	stream.linear.gather [hbm4b:s21+s2], $0x200, $0x38;
	[tilespmem:$0x10200] =	vst v63  }
0x2f: {  	_ =	swait.ge [sflag:s8], $0x200  }
0x30: {  	[sflag:s8] =	ssyncset.done $0x0  }
0x31: {  	[sflag:s8] =	ssyncadd.s32 $0xFFFFFE00  }
0x32: {  	[tilespmem:s10], [sflag:$0x1] =	stream.indirect.gather [hbm4b:s4+s9], $0x80, s2, s9, $0xb8;
	[tilespmem:$0x10200] =	vst v63  }
0x33: {  	_ = 	snop  }
0x34: {  	[tilespmem:s11], [sflag:$0x1] =	stream.indirect.gather [hbm4b:s4+s9], $0x80, s9, s9, $0xb8;
	[tilespmem:$0x10200] =	vst v63  }
0x35: {  	_ = 	snop  }
0x36: {  	[tilespmem:s13], [sflag:$0x1] =	stream.indirect.gather [hbm4b:s4+s9], $0x80, s12, s9, $0xb8;
	[tilespmem:$0x10200] =	vst v63  }
0x37: {  	_ = 	snop  }
0x38: {  	[tilespmem:s15], [sflag:$0x1] =	stream.indirect.gather [hbm4b:s4+s9], $0x80, s14, s9, $0xb8;
	[tilespmem:$0x10200] =	vst v63  }
0x39: {  	_ =	swait.ge [sflag:s16], $0x4000  }
0x3a: {  	[sflag:s16] =	ssyncset.done $0x0  }
0x3b: {  	[sflag:s16] =	ssyncadd.s32 $0xFFFFC000  }
0x3c: {  	_ =	swait.ge [sflag:s16], $0x4000  }
0x3d: {  	[sflag:s16] =	ssyncset.done $0x0  }
0x3e: {  	[sflag:s16] =	ssyncadd.s32 $0xFFFFC000  }
0x3f: {  	_ =	swait.ge [sflag:s16], $0x4000  }
.Ltmp0:
0x40: {  	[sflag:s16] =	ssyncset.done $0x0;
	(pc) =	sbr.rel @p0 .LBB2_2-.Ltmp0, $4  }
0x41: {  	s21 =	sadd.s32 s22, s7;
	[sflag:s16] =	ssyncadd.s32 $0xFFFFC000  }
0x42: {  	s22 =	sand.u32 $0x200, s22;
	s21 =	sand.u32 $0x7FC00, s21;
	_ =	swait.ge [sflag:s16], $0x4000  }
0x43: {  	s21 =	sor.u32 s22, s21;
	[sflag:s16] =	ssyncset.done $0x0  }
0x44: {  	s18 =	sadd.s32 $0x2000, s18;
	s21 =	sshrl.u32 s21, $0x3;
	[sflag:s16] =	ssyncadd.s32 $0xFFFFC000  }
0x45: {  	[hbm4b:s20+s2] =	stream.linear.scatter [tilespmem:s10], [sflag:$0x2], $0x10000, $0x38;
	[tilespmem:$0x10200] =	vst v63  }
0x46: {  	_ =	swait.ge [sflag:s8], $0x10000  }
0x47: {  	[sflag:s8] =	ssyncset.done $0x0  }
0x48: {  	s19 =	sadd.s32 s3, s21;
	[sflag:s8] =	ssyncadd.s32 $0xFFFF0000  }
0x49: {  	[tilespmem:s2], [sflag:$0x2] =	stream.linear.gather [hbm4b:s19+s2], $0x200, $0x38;
	[tilespmem:$0x10200] =	vst v63  }
0x4a: {  	_ =	swait.ge [sflag:s8], $0x200  }
0x4b: {  	[sflag:s8] =	ssyncset.done $0x0  }
0x4c: {  	[sflag:s8] =	ssyncadd.s32 $0xFFFFFE00  }
0x4d: {  	[tilespmem:s10], [sflag:$0x1] =	stream.indirect.gather [hbm4b:s4+s9], $0x80, s2, s9, $0xb8;
	[tilespmem:$0x10200] =	vst v63  }
0x4e: {  	_ = 	snop  }
0x4f: {  	[tilespmem:s11], [sflag:$0x1] =	stream.indirect.gather [hbm4b:s4+s9], $0x80, s9, s9, $0xb8;
	[tilespmem:$0x10200] =	vst v63  }
0x50: {  	_ = 	snop  }
0x51: {  	[tilespmem:s13], [sflag:$0x1] =	stream.indirect.gather [hbm4b:s4+s9], $0x80, s12, s9, $0xb8;
	[tilespmem:$0x10200] =	vst v63  }
0x52: {  	_ = 	snop  }
0x53: {  	[tilespmem:s15], [sflag:$0x1] =	stream.indirect.gather [hbm4b:s4+s9], $0x80, s14, s9, $0xb8;
	[tilespmem:$0x10200] =	vst v63  }
0x54: {  	_ =	swait.ge [sflag:s16], $0x4000  }
0x55: {  	[sflag:s16] =	ssyncset.done $0x0  }
0x56: {  	[sflag:s16] =	ssyncadd.s32 $0xFFFFC000  }
0x57: {  	_ =	swait.ge [sflag:s16], $0x4000  }
0x58: {  	[sflag:s16] =	ssyncset.done $0x0  }
0x59: {  	[sflag:s16] =	ssyncadd.s32 $0xFFFFC000  }
0x5a: {  	_ =	swait.ge [sflag:s16], $0x4000  }
0x5b: {  	[sflag:s16] =	ssyncset.done $0x0  }
0x5c: {  	[sflag:s16] =	ssyncadd.s32 $0xFFFFC000  }
0x5d: {  	s17 =	sadd.s32 $0x1, s17;
	_ =	swait.ge [sflag:s16], $0x4000  }
0x5e: {  	p0 =	sne.s32 s17, s5;
	[sflag:s16] =	ssyncset.done $0x0  }
.Ltmp1:
0x5f: {  	[sflag:s16] =	ssyncadd.s32 $0xFFFFC000;
	(pc) =	sbr.rel @p0 .LBB2_1-.Ltmp1, $4  }
0x60: {  	[hbm4b:s18+s2] =	stream.linear.scatter [tilespmem:s10], [sflag:$0x2], $0x10000, $0x38;
	[tilespmem:$0x10200] =	vst v63  }
0x61: {  	_ =	swait.ge [sflag:s8], $0x10000  }
0x62: {  	[sflag:s8] =	ssyncset.done $0x0  }
0x63: {  	[sflag:s8] =	ssyncadd.s32 $0xFFFF0000  }
0x64: {  	_ =	sfence.sel $0x180000  }
0x65: {  	[bflag:$0x0] =	sbarrier.arrive $0xFFFF  }
0x66: {  	p0 =	sne.s32 s1, $0x0;
	_ =	strace $0x90000053  }
0x67: {  	s0 =	sadd.s32 @!p0 $0x100000, s0;
	[bflag:$0x2] =	sbarrier.arrive $0xFFFF  }
0x68: {  	[sflag:s0] =	ssyncadd.tile.s32 @!p0 $0x1;
	_ =	shalt  }
.Lfunc_end2:
_tile_overlayer_lowered:
.L_overlay_start_2:
0x69: {  	(tag) =	ssettag $0x2  }
0x6a: {  	s0 =	rddreg [dreg:$0x0];
	s2 =	stileid.u32  }
0x6b: {  	s1 =	rddreg [dreg:$0x1];
	p0 =	sne.s32 s2, $0x0  }
0x6c: {  	s3 =	rddreg [dreg:$0x2];
	[bflag:$0x3] =	sbarrier.arrive $0xFFFF;
	s2 =	simm.s32 @!p0 $0x1C02  }
0x6d: {  	[timem:s3], [sflag:s2] =	dma.local @!p0 [hbm:s0], s1  }
0x6e: {  	s0 =	simm.s32 @!p0 $0x2  }
0x6f: {  	_ =	swait.ge @!p0 [sflag:s0], s1  }
0x70: {  	s1 =	ssub.s32 @!p0 $0x0, s1;
	[sflag:s0] =	ssyncset.done @!p0 $0x0  }
0x71: {  	[sflag:s0] =	ssyncadd.s32 @!p0 s1  }
0x72: {  	[bflag:$0x3] =	sbarrier.arrive $0xFFFF  }
0x73: {  	_ =	shalt  }

</sc_bundles>
